<compile_context>
chip_gen: v7x
topology: tpu7x:2x2x1
jax: 0.10.2.dev20260603
libtpu: 0.0.44.dev20260713+nightly
codegen_flags: <defaults>
</compile_context>

<pallas_src>
import functools

import jax
import jax.numpy as jnp
from jax import lax
from jax.experimental import pallas as pl
from jax.experimental.pallas import tpu as pltpu
from jax.experimental.pallas import tpu_sc as plsc

N = 10000
E = 320000
HID = 128
DCAT = 64
NCLS = 2

NC = 2
NS = 16
CHUNK = 128
NCHT = 158
NCH0 = 103
NCH1 = NCHT - NCH0
NCH_MAX = max(NCH0, NCH1)
NPAD = 10240
RPT = NPAD // NS

BN = 5000
GRID = N // BN



def _segsum_body(m_hbm, src_hbm, dst_hbm, zeros_hbm, out_hbm,
                 src_v, didx, rows0, rows1, agg_sh,
                 semr0, semr1, semd0, semd1):
    c = lax.axis_index("c")
    s = lax.axis_index("s")
    nch = jnp.where(c == 0, NCH0, NCH1)
    npairs = (nch - 1) // 2

    pltpu.sync_copy(src_hbm.at[s].at[c], src_v)

    @pl.when(s == 0)
    def _():
        pltpu.sync_copy(zeros_hbm, agg_sh)

    plsc.subcore_barrier()

    dst_t = dst_hbm.at[s].at[c]

    pltpu.async_copy(dst_t.at[pl.ds(0, 1)], didx.at[pl.ds(0, 1)], semd0)
    pltpu.async_copy(m_hbm.at[src_v.at[0]], rows0, semr0)
    pltpu.async_copy(dst_t.at[pl.ds(1, 1)], didx.at[pl.ds(1, 1)], semd1)
    pltpu.async_copy(m_hbm.at[src_v.at[1]], rows1, semr1)

    @pl.loop(0, npairs)
    def _(p):
        j0 = 2 * p

        pltpu.make_async_copy(m_hbm.at[src_v.at[j0]], rows0, semr0).wait()
        pltpu.make_async_copy(dst_t.at[pl.ds(j0, 1)], didx.at[pl.ds(0, 1)], semd0).wait()
        pltpu.sync_copy(rows0, agg_sh.at[didx.at[0]], add=True)
        pltpu.async_copy(dst_t.at[pl.ds(j0 + 2, 1)], didx.at[pl.ds(0, 1)], semd0)
        pltpu.async_copy(m_hbm.at[src_v.at[j0 + 2]], rows0, semr0)

        pltpu.make_async_copy(m_hbm.at[src_v.at[j0 + 1]], rows1, semr1).wait()
        pltpu.make_async_copy(dst_t.at[pl.ds(j0 + 1, 1)], didx.at[pl.ds(1, 1)], semd1).wait()
        pltpu.sync_copy(rows1, agg_sh.at[didx.at[1]], add=True)

        @pl.when(p < npairs - 1)
        def _():
            pltpu.async_copy(dst_t.at[pl.ds(j0 + 3, 1)], didx.at[pl.ds(1, 1)], semd1)
            pltpu.async_copy(m_hbm.at[src_v.at[j0 + 3]], rows1, semr1)

    pltpu.make_async_copy(m_hbm.at[src_v.at[nch - 1]], rows0, semr0).wait()
    pltpu.make_async_copy(dst_t.at[pl.ds(nch - 1, 1)], didx.at[pl.ds(0, 1)], semd0).wait()
    pltpu.sync_copy(rows0, agg_sh.at[didx.at[0]], add=True)

    plsc.subcore_barrier()

    pltpu.sync_copy(agg_sh.at[pl.ds(s * RPT, RPT)],
                    out_hbm.at[c].at[pl.ds(s * RPT, RPT)])


_segsum = functools.partial(
    pl.kernel,
    out_type=jax.ShapeDtypeStruct((NC, NPAD, HID), jnp.float32),
    mesh=plsc.VectorSubcoreMesh(core_axis_name="c", subcore_axis_name="s"),
    scratch_types=[
        pltpu.VMEM((NCH_MAX, CHUNK), jnp.int32),
        pltpu.VMEM((2, CHUNK), jnp.int32),
        pltpu.VMEM((CHUNK, HID), jnp.float32),
        pltpu.VMEM((CHUNK, HID), jnp.float32),
        pltpu.VMEM_SHARED((NPAD, HID), jnp.float32),
        pltpu.SemaphoreType.DMA,
        pltpu.SemaphoreType.DMA,
        pltpu.SemaphoreType.DMA,
        pltpu.SemaphoreType.DMA,
    ],
)(_segsum_body)



def _enc_body(xc_ref, xs_ref, wpt_ref, bp_ref, wst_ref, bs_ref, wg_ref,
              h_ref, m_ref):
    xc = jnp.dot(xc_ref[...], wpt_ref[...],
                 preferred_element_type=jnp.float32) + bp_ref[...]
    xs = jnp.dot(xs_ref[...], wst_ref[...],
                 preferred_element_type=jnp.float32) + bs_ref[...]
    h = jnp.concatenate([xc, xs], axis=1)
    h_ref[...] = h
    m_ref[...] = jnp.dot(h, wg_ref[...], preferred_element_type=jnp.float32)


def _gru(agg, h, wih, whh, bih, bhh):
    gi = jnp.dot(agg, wih, preferred_element_type=jnp.float32) + bih
    gh = jnp.dot(h, whh, preferred_element_type=jnp.float32) + bhh
    r = jax.nn.sigmoid(gi[:, :HID] + gh[:, :HID])
    z = jax.nn.sigmoid(gi[:, HID:2 * HID] + gh[:, HID:2 * HID])
    n = jnp.tanh(gi[:, 2 * HID:] + r * gh[:, 2 * HID:])
    return (1.0 - z) * n + z * h


def _gru_m_body(agg2_ref, h_ref, wih_ref, whh_ref, bih_ref, bhh_ref, wg_ref,
                hn_ref, m_ref):
    agg = agg2_ref[0] + agg2_ref[1]
    hn = _gru(agg, h_ref[...], wih_ref[...], whh_ref[...],
              bih_ref[...], bhh_ref[...])
    hn_ref[...] = hn
    m_ref[...] = jnp.dot(hn, wg_ref[...], preferred_element_type=jnp.float32)


def _gru_out_body(agg2_ref, h_ref, wih_ref, whh_ref, bih_ref, bhh_ref,
                  wout_ref, bout_ref, out_ref):
    agg = agg2_ref[0] + agg2_ref[1]
    hn = _gru(agg, h_ref[...], wih_ref[...], whh_ref[...],
              bih_ref[...], bhh_ref[...])
    hr = jnp.maximum(hn, 0.0)
    out_ref[...] = jnp.dot(hr, wout_ref[...],
                           preferred_element_type=jnp.float32) + bout_ref[...]


def _row_spec(last):
    return pl.BlockSpec((BN, last), lambda i: (i, 0))


def _full_spec(shape):
    return pl.BlockSpec(shape, lambda i: tuple(0 for _ in shape))


def _agg_spec():
    return pl.BlockSpec((NC, BN, HID), lambda i: (0, i, 0))



def kernel(x_content, x_style, edge_index, edge_type, W_post, b_post,
           W_style, b_style, Wg, W_ih, W_hh, b_ih, b_hh, W_out, b_out):
    del edge_type

    pad = NS * NCHT * CHUNK - E
    pad_dst = N + jnp.arange(pad, dtype=jnp.int32) % (NPAD - N)
    src = jnp.concatenate([edge_index[0], jnp.zeros((pad,), jnp.int32)])
    dst = jnp.concatenate([edge_index[1], pad_dst])
    def _split(a):
        a = a.reshape(NS, NCHT, CHUNK)
        a0 = jnp.pad(a[:, :NCH0], ((0, 0), (0, NCH_MAX - NCH0), (0, 0)))
        a1 = jnp.pad(a[:, NCH0:], ((0, 0), (0, NCH_MAX - NCH1), (0, 0)))
        return jnp.stack([a0, a1], axis=1)
    src = _split(src)
    dst = _split(dst)
    zeros = jnp.zeros((NPAD, HID), jnp.float32)

    wpt = W_post.T
    wst = W_style.T
    wih = W_ih.T
    whh = W_hh.T
    wout = W_out.T
    bp = b_post.reshape(1, DCAT)
    bs = b_style.reshape(1, DCAT)
    bih = b_ih.reshape(1, 3 * HID)
    bhh = b_hh.reshape(1, 3 * HID)
    bout = b_out.reshape(1, NCLS)

    h, m = pl.pallas_call(
        _enc_body,
        grid=(GRID,),
        in_specs=[_row_spec(HID), _row_spec(HID),
                  _full_spec((HID, DCAT)), _full_spec((1, DCAT)),
                  _full_spec((HID, DCAT)), _full_spec((1, DCAT)),
                  _full_spec((HID, HID))],
        out_specs=[_row_spec(HID), _row_spec(HID)],
        out_shape=[jax.ShapeDtypeStruct((N, HID), jnp.float32),
                   jax.ShapeDtypeStruct((N, HID), jnp.float32)],
    )(x_content, x_style, wpt, bp, wst, bs, Wg[0])

    agg2 = _segsum(m, src, dst, zeros)
    h, m = pl.pallas_call(
        _gru_m_body,
        grid=(GRID,),
        in_specs=[_agg_spec(), _row_spec(HID),
                  _full_spec((HID, 3 * HID)), _full_spec((HID, 3 * HID)),
                  _full_spec((1, 3 * HID)), _full_spec((1, 3 * HID)),
                  _full_spec((HID, HID))],
        out_specs=[_row_spec(HID), _row_spec(HID)],
        out_shape=[jax.ShapeDtypeStruct((N, HID), jnp.float32),
                   jax.ShapeDtypeStruct((N, HID), jnp.float32)],
    )(agg2, h, wih, whh, bih, bhh, Wg[1])

    agg2 = _segsum(m, src, dst, zeros)
    out = pl.pallas_call(
        _gru_out_body,
        grid=(GRID,),
        in_specs=[_agg_spec(), _row_spec(HID),
                  _full_spec((HID, 3 * HID)), _full_spec((HID, 3 * HID)),
                  _full_spec((1, 3 * HID)), _full_spec((1, 3 * HID)),
                  _full_spec((HID, NCLS)), _full_spec((1, NCLS))],
        out_specs=_row_spec(NCLS),
        out_shape=jax.ShapeDtypeStruct((N, NCLS), jnp.float32),
    )(agg2, h, wih, whh, bih, bhh, wout, bout)

    return out

# --- scband reference (transcript-rebuilt; emitter-appended) ---
"""Pipeline reference for scband-fake-news-model-gated-1408749273892 (READ-ONLY COPY).

The authoritative reference and input builder live on the scoring server;
editing this copy changes nothing except your own understanding.
"""

import jax, jax.numpy as jnp
import numpy as np

N = 10000
E = 320000
D_CONTENT = 128
D_STYLE = 128
D_CAT = 64
HID = 128
NCLS = 2
NLAYERS = 2


def setup_inputs(seed: int = 0) -> dict:
    key = jax.random.key(seed)
    ks = jax.random.split(key, 16)
    x_content = jax.random.normal(ks[0], (N, D_CONTENT), dtype=jnp.float32)
    x_style = jax.random.normal(ks[1], (N, D_STYLE), dtype=jnp.float32)
    edge_index = jax.random.randint(ks[2], (2, E), 0, N, dtype=jnp.int32)
    edge_type = jax.random.randint(ks[3], (E,), 0, 4, dtype=jnp.int32)
    s = 0.05
    W_post = s * jax.random.normal(ks[4], (D_CAT, D_CONTENT), dtype=jnp.float32)
    b_post = s * jax.random.normal(ks[5], (D_CAT,), dtype=jnp.float32)
    W_style = s * jax.random.normal(ks[6], (D_CAT, D_STYLE), dtype=jnp.float32)
    b_style = s * jax.random.normal(ks[7], (D_CAT,), dtype=jnp.float32)
    Wg = s * jax.random.normal(ks[8], (NLAYERS, HID, HID), dtype=jnp.float32)
    W_ih = s * jax.random.normal(ks[9], (3 * HID, HID), dtype=jnp.float32)
    W_hh = s * jax.random.normal(ks[10], (3 * HID, HID), dtype=jnp.float32)
    b_ih = s * jax.random.normal(ks[11], (3 * HID,), dtype=jnp.float32)
    b_hh = s * jax.random.normal(ks[12], (3 * HID,), dtype=jnp.float32)
    W_out = s * jax.random.normal(ks[13], (NCLS, HID), dtype=jnp.float32)
    b_out = s * jax.random.normal(ks[14], (NCLS,), dtype=jnp.float32)
    return {
        "x_content": x_content,
        "x_style": x_style,
        "edge_index": edge_index,
        "edge_type": edge_type,
        "W_post": W_post,
        "b_post": b_post,
        "W_style": W_style,
        "b_style": b_style,
        "Wg": Wg,
        "W_ih": W_ih,
        "W_hh": W_hh,
        "b_ih": b_ih,
        "b_hh": b_hh,
        "W_out": W_out,
        "b_out": b_out,
    }


def _gru_cell(m, h, W_ih, W_hh, b_ih, b_hh):
    gi = m @ W_ih.T + b_ih
    gh = h @ W_hh.T + b_hh
    i_r, i_z, i_n = jnp.split(gi, 3, axis=1)
    h_r, h_z, h_n = jnp.split(gh, 3, axis=1)
    r = jax.nn.sigmoid(i_r + h_r)
    z = jax.nn.sigmoid(i_z + h_z)
    n = jnp.tanh(i_n + r * h_n)
    return (1.0 - z) * n + z * h


def reference(x_content, x_style, edge_index, edge_type, W_post, b_post, W_style, b_style, Wg, W_ih, W_hh, b_ih, b_hh, W_out, b_out):
    # post_enc / style_enc linear layers
    xc = x_content @ W_post.T + b_post
    xs = x_style @ W_style.T + b_style
    # concat -> [N, 2*D_CAT] == HID, so GatedGraphConv does no zero-padding
    h = jnp.concatenate([xc, xs], axis=1)
    src = edge_index[0]
    dst = edge_index[1]
    for i in range(NLAYERS):
        m = h @ Wg[i]
        # message = m[src], sum-aggregated at dst
        agg = jax.ops.segment_sum(m[src], dst, num_segments=N)
        h = _gru_cell(agg, h, W_ih, W_hh, b_ih, b_hh)
    h = jax.nn.relu(h)
    # dropout p=0.4 is identity in eval mode
    out = h @ W_out.T + b_out
    return out

if __name__ == "__main__":
    import jax
    _d = setup_inputs()
    print(jax.jit(kernel)(*tuple(_d.values())))

</pallas_src>

<mosaic_0001>
#map = affine_map<(d0, d1) -> (0, 0)>
#map1 = affine_map<(d0, d1) -> (0, 0, 0, 0)>
#map2 = affine_map<(d0, d1) -> (0, 0, 0)>
module attributes {stable_mosaic.version = 14 : i64} {
  func.func @_segsum_body(%arg0: i32, %arg1: i32, %arg2: memref<10000x128xf32, #tpu.memory_space<hbm>>, %arg3: memref<16x2x103x128xi32, #tpu.memory_space<hbm>>, %arg4: memref<16x2x103x128xi32, #tpu.memory_space<hbm>>, %arg5: memref<10240x128xf32, #tpu.memory_space<hbm>>, %arg6: memref<2x10240x128xf32, #tpu.memory_space<hbm>>, %arg7: memref<103x128xi32, #tpu.memory_space<vmem>>, %arg8: memref<2x128xi32, #tpu.memory_space<vmem>>, %arg9: memref<128x128xf32, #tpu.memory_space<vmem>>, %arg10: memref<128x128xf32, #tpu.memory_space<vmem>>, %arg11: memref<10240x128xf32, #tpu.memory_space<vmem_shared>>, %arg12: memref<!tpu.dma_semaphore, #tpu.memory_space<semaphore_mem>>, %arg13: memref<!tpu.dma_semaphore, #tpu.memory_space<semaphore_mem>>, %arg14: memref<!tpu.dma_semaphore, #tpu.memory_space<semaphore_mem>>, %arg15: memref<!tpu.dma_semaphore, #tpu.memory_space<semaphore_mem>>) attributes {dimension_semantics = [#tpu.dimension_semantics<core_parallel>, #tpu.dimension_semantics<subcore_parallel>], iteration_bounds = array<i64: 2, 16>, scalar_prefetch = 0 : i64, scratch_operands = 9 : i64, tpu.core_type = #tpu.core_type<sc_vector_subcore>, window_params = [{transform_indices = #map}, {transform_indices = #map1}, {transform_indices = #map1}, {transform_indices = #map}, {transform_indices = #map2}]} {
    %eq3A = arith.constant 0 : i32
    %eq3A_0 = arith.cmpi eq, %arg0, %eq3A : i32
    %jit3A = arith.constant 103 : i32
    %jit3A_1 = arith.constant 55 : i32
    %select_n3A = arith.select %eq3A_0, %jit3A, %jit3A_1 : i32
    %sub3A = arith.constant 1 : i32
    %sub3A_2 = arith.subi %select_n3A, %sub3A : i32
    %jit3A_3 = arith.constant 2 : i32
    %div3A = arith.divsi %sub3A_2, %jit3A_3 : i32
    %sign3A = arith.constant 0 : i32
    %sign3A_4 = arith.cmpi sgt, %sub3A_2, %sign3A : i32
    %sign3A_5 = arith.extui %sign3A_4 : i1 to i32
    %sign3A_6 = arith.constant 0 : i32
    %sign3A_7 = arith.cmpi slt, %sub3A_2, %sign3A_6 : i32
    %sign3A_8 = arith.extui %sign3A_7 : i1 to i32
    %sign3A_9 = arith.subi %sign3A_5, %sign3A_8 : i32
    %sign3A_10 = arith.constant 0 : i32
    %sign3A_11 = arith.cmpi sgt, %jit3A_3, %sign3A_10 : i32
    %sign3A_12 = arith.extui %sign3A_11 : i1 to i32
    %sign3A_13 = arith.constant 0 : i32
    %sign3A_14 = arith.cmpi slt, %jit3A_3, %sign3A_13 : i32
    %sign3A_15 = arith.extui %sign3A_14 : i1 to i32
    %sign3A_16 = arith.subi %sign3A_12, %sign3A_15 : i32
    %ne3A = arith.cmpi ne, %sign3A_9, %sign3A_16 : i32
    %rem3A = arith.remsi %sub3A_2, %jit3A_3 : i32
    %ne3A_17 = arith.constant 0 : i32
    %ne3A_18 = arith.cmpi ne, %rem3A, %ne3A_17 : i32
    %and3A = arith.andi %ne3A, %ne3A_18 : i1
    %sub3A_19 = arith.constant 1 : i32
    %sub3A_20 = arith.subi %div3A, %sub3A_19 : i32
    %select_n3A_21 = arith.select %and3A, %sub3A_20, %div3A : i32
    "tpu.region"() ({
      %run_scoped3A_156 = tpu.sem_alloc : memref<!tpu.dma_semaphore, #tpu.memory_space<semaphore_mem>>
      %dma_start3A_157 = arith.constant 0 : i32
      %dma_start3A_158 = arith.constant 0 : i32
      %dma_start3A_159 = arith.constant 0 : i32
      %dma_start3A_160 = tpu.memref_slice %arg3[%arg1, %dma_start3A_157, %dma_start3A_158, %dma_start3A_159] : memref<16x2x103x128xi32, #tpu.memory_space<hbm>> -> memref<1x2x103x128xi32, #tpu.memory_space<hbm>>
      %dma_start3A_161 = tpu.memref_squeeze %dma_start3A_160 : memref<1x2x103x128xi32, #tpu.memory_space<hbm>> -> memref<2x103x128xi32, #tpu.memory_space<hbm>>
      %dma_start3A_162 = arith.constant 0 : i32
      %dma_start3A_163 = arith.constant 0 : i32
      %dma_start3A_164 = tpu.memref_slice %dma_start3A_161[%arg0, %dma_start3A_162, %dma_start3A_163] : memref<2x103x128xi32, #tpu.memory_space<hbm>> -> memref<1x103x128xi32, #tpu.memory_space<hbm>>
      %dma_start3A_165 = tpu.memref_squeeze %dma_start3A_164 : memref<1x103x128xi32, #tpu.memory_space<hbm>> -> memref<103x128xi32, #tpu.memory_space<hbm>>
      %dma_start3A_166 = arith.constant 0 : i32
      %dma_start3A_167 = arith.constant 0 : i32
      %dma_start3A_168 = arith.constant 0 : i32
      %dma_start3A_169 = tpu.memref_slice %arg3[%arg1, %dma_start3A_166, %dma_start3A_167, %dma_start3A_168] : memref<16x2x103x128xi32, #tpu.memory_space<hbm>> -> memref<1x2x103x128xi32, #tpu.memory_space<hbm>>
      %dma_start3A_170 = tpu.memref_squeeze %dma_start3A_169 : memref<1x2x103x128xi32, #tpu.memory_space<hbm>> -> memref<2x103x128xi32, #tpu.memory_space<hbm>>
      %dma_start3A_171 = arith.constant 0 : i32
      %dma_start3A_172 = arith.constant 0 : i32
      %dma_start3A_173 = tpu.memref_slice %dma_start3A_170[%arg0, %dma_start3A_171, %dma_start3A_172] : memref<2x103x128xi32, #tpu.memory_space<hbm>> -> memref<1x103x128xi32, #tpu.memory_space<hbm>>
      %dma_start3A_174 = tpu.memref_squeeze %dma_start3A_173 : memref<1x103x128xi32, #tpu.memory_space<hbm>> -> memref<103x128xi32, #tpu.memory_space<hbm>>
      tpu.enqueue_dma source(%dma_start3A_174 : memref<103x128xi32, #tpu.memory_space<hbm>>) target(%arg7 : memref<103x128xi32, #tpu.memory_space<vmem>>) target_semaphore(%run_scoped3A_156 : memref<!tpu.dma_semaphore, #tpu.memory_space<semaphore_mem>>)
      %dma_wait3A_175 = arith.constant 0 : i32
      %dma_wait3A_176 = arith.constant 0 : i32
      %dma_wait3A_177 = arith.constant 0 : i32
      %dma_wait3A_178 = tpu.memref_slice %arg3[%arg1, %dma_wait3A_175, %dma_wait3A_176, %dma_wait3A_177] : memref<16x2x103x128xi32, #tpu.memory_space<hbm>> -> memref<1x2x103x128xi32, #tpu.memory_space<hbm>>
      %dma_wait3A_179 = tpu.memref_squeeze %dma_wait3A_178 : memref<1x2x103x128xi32, #tpu.memory_space<hbm>> -> memref<2x103x128xi32, #tpu.memory_space<hbm>>
      %dma_wait3A_180 = arith.constant 0 : i32
      %dma_wait3A_181 = arith.constant 0 : i32
      %dma_wait3A_182 = tpu.memref_slice %dma_wait3A_179[%arg0, %dma_wait3A_180, %dma_wait3A_181] : memref<2x103x128xi32, #tpu.memory_space<hbm>> -> memref<1x103x128xi32, #tpu.memory_space<hbm>>
      %dma_wait3A_183 = tpu.memref_squeeze %dma_wait3A_182 : memref<1x103x128xi32, #tpu.memory_space<hbm>> -> memref<103x128xi32, #tpu.memory_space<hbm>>
      %dma_wait3A_184 = arith.constant 0 : i32
      %dma_wait3A_185 = arith.constant 0 : i32
      %dma_wait3A_186 = arith.constant 0 : i32
      %dma_wait3A_187 = tpu.memref_slice %arg3[%arg1, %dma_wait3A_184, %dma_wait3A_185, %dma_wait3A_186] : memref<16x2x103x128xi32, #tpu.memory_space<hbm>> -> memref<1x2x103x128xi32, #tpu.memory_space<hbm>>
      %dma_wait3A_188 = tpu.memref_squeeze %dma_wait3A_187 : memref<1x2x103x128xi32, #tpu.memory_space<hbm>> -> memref<2x103x128xi32, #tpu.memory_space<hbm>>
      %dma_wait3A_189 = arith.constant 0 : i32
      %dma_wait3A_190 = arith.constant 0 : i32
      %dma_wait3A_191 = tpu.memref_slice %dma_wait3A_188[%arg0, %dma_wait3A_189, %dma_wait3A_190] : memref<2x103x128xi32, #tpu.memory_space<hbm>> -> memref<1x103x128xi32, #tpu.memory_space<hbm>>
      %dma_wait3A_192 = tpu.memref_squeeze %dma_wait3A_191 : memref<1x103x128xi32, #tpu.memory_space<hbm>> -> memref<103x128xi32, #tpu.memory_space<hbm>>
      tpu.wait_dma2 semaphore(%run_scoped3A_156 : memref<!tpu.dma_semaphore, #tpu.memory_space<semaphore_mem>>) src(%dma_wait3A_192 : memref<103x128xi32, #tpu.memory_space<hbm>>) dst(%arg7 : memref<103x128xi32, #tpu.memory_space<vmem>>)
      tpu.yield
    }) : () -> ()
    %eq3A_22 = arith.constant 0 : i32
    %eq3A_23 = arith.cmpi eq, %arg1, %eq3A_22 : i32
    %convert_element_type3A = arith.extui %eq3A_23 : i1 to i32
    %cond3A = arith.constant 0 : i32
    %cond3A_24 = arith.cmpi ne, %convert_element_type3A, %cond3A : i32
    scf.if %cond3A_24 {
      "tpu.region"() ({
        %run_scoped3A_156 = tpu.sem_alloc : memref<!tpu.dma_semaphore, #tpu.memory_space<semaphore_mem>>
        tpu.enqueue_dma source(%arg5 : memref<10240x128xf32, #tpu.memory_space<hbm>>) target(%arg11 : memref<10240x128xf32, #tpu.memory_space<vmem_shared>>) target_semaphore(%run_scoped3A_156 : memref<!tpu.dma_semaphore, #tpu.memory_space<semaphore_mem>>)
        tpu.wait_dma2 semaphore(%run_scoped3A_156 : memref<!tpu.dma_semaphore, #tpu.memory_space<semaphore_mem>>) src(%arg5 : memref<10240x128xf32, #tpu.memory_space<hbm>>) dst(%arg11 : memref<10240x128xf32, #tpu.memory_space<vmem_shared>>)
        tpu.yield
      }) : () -> ()
    } else {
    }
    %barrier3A = arith.constant 0 : index
    tpu.barrier barrier_id(%barrier3A)
    %dma_start3A = arith.constant 0 : i32
    %dma_start3A_25 = arith.constant 0 : i32
    %dma_start3A_26 = tpu.memref_slice %arg8[%dma_start3A, %dma_start3A_25] : memref<2x128xi32, #tpu.memory_space<vmem>> -> memref<1x128xi32, #tpu.memory_space<vmem>>
    %dma_start3A_27 = arith.constant 0 : i32
    %dma_start3A_28 = arith.constant 0 : i32
    %dma_start3A_29 = arith.constant 0 : i32
    %dma_start3A_30 = tpu.memref_slice %arg4[%arg1, %dma_start3A_27, %dma_start3A_28, %dma_start3A_29] : memref<16x2x103x128xi32, #tpu.memory_space<hbm>> -> memref<1x2x103x128xi32, #tpu.memory_space<hbm>>
    %dma_start3A_31 = tpu.memref_squeeze %dma_start3A_30 : memref<1x2x103x128xi32, #tpu.memory_space<hbm>> -> memref<2x103x128xi32, #tpu.memory_space<hbm>>
    %dma_start3A_32 = arith.constant 0 : i32
    %dma_start3A_33 = arith.constant 0 : i32
    %dma_start3A_34 = tpu.memref_slice %dma_start3A_31[%arg0, %dma_start3A_32, %dma_start3A_33] : memref<2x103x128xi32, #tpu.memory_space<hbm>> -> memref<1x103x128xi32, #tpu.memory_space<hbm>>
    %dma_start3A_35 = tpu.memref_squeeze %dma_start3A_34 : memref<1x103x128xi32, #tpu.memory_space<hbm>> -> memref<103x128xi32, #tpu.memory_space<hbm>>
    %dma_start3A_36 = arith.constant 0 : i32
    %dma_start3A_37 = arith.constant 0 : i32
    %dma_start3A_38 = tpu.memref_slice %dma_start3A_35[%dma_start3A_36, %dma_start3A_37] : memref<103x128xi32, #tpu.memory_space<hbm>> -> memref<1x128xi32, #tpu.memory_space<hbm>>
    %dma_start3A_39 = arith.constant 0 : i32
    %dma_start3A_40 = arith.constant 0 : i32
    %dma_start3A_41 = tpu.memref_slice %arg8[%dma_start3A_39, %dma_start3A_40] : memref<2x128xi32, #tpu.memory_space<vmem>> -> memref<1x128xi32, #tpu.memory_space<vmem>>
    %dma_start3A_42 = arith.constant 0 : i32
    %dma_start3A_43 = arith.constant 0 : i32
    %dma_start3A_44 = arith.constant 0 : i32
    %dma_start3A_45 = tpu.memref_slice %arg4[%arg1, %dma_start3A_42, %dma_start3A_43, %dma_start3A_44] : memref<16x2x103x128xi32, #tpu.memory_space<hbm>> -> memref<1x2x103x128xi32, #tpu.memory_space<hbm>>
    %dma_start3A_46 = tpu.memref_squeeze %dma_start3A_45 : memref<1x2x103x128xi32, #tpu.memory_space<hbm>> -> memref<2x103x128xi32, #tpu.memory_space<hbm>>
    %dma_start3A_47 = arith.constant 0 : i32
    %dma_start3A_48 = arith.constant 0 : i32
    %dma_start3A_49 = tpu.memref_slice %dma_start3A_46[%arg0, %dma_start3A_47, %dma_start3A_48] : memref<2x103x128xi32, #tpu.memory_space<hbm>> -> memref<1x103x128xi32, #tpu.memory_space<hbm>>
    %dma_start3A_50 = tpu.memref_squeeze %dma_start3A_49 : memref<1x103x128xi32, #tpu.memory_space<hbm>> -> memref<103x128xi32, #tpu.memory_space<hbm>>
    %dma_start3A_51 = arith.constant 0 : i32
    %dma_start3A_52 = arith.constant 0 : i32
    %dma_start3A_53 = tpu.memref_slice %dma_start3A_50[%dma_start3A_51, %dma_start3A_52] : memref<103x128xi32, #tpu.memory_space<hbm>> -> memref<1x128xi32, #tpu.memory_space<hbm>>
    tpu.enqueue_dma source(%dma_start3A_53 : memref<1x128xi32, #tpu.memory_space<hbm>>) target(%dma_start3A_41 : memref<1x128xi32, #tpu.memory_space<vmem>>) target_semaphore(%arg14 : memref<!tpu.dma_semaphore, #tpu.memory_space<semaphore_mem>>)
    %dma_start3A_54 = arith.constant 0 : i32
    %dma_start3A_55 = arith.constant 0 : i32
    %dma_start3A_56 = tpu.memref_slice %arg7[%dma_start3A_54, %dma_start3A_55] : memref<103x128xi32, #tpu.memory_space<vmem>> -> memref<1x128xi32, #tpu.memory_space<vmem>>
    %dma_start3A_57 = tpu.memref_squeeze %dma_start3A_56 : memref<1x128xi32, #tpu.memory_space<vmem>> -> memref<128xi32, #tpu.memory_space<vmem>>
    %dma_start3A_58 = arith.constant 0 : i32
    %dma_start3A_59 = arith.constant 0 : i32
    %dma_start3A_60 = tpu.memref_slice %arg2[%dma_start3A_58, %dma_start3A_59] : memref<10000x128xf32, #tpu.memory_space<hbm>> -> memref<10000x128xf32, #tpu.memory_space<hbm>>
    tpu.enqueue_indirect_dma source(%dma_start3A_60 : memref<10000x128xf32, #tpu.memory_space<hbm>>) target(%arg9 : memref<128x128xf32, #tpu.memory_space<vmem>>) offsets(%dma_start3A_57 : memref<128xi32, #tpu.memory_space<vmem>>) semaphore(%arg12 : memref<!tpu.dma_semaphore, #tpu.memory_space<semaphore_mem>>)
    %dma_start3A_61 = arith.constant 1 : i32
    %dma_start3A_62 = arith.constant 0 : i32
    %dma_start3A_63 = tpu.memref_slice %arg8[%dma_start3A_61, %dma_start3A_62] : memref<2x128xi32, #tpu.memory_space<vmem>> -> memref<1x128xi32, #tpu.memory_space<vmem>>
    %dma_start3A_64 = arith.constant 0 : i32
    %dma_start3A_65 = arith.constant 0 : i32
    %dma_start3A_66 = arith.constant 0 : i32
    %dma_start3A_67 = tpu.memref_slice %arg4[%arg1, %dma_start3A_64, %dma_start3A_65, %dma_start3A_66] : memref<16x2x103x128xi32, #tpu.memory_space<hbm>> -> memref<1x2x103x128xi32, #tpu.memory_space<hbm>>
    %dma_start3A_68 = tpu.memref_squeeze %dma_start3A_67 : memref<1x2x103x128xi32, #tpu.memory_space<hbm>> -> memref<2x103x128xi32, #tpu.memory_space<hbm>>
    %dma_start3A_69 = arith.constant 0 : i32
    %dma_start3A_70 = arith.constant 0 : i32
    %dma_start3A_71 = tpu.memref_slice %dma_start3A_68[%arg0, %dma_start3A_69, %dma_start3A_70] : memref<2x103x128xi32, #tpu.memory_space<hbm>> -> memref<1x103x128xi32, #tpu.memory_space<hbm>>
    %dma_start3A_72 = tpu.memref_squeeze %dma_start3A_71 : memref<1x103x128xi32, #tpu.memory_space<hbm>> -> memref<103x128xi32, #tpu.memory_space<hbm>>
    %dma_start3A_73 = arith.constant 1 : i32
    %dma_start3A_74 = arith.constant 0 : i32
    %dma_start3A_75 = tpu.memref_slice %dma_start3A_72[%dma_start3A_73, %dma_start3A_74] : memref<103x128xi32, #tpu.memory_space<hbm>> -> memref<1x128xi32, #tpu.memory_space<hbm>>
    %dma_start3A_76 = arith.constant 1 : i32
    %dma_start3A_77 = arith.constant 0 : i32
    %dma_start3A_78 = tpu.memref_slice %arg8[%dma_start3A_76, %dma_start3A_77] : memref<2x128xi32, #tpu.memory_space<vmem>> -> memref<1x128xi32, #tpu.memory_space<vmem>>
    %dma_start3A_79 = arith.constant 0 : i32
    %dma_start3A_80 = arith.constant 0 : i32
    %dma_start3A_81 = arith.constant 0 : i32
    %dma_start3A_82 = tpu.memref_slice %arg4[%arg1, %dma_start3A_79, %dma_start3A_80, %dma_start3A_81] : memref<16x2x103x128xi32, #tpu.memory_space<hbm>> -> memref<1x2x103x128xi32, #tpu.memory_space<hbm>>
    %dma_start3A_83 = tpu.memref_squeeze %dma_start3A_82 : memref<1x2x103x128xi32, #tpu.memory_space<hbm>> -> memref<2x103x128xi32, #tpu.memory_space<hbm>>
    %dma_start3A_84 = arith.constant 0 : i32
    %dma_start3A_85 = arith.constant 0 : i32
    %dma_start3A_86 = tpu.memref_slice %dma_start3A_83[%arg0, %dma_start3A_84, %dma_start3A_85] : memref<2x103x128xi32, #tpu.memory_space<hbm>> -> memref<1x103x128xi32, #tpu.memory_space<hbm>>
    %dma_start3A_87 = tpu.memref_squeeze %dma_start3A_86 : memref<1x103x128xi32, #tpu.memory_space<hbm>> -> memref<103x128xi32, #tpu.memory_space<hbm>>
    %dma_start3A_88 = arith.constant 1 : i32
    %dma_start3A_89 = arith.constant 0 : i32
    %dma_start3A_90 = tpu.memref_slice %dma_start3A_87[%dma_start3A_88, %dma_start3A_89] : memref<103x128xi32, #tpu.memory_space<hbm>> -> memref<1x128xi32, #tpu.memory_space<hbm>>
    tpu.enqueue_dma source(%dma_start3A_90 : memref<1x128xi32, #tpu.memory_space<hbm>>) target(%dma_start3A_78 : memref<1x128xi32, #tpu.memory_space<vmem>>) target_semaphore(%arg15 : memref<!tpu.dma_semaphore, #tpu.memory_space<semaphore_mem>>)
    %dma_start3A_91 = arith.constant 1 : i32
    %dma_start3A_92 = arith.constant 0 : i32
    %dma_start3A_93 = tpu.memref_slice %arg7[%dma_start3A_91, %dma_start3A_92] : memref<103x128xi32, #tpu.memory_space<vmem>> -> memref<1x128xi32, #tpu.memory_space<vmem>>
    %dma_start3A_94 = tpu.memref_squeeze %dma_start3A_93 : memref<1x128xi32, #tpu.memory_space<vmem>> -> memref<128xi32, #tpu.memory_space<vmem>>
    %dma_start3A_95 = arith.constant 0 : i32
    %dma_start3A_96 = arith.constant 0 : i32
    %dma_start3A_97 = tpu.memref_slice %arg2[%dma_start3A_95, %dma_start3A_96] : memref<10000x128xf32, #tpu.memory_space<hbm>> -> memref<10000x128xf32, #tpu.memory_space<hbm>>
    tpu.enqueue_indirect_dma source(%dma_start3A_97 : memref<10000x128xf32, #tpu.memory_space<hbm>>) target(%arg10 : memref<128x128xf32, #tpu.memory_space<vmem>>) offsets(%dma_start3A_94 : memref<128xi32, #tpu.memory_space<vmem>>) semaphore(%arg13 : memref<!tpu.dma_semaphore, #tpu.memory_space<semaphore_mem>>)
    %sub3A_98 = arith.constant 0 : i32
    %sub3A_99 = arith.subi %select_n3A_21, %sub3A_98 : i32
    %sub3A_100 = arith.constant 1 : i32
    %sub3A_101 = arith.constant 1 : i32
    %sub3A_102 = arith.subi %sub3A_100, %sub3A_101 : i32
    %add3A = arith.addi %sub3A_99, %sub3A_102 : i32
    %div3A_103 = arith.constant 1 : i32
    %div3A_104 = arith.divsi %add3A, %div3A_103 : i32
    %while3A = arith.constant 1 : i32
    %while3A_105 = arith.constant 0 : i32
    %while3A_106 = arith.constant 0 : i32
    %while3A_107 = arith.subi %div3A_104, %while3A_106 : i32
    %while3A_108 = arith.addi %while3A_106, %while3A_107 : i32
    %while3A_109 = arith.constant 1 : i32
    %while3A_110 = arith.divsi %while3A_107, %while3A_109 : i32
    %while3A_111 = arith.muli %while3A_110, %while3A_109 : i32
    %while3A_112 = arith.addi %while3A_106, %while3A_111 : i32
    %while3A_113 = arith.constant 1 : i32
    scf.for %while3A_156 = %while3A_106 to %while3A_112 step %while3A_113  : i32 {
      %mul3A_157 = arith.muli %while3A_156, %while3A : i32
      %add3A_158 = arith.addi %while3A_105, %mul3A_157 : i32
      %mul3A_159 = arith.constant 2 : i32
      %mul3A_160 = arith.muli %mul3A_159, %add3A_158 : i32
      %dma_wait3A_161 = arith.constant 0 : i32
      %dma_wait3A_162 = tpu.memref_slice %arg7[%mul3A_160, %dma_wait3A_161] : memref<103x128xi32, #tpu.memory_space<vmem>> -> memref<1x128xi32, #tpu.memory_space<vmem>>
      %dma_wait3A_163 = tpu.memref_squeeze %dma_wait3A_162 : memref<1x128xi32, #tpu.memory_space<vmem>> -> memref<128xi32, #tpu.memory_space<vmem>>
      %dma_wait3A_164 = arith.constant 0 : i32
      %dma_wait3A_165 = arith.constant 0 : i32
      %dma_wait3A_166 = tpu.memref_slice %arg2[%dma_wait3A_164, %dma_wait3A_165] : memref<10000x128xf32, #tpu.memory_space<hbm>> -> memref<10000x128xf32, #tpu.memory_space<hbm>>
      tpu.wait_indirect_dma semaphore(%arg12 : memref<!tpu.dma_semaphore, #tpu.memory_space<semaphore_mem>>) src(%dma_wait3A_166 : memref<10000x128xf32, #tpu.memory_space<hbm>>) dst(%arg9 : memref<128x128xf32, #tpu.memory_space<vmem>>)
      %dma_wait3A_167 = arith.constant 0 : i32
      %dma_wait3A_168 = arith.constant 0 : i32
      %dma_wait3A_169 = tpu.memref_slice %arg8[%dma_wait3A_167, %dma_wait3A_168] : memref<2x128xi32, #tpu.memory_space<vmem>> -> memref<1x128xi32, #tpu.memory_space<vmem>>
      %dma_wait3A_170 = arith.constant 0 : i32
      %dma_wait3A_171 = arith.constant 0 : i32
      %dma_wait3A_172 = arith.constant 0 : i32
      %dma_wait3A_173 = tpu.memref_slice %arg4[%arg1, %dma_wait3A_170, %dma_wait3A_171, %dma_wait3A_172] : memref<16x2x103x128xi32, #tpu.memory_space<hbm>> -> memref<1x2x103x128xi32, #tpu.memory_space<hbm>>
      %dma_wait3A_174 = tpu.memref_squeeze %dma_wait3A_173 : memref<1x2x103x128xi32, #tpu.memory_space<hbm>> -> memref<2x103x128xi32, #tpu.memory_space<hbm>>
      %dma_wait3A_175 = arith.constant 0 : i32
      %dma_wait3A_176 = arith.constant 0 : i32
      %dma_wait3A_177 = tpu.memref_slice %dma_wait3A_174[%arg0, %dma_wait3A_175, %dma_wait3A_176] : memref<2x103x128xi32, #tpu.memory_space<hbm>> -> memref<1x103x128xi32, #tpu.memory_space<hbm>>
      %dma_wait3A_178 = tpu.memref_squeeze %dma_wait3A_177 : memref<1x103x128xi32, #tpu.memory_space<hbm>> -> memref<103x128xi32, #tpu.memory_space<hbm>>
      %dma_wait3A_179 = arith.constant 0 : i32
      %dma_wait3A_180 = tpu.memref_slice %dma_wait3A_178[%mul3A_160, %dma_wait3A_179] : memref<103x128xi32, #tpu.memory_space<hbm>> -> memref<1x128xi32, #tpu.memory_space<hbm>>
      %dma_wait3A_181 = arith.constant 0 : i32
      %dma_wait3A_182 = arith.constant 0 : i32
      %dma_wait3A_183 = tpu.memref_slice %arg8[%dma_wait3A_181, %dma_wait3A_182] : memref<2x128xi32, #tpu.memory_space<vmem>> -> memref<1x128xi32, #tpu.memory_space<vmem>>
      %dma_wait3A_184 = arith.constant 0 : i32
      %dma_wait3A_185 = arith.constant 0 : i32
      %dma_wait3A_186 = arith.constant 0 : i32
      %dma_wait3A_187 = tpu.memref_slice %arg4[%arg1, %dma_wait3A_184, %dma_wait3A_185, %dma_wait3A_186] : memref<16x2x103x128xi32, #tpu.memory_space<hbm>> -> memref<1x2x103x128xi32, #tpu.memory_space<hbm>>
      %dma_wait3A_188 = tpu.memref_squeeze %dma_wait3A_187 : memref<1x2x103x128xi32, #tpu.memory_space<hbm>> -> memref<2x103x128xi32, #tpu.memory_space<hbm>>
      %dma_wait3A_189 = arith.constant 0 : i32
      %dma_wait3A_190 = arith.constant 0 : i32
      %dma_wait3A_191 = tpu.memref_slice %dma_wait3A_188[%arg0, %dma_wait3A_189, %dma_wait3A_190] : memref<2x103x128xi32, #tpu.memory_space<hbm>> -> memref<1x103x128xi32, #tpu.memory_space<hbm>>
      %dma_wait3A_192 = tpu.memref_squeeze %dma_wait3A_191 : memref<1x103x128xi32, #tpu.memory_space<hbm>> -> memref<103x128xi32, #tpu.memory_space<hbm>>
      %dma_wait3A_193 = arith.constant 0 : i32
      %dma_wait3A_194 = tpu.memref_slice %dma_wait3A_192[%mul3A_160, %dma_wait3A_193] : memref<103x128xi32, #tpu.memory_space<hbm>> -> memref<1x128xi32, #tpu.memory_space<hbm>>
      tpu.wait_dma2 semaphore(%arg14 : memref<!tpu.dma_semaphore, #tpu.memory_space<semaphore_mem>>) src(%dma_wait3A_194 : memref<1x128xi32, #tpu.memory_space<hbm>>) dst(%dma_wait3A_183 : memref<1x128xi32, #tpu.memory_space<vmem>>)
      %run_scoped3A_195 = arith.constant 0 : i32
      "tpu.region"() ({
        %run_scoped3A_278 = tpu.sem_alloc : memref<!tpu.dma_semaphore, #tpu.memory_space<semaphore_mem>>
        %dma_start3A_279 = arith.constant 0 : i32
        %dma_start3A_280 = tpu.memref_slice %arg8[%run_scoped3A_195, %dma_start3A_279] : memref<2x128xi32, #tpu.memory_space<vmem>> -> memref<1x128xi32, #tpu.memory_space<vmem>>
        %dma_start3A_281 = tpu.memref_squeeze %dma_start3A_280 : memref<1x128xi32, #tpu.memory_space<vmem>> -> memref<128xi32, #tpu.memory_space<vmem>>
        %dma_start3A_282 = arith.constant 0 : i32
        %dma_start3A_283 = arith.constant 0 : i32
        %dma_start3A_284 = tpu.memref_slice %arg11[%dma_start3A_282, %dma_start3A_283] : memref<10240x128xf32, #tpu.memory_space<vmem_shared>> -> memref<10240x128xf32, #tpu.memory_space<vmem_shared>>
        tpu.enqueue_indirect_dma source(%arg9 : memref<128x128xf32, #tpu.memory_space<vmem>>) target(%dma_start3A_284 : memref<10240x128xf32, #tpu.memory_space<vmem_shared>>) offsets(%dma_start3A_281 : memref<128xi32, #tpu.memory_space<vmem>>) semaphore(%run_scoped3A_278 : memref<!tpu.dma_semaphore, #tpu.memory_space<semaphore_mem>>) {add = true}
        %dma_wait3A_285 = arith.constant 0 : i32
        %dma_wait3A_286 = tpu.memref_slice %arg8[%run_scoped3A_195, %dma_wait3A_285] : memref<2x128xi32, #tpu.memory_space<vmem>> -> memref<1x128xi32, #tpu.memory_space<vmem>>
        %dma_wait3A_287 = tpu.memref_squeeze %dma_wait3A_286 : memref<1x128xi32, #tpu.memory_space<vmem>> -> memref<128xi32, #tpu.memory_space<vmem>>
        %dma_wait3A_288 = arith.constant 0 : i32
        %dma_wait3A_289 = arith.constant 0 : i32
        %dma_wait3A_290 = tpu.memref_slice %arg11[%dma_wait3A_288, %dma_wait3A_289] : memref<10240x128xf32, #tpu.memory_space<vmem_shared>> -> memref<10240x128xf32, #tpu.memory_space<vmem_shared>>
        tpu.wait_indirect_dma semaphore(%run_scoped3A_278 : memref<!tpu.dma_semaphore, #tpu.memory_space<semaphore_mem>>) src(%arg9 : memref<128x128xf32, #tpu.memory_space<vmem>>) dst(%dma_wait3A_290 : memref<10240x128xf32, #tpu.memory_space<vmem_shared>>)
        tpu.yield
      }) : () -> ()
      %add3A_196 = arith.constant 2 : i32
      %add3A_197 = arith.addi %mul3A_160, %add3A_196 : i32
      %dma_start3A_198 = arith.constant 0 : i32
      %dma_start3A_199 = arith.constant 0 : i32
      %dma_start3A_200 = tpu.memref_slice %arg8[%dma_start3A_198, %dma_start3A_199] : memref<2x128xi32, #tpu.memory_space<vmem>> -> memref<1x128xi32, #tpu.memory_space<vmem>>
      %dma_start3A_201 = arith.constant 0 : i32
      %dma_start3A_202 = arith.constant 0 : i32
      %dma_start3A_203 = arith.constant 0 : i32
      %dma_start3A_204 = tpu.memref_slice %arg4[%arg1, %dma_start3A_201, %dma_start3A_202, %dma_start3A_203] : memref<16x2x103x128xi32, #tpu.memory_space<hbm>> -> memref<1x2x103x128xi32, #tpu.memory_space<hbm>>
      %dma_start3A_205 = tpu.memref_squeeze %dma_start3A_204 : memref<1x2x103x128xi32, #tpu.memory_space<hbm>> -> memref<2x103x128xi32, #tpu.memory_space<hbm>>
      %dma_start3A_206 = arith.constant 0 : i32
      %dma_start3A_207 = arith.constant 0 : i32
      %dma_start3A_208 = tpu.memref_slice %dma_start3A_205[%arg0, %dma_start3A_206, %dma_start3A_207] : memref<2x103x128xi32, #tpu.memory_space<hbm>> -> memref<1x103x128xi32, #tpu.memory_space<hbm>>
      %dma_start3A_209 = tpu.memref_squeeze %dma_start3A_208 : memref<1x103x128xi32, #tpu.memory_space<hbm>> -> memref<103x128xi32, #tpu.memory_space<hbm>>
      %dma_start3A_210 = arith.constant 0 : i32
      %dma_start3A_211 = tpu.memref_slice %dma_start3A_209[%add3A_197, %dma_start3A_210] : memref<103x128xi32, #tpu.memory_space<hbm>> -> memref<1x128xi32, #tpu.memory_space<hbm>>
      %dma_start3A_212 = arith.constant 0 : i32
      %dma_start3A_213 = arith.constant 0 : i32
      %dma_start3A_214 = tpu.memref_slice %arg8[%dma_start3A_212, %dma_start3A_213] : memref<2x128xi32, #tpu.memory_space<vmem>> -> memref<1x128xi32, #tpu.memory_space<vmem>>
      %dma_start3A_215 = arith.constant 0 : i32
      %dma_start3A_216 = arith.constant 0 : i32
      %dma_start3A_217 = arith.constant 0 : i32
      %dma_start3A_218 = tpu.memref_slice %arg4[%arg1, %dma_start3A_215, %dma_start3A_216, %dma_start3A_217] : memref<16x2x103x128xi32, #tpu.memory_space<hbm>> -> memref<1x2x103x128xi32, #tpu.memory_space<hbm>>
      %dma_start3A_219 = tpu.memref_squeeze %dma_start3A_218 : memref<1x2x103x128xi32, #tpu.memory_space<hbm>> -> memref<2x103x128xi32, #tpu.memory_space<hbm>>
      %dma_start3A_220 = arith.constant 0 : i32
      %dma_start3A_221 = arith.constant 0 : i32
      %dma_start3A_222 = tpu.memref_slice %dma_start3A_219[%arg0, %dma_start3A_220, %dma_start3A_221] : memref<2x103x128xi32, #tpu.memory_space<hbm>> -> memref<1x103x128xi32, #tpu.memory_space<hbm>>
      %dma_start3A_223 = tpu.memref_squeeze %dma_start3A_222 : memref<1x103x128xi32, #tpu.memory_space<hbm>> -> memref<103x128xi32, #tpu.memory_space<hbm>>
      %dma_start3A_224 = arith.constant 0 : i32
      %dma_start3A_225 = tpu.memref_slice %dma_start3A_223[%add3A_197, %dma_start3A_224] : memref<103x128xi32, #tpu.memory_space<hbm>> -> memref<1x128xi32, #tpu.memory_space<hbm>>
      tpu.enqueue_dma source(%dma_start3A_225 : memref<1x128xi32, #tpu.memory_space<hbm>>) target(%dma_start3A_214 : memref<1x128xi32, #tpu.memory_space<vmem>>) target_semaphore(%arg14 : memref<!tpu.dma_semaphore, #tpu.memory_space<semaphore_mem>>)
      %add3A_226 = arith.constant 2 : i32
      %add3A_227 = arith.addi %mul3A_160, %add3A_226 : i32
      %dma_start3A_228 = arith.constant 0 : i32
      %dma_start3A_229 = tpu.memref_slice %arg7[%add3A_227, %dma_start3A_228] : memref<103x128xi32, #tpu.memory_space<vmem>> -> memref<1x128xi32, #tpu.memory_space<vmem>>
      %dma_start3A_230 = tpu.memref_squeeze %dma_start3A_229 : memref<1x128xi32, #tpu.memory_space<vmem>> -> memref<128xi32, #tpu.memory_space<vmem>>
      %dma_start3A_231 = arith.constant 0 : i32
      %dma_start3A_232 = arith.constant 0 : i32
      %dma_start3A_233 = tpu.memref_slice %arg2[%dma_start3A_231, %dma_start3A_232] : memref<10000x128xf32, #tpu.memory_space<hbm>> -> memref<10000x128xf32, #tpu.memory_space<hbm>>
      tpu.enqueue_indirect_dma source(%dma_start3A_233 : memref<10000x128xf32, #tpu.memory_space<hbm>>) target(%arg9 : memref<128x128xf32, #tpu.memory_space<vmem>>) offsets(%dma_start3A_230 : memref<128xi32, #tpu.memory_space<vmem>>) semaphore(%arg12 : memref<!tpu.dma_semaphore, #tpu.memory_space<semaphore_mem>>)
      %add3A_234 = arith.constant 1 : i32
      %add3A_235 = arith.addi %mul3A_160, %add3A_234 : i32
      %dma_wait3A_236 = arith.constant 0 : i32
      %dma_wait3A_237 = tpu.memref_slice %arg7[%add3A_235, %dma_wait3A_236] : memref<103x128xi32, #tpu.memory_space<vmem>> -> memref<1x128xi32, #tpu.memory_space<vmem>>
      %dma_wait3A_238 = tpu.memref_squeeze %dma_wait3A_237 : memref<1x128xi32, #tpu.memory_space<vmem>> -> memref<128xi32, #tpu.memory_space<vmem>>
      %dma_wait3A_239 = arith.constant 0 : i32
      %dma_wait3A_240 = arith.constant 0 : i32
      %dma_wait3A_241 = tpu.memref_slice %arg2[%dma_wait3A_239, %dma_wait3A_240] : memref<10000x128xf32, #tpu.memory_space<hbm>> -> memref<10000x128xf32, #tpu.memory_space<hbm>>
      tpu.wait_indirect_dma semaphore(%arg13 : memref<!tpu.dma_semaphore, #tpu.memory_space<semaphore_mem>>) src(%dma_wait3A_241 : memref<10000x128xf32, #tpu.memory_space<hbm>>) dst(%arg10 : memref<128x128xf32, #tpu.memory_space<vmem>>)
      %add3A_242 = arith.constant 1 : i32
      %add3A_243 = arith.addi %mul3A_160, %add3A_242 : i32
      %dma_wait3A_244 = arith.constant 1 : i32
      %dma_wait3A_245 = arith.constant 0 : i32
      %dma_wait3A_246 = tpu.memref_slice %arg8[%dma_wait3A_244, %dma_wait3A_245] : memref<2x128xi32, #tpu.memory_space<vmem>> -> memref<1x128xi32, #tpu.memory_space<vmem>>
      %dma_wait3A_247 = arith.constant 0 : i32
      %dma_wait3A_248 = arith.constant 0 : i32
      %dma_wait3A_249 = arith.constant 0 : i32
      %dma_wait3A_250 = tpu.memref_slice %arg4[%arg1, %dma_wait3A_247, %dma_wait3A_248, %dma_wait3A_249] : memref<16x2x103x128xi32, #tpu.memory_space<hbm>> -> memref<1x2x103x128xi32, #tpu.memory_space<hbm>>
      %dma_wait3A_251 = tpu.memref_squeeze %dma_wait3A_250 : memref<1x2x103x128xi32, #tpu.memory_space<hbm>> -> memref<2x103x128xi32, #tpu.memory_space<hbm>>
      %dma_wait3A_252 = arith.constant 0 : i32
      %dma_wait3A_253 = arith.constant 0 : i32
      %dma_wait3A_254 = tpu.memref_slice %dma_wait3A_251[%arg0, %dma_wait3A_252, %dma_wait3A_253] : memref<2x103x128xi32, #tpu.memory_space<hbm>> -> memref<1x103x128xi32, #tpu.memory_space<hbm>>
      %dma_wait3A_255 = tpu.memref_squeeze %dma_wait3A_254 : memref<1x103x128xi32, #tpu.memory_space<hbm>> -> memref<103x128xi32, #tpu.memory_space<hbm>>
      %dma_wait3A_256 = arith.constant 0 : i32
      %dma_wait3A_257 = tpu.memref_slice %dma_wait3A_255[%add3A_243, %dma_wait3A_256] : memref<103x128xi32, #tpu.memory_space<hbm>> -> memref<1x128xi32, #tpu.memory_space<hbm>>
      %dma_wait3A_258 = arith.constant 1 : i32
      %dma_wait3A_259 = arith.constant 0 : i32
      %dma_wait3A_260 = tpu.memref_slice %arg8[%dma_wait3A_258, %dma_wait3A_259] : memref<2x128xi32, #tpu.memory_space<vmem>> -> memref<1x128xi32, #tpu.memory_space<vmem>>
      %dma_wait3A_261 = arith.constant 0 : i32
      %dma_wait3A_262 = arith.constant 0 : i32
      %dma_wait3A_263 = arith.constant 0 : i32
      %dma_wait3A_264 = tpu.memref_slice %arg4[%arg1, %dma_wait3A_261, %dma_wait3A_262, %dma_wait3A_263] : memref<16x2x103x128xi32, #tpu.memory_space<hbm>> -> memref<1x2x103x128xi32, #tpu.memory_space<hbm>>
      %dma_wait3A_265 = tpu.memref_squeeze %dma_wait3A_264 : memref<1x2x103x128xi32, #tpu.memory_space<hbm>> -> memref<2x103x128xi32, #tpu.memory_space<hbm>>
      %dma_wait3A_266 = arith.constant 0 : i32
      %dma_wait3A_267 = arith.constant 0 : i32
      %dma_wait3A_268 = tpu.memref_slice %dma_wait3A_265[%arg0, %dma_wait3A_266, %dma_wait3A_267] : memref<2x103x128xi32, #tpu.memory_space<hbm>> -> memref<1x103x128xi32, #tpu.memory_space<hbm>>
      %dma_wait3A_269 = tpu.memref_squeeze %dma_wait3A_268 : memref<1x103x128xi32, #tpu.memory_space<hbm>> -> memref<103x128xi32, #tpu.memory_space<hbm>>
      %dma_wait3A_270 = arith.constant 0 : i32
      %dma_wait3A_271 = tpu.memref_slice %dma_wait3A_269[%add3A_243, %dma_wait3A_270] : memref<103x128xi32, #tpu.memory_space<hbm>> -> memref<1x128xi32, #tpu.memory_space<hbm>>
      tpu.wait_dma2 semaphore(%arg15 : memref<!tpu.dma_semaphore, #tpu.memory_space<semaphore_mem>>) src(%dma_wait3A_271 : memref<1x128xi32, #tpu.memory_space<hbm>>) dst(%dma_wait3A_260 : memref<1x128xi32, #tpu.memory_space<vmem>>)
      %run_scoped3A_272 = arith.constant 1 : i32
      "tpu.region"() ({
        %run_scoped3A_278 = tpu.sem_alloc : memref<!tpu.dma_semaphore, #tpu.memory_space<semaphore_mem>>
        %dma_start3A_279 = arith.constant 0 : i32
        %dma_start3A_280 = tpu.memref_slice %arg8[%run_scoped3A_272, %dma_start3A_279] : memref<2x128xi32, #tpu.memory_space<vmem>> -> memref<1x128xi32, #tpu.memory_space<vmem>>
        %dma_start3A_281 = tpu.memref_squeeze %dma_start3A_280 : memref<1x128xi32, #tpu.memory_space<vmem>> -> memref<128xi32, #tpu.memory_space<vmem>>
        %dma_start3A_282 = arith.constant 0 : i32
        %dma_start3A_283 = arith.constant 0 : i32
        %dma_start3A_284 = tpu.memref_slice %arg11[%dma_start3A_282, %dma_start3A_283] : memref<10240x128xf32, #tpu.memory_space<vmem_shared>> -> memref<10240x128xf32, #tpu.memory_space<vmem_shared>>
        tpu.enqueue_indirect_dma source(%arg10 : memref<128x128xf32, #tpu.memory_space<vmem>>) target(%dma_start3A_284 : memref<10240x128xf32, #tpu.memory_space<vmem_shared>>) offsets(%dma_start3A_281 : memref<128xi32, #tpu.memory_space<vmem>>) semaphore(%run_scoped3A_278 : memref<!tpu.dma_semaphore, #tpu.memory_space<semaphore_mem>>) {add = true}
        %dma_wait3A_285 = arith.constant 0 : i32
        %dma_wait3A_286 = tpu.memref_slice %arg8[%run_scoped3A_272, %dma_wait3A_285] : memref<2x128xi32, #tpu.memory_space<vmem>> -> memref<1x128xi32, #tpu.memory_space<vmem>>
        %dma_wait3A_287 = tpu.memref_squeeze %dma_wait3A_286 : memref<1x128xi32, #tpu.memory_space<vmem>> -> memref<128xi32, #tpu.memory_space<vmem>>
        %dma_wait3A_288 = arith.constant 0 : i32
        %dma_wait3A_289 = arith.constant 0 : i32
        %dma_wait3A_290 = tpu.memref_slice %arg11[%dma_wait3A_288, %dma_wait3A_289] : memref<10240x128xf32, #tpu.memory_space<vmem_shared>> -> memref<10240x128xf32, #tpu.memory_space<vmem_shared>>
        tpu.wait_indirect_dma semaphore(%run_scoped3A_278 : memref<!tpu.dma_semaphore, #tpu.memory_space<semaphore_mem>>) src(%arg10 : memref<128x128xf32, #tpu.memory_space<vmem>>) dst(%dma_wait3A_290 : memref<10240x128xf32, #tpu.memory_space<vmem_shared>>)
        tpu.yield
      }) : () -> ()
      %sub3A_273 = arith.constant 1 : i32
      %sub3A_274 = arith.subi %select_n3A_21, %sub3A_273 : i32
      %lt3A = arith.cmpi slt, %add3A_158, %sub3A_274 : i32
      %convert_element_type3A_275 = arith.extui %lt3A : i1 to i32
      %cond3A_276 = arith.constant 0 : i32
      %cond3A_277 = arith.cmpi ne, %convert_element_type3A_275, %cond3A_276 : i32
      scf.if %cond3A_277 {
        %add3A_278 = arith.constant 3 : i32
        %add3A_279 = arith.addi %mul3A_160, %add3A_278 : i32
        %dma_start3A_280 = arith.constant 1 : i32
        %dma_start3A_281 = arith.constant 0 : i32
        %dma_start3A_282 = tpu.memref_slice %arg8[%dma_start3A_280, %dma_start3A_281] : memref<2x128xi32, #tpu.memory_space<vmem>> -> memref<1x128xi32, #tpu.memory_space<vmem>>
        %dma_start3A_283 = arith.constant 0 : i32
        %dma_start3A_284 = arith.constant 0 : i32
        %dma_start3A_285 = arith.constant 0 : i32
        %dma_start3A_286 = tpu.memref_slice %arg4[%arg1, %dma_start3A_283, %dma_start3A_284, %dma_start3A_285] : memref<16x2x103x128xi32, #tpu.memory_space<hbm>> -> memref<1x2x103x128xi32, #tpu.memory_space<hbm>>
        %dma_start3A_287 = tpu.memref_squeeze %dma_start3A_286 : memref<1x2x103x128xi32, #tpu.memory_space<hbm>> -> memref<2x103x128xi32, #tpu.memory_space<hbm>>
        %dma_start3A_288 = arith.constant 0 : i32
        %dma_start3A_289 = arith.constant 0 : i32
        %dma_start3A_290 = tpu.memref_slice %dma_start3A_287[%arg0, %dma_start3A_288, %dma_start3A_289] : memref<2x103x128xi32, #tpu.memory_space<hbm>> -> memref<1x103x128xi32, #tpu.memory_space<hbm>>
        %dma_start3A_291 = tpu.memref_squeeze %dma_start3A_290 : memref<1x103x128xi32, #tpu.memory_space<hbm>> -> memref<103x128xi32, #tpu.memory_space<hbm>>
        %dma_start3A_292 = arith.constant 0 : i32
        %dma_start3A_293 = tpu.memref_slice %dma_start3A_291[%add3A_279, %dma_start3A_292] : memref<103x128xi32, #tpu.memory_space<hbm>> -> memref<1x128xi32, #tpu.memory_space<hbm>>
        %dma_start3A_294 = arith.constant 1 : i32
        %dma_start3A_295 = arith.constant 0 : i32
        %dma_start3A_296 = tpu.memref_slice %arg8[%dma_start3A_294, %dma_start3A_295] : memref<2x128xi32, #tpu.memory_space<vmem>> -> memref<1x128xi32, #tpu.memory_space<vmem>>
        %dma_start3A_297 = arith.constant 0 : i32
        %dma_start3A_298 = arith.constant 0 : i32
        %dma_start3A_299 = arith.constant 0 : i32
        %dma_start3A_300 = tpu.memref_slice %arg4[%arg1, %dma_start3A_297, %dma_start3A_298, %dma_start3A_299] : memref<16x2x103x128xi32, #tpu.memory_space<hbm>> -> memref<1x2x103x128xi32, #tpu.memory_space<hbm>>
        %dma_start3A_301 = tpu.memref_squeeze %dma_start3A_300 : memref<1x2x103x128xi32, #tpu.memory_space<hbm>> -> memref<2x103x128xi32, #tpu.memory_space<hbm>>
        %dma_start3A_302 = arith.constant 0 : i32
        %dma_start3A_303 = arith.constant 0 : i32
        %dma_start3A_304 = tpu.memref_slice %dma_start3A_301[%arg0, %dma_start3A_302, %dma_start3A_303] : memref<2x103x128xi32, #tpu.memory_space<hbm>> -> memref<1x103x128xi32, #tpu.memory_space<hbm>>
        %dma_start3A_305 = tpu.memref_squeeze %dma_start3A_304 : memref<1x103x128xi32, #tpu.memory_space<hbm>> -> memref<103x128xi32, #tpu.memory_space<hbm>>
        %dma_start3A_306 = arith.constant 0 : i32
        %dma_start3A_307 = tpu.memref_slice %dma_start3A_305[%add3A_279, %dma_start3A_306] : memref<103x128xi32, #tpu.memory_space<hbm>> -> memref<1x128xi32, #tpu.memory_space<hbm>>
        tpu.enqueue_dma source(%dma_start3A_307 : memref<1x128xi32, #tpu.memory_space<hbm>>) target(%dma_start3A_296 : memref<1x128xi32, #tpu.memory_space<vmem>>) target_semaphore(%arg15 : memref<!tpu.dma_semaphore, #tpu.memory_space<semaphore_mem>>)
        %add3A_308 = arith.constant 3 : i32
        %add3A_309 = arith.addi %mul3A_160, %add3A_308 : i32
        %dma_start3A_310 = arith.constant 0 : i32
        %dma_start3A_311 = tpu.memref_slice %arg7[%add3A_309, %dma_start3A_310] : memref<103x128xi32, #tpu.memory_space<vmem>> -> memref<1x128xi32, #tpu.memory_space<vmem>>
        %dma_start3A_312 = tpu.memref_squeeze %dma_start3A_311 : memref<1x128xi32, #tpu.memory_space<vmem>> -> memref<128xi32, #tpu.memory_space<vmem>>
        %dma_start3A_313 = arith.constant 0 : i32
        %dma_start3A_314 = arith.constant 0 : i32
        %dma_start3A_315 = tpu.memref_slice %arg2[%dma_start3A_313, %dma_start3A_314] : memref<10000x128xf32, #tpu.memory_space<hbm>> -> memref<10000x128xf32, #tpu.memory_space<hbm>>
        tpu.enqueue_indirect_dma source(%dma_start3A_315 : memref<10000x128xf32, #tpu.memory_space<hbm>>) target(%arg10 : memref<128x128xf32, #tpu.memory_space<vmem>>) offsets(%dma_start3A_312 : memref<128xi32, #tpu.memory_space<vmem>>) semaphore(%arg13 : memref<!tpu.dma_semaphore, #tpu.memory_space<semaphore_mem>>)
      } else {
      }
    }
    %while3A_114 = arith.constant 1 : i32
    scf.for %while3A_156 = %while3A_112 to %while3A_108 step %while3A_114  : i32 {
      %mul3A_157 = arith.muli %while3A_156, %while3A : i32
      %add3A_158 = arith.addi %while3A_105, %mul3A_157 : i32
      %mul3A_159 = arith.constant 2 : i32
      %mul3A_160 = arith.muli %mul3A_159, %add3A_158 : i32
      %dma_wait3A_161 = arith.constant 0 : i32
      %dma_wait3A_162 = tpu.memref_slice %arg7[%mul3A_160, %dma_wait3A_161] : memref<103x128xi32, #tpu.memory_space<vmem>> -> memref<1x128xi32, #tpu.memory_space<vmem>>
      %dma_wait3A_163 = tpu.memref_squeeze %dma_wait3A_162 : memref<1x128xi32, #tpu.memory_space<vmem>> -> memref<128xi32, #tpu.memory_space<vmem>>
      %dma_wait3A_164 = arith.constant 0 : i32
      %dma_wait3A_165 = arith.constant 0 : i32
      %dma_wait3A_166 = tpu.memref_slice %arg2[%dma_wait3A_164, %dma_wait3A_165] : memref<10000x128xf32, #tpu.memory_space<hbm>> -> memref<10000x128xf32, #tpu.memory_space<hbm>>
      tpu.wait_indirect_dma semaphore(%arg12 : memref<!tpu.dma_semaphore, #tpu.memory_space<semaphore_mem>>) src(%dma_wait3A_166 : memref<10000x128xf32, #tpu.memory_space<hbm>>) dst(%arg9 : memref<128x128xf32, #tpu.memory_space<vmem>>)
      %dma_wait3A_167 = arith.constant 0 : i32
      %dma_wait3A_168 = arith.constant 0 : i32
      %dma_wait3A_169 = tpu.memref_slice %arg8[%dma_wait3A_167, %dma_wait3A_168] : memref<2x128xi32, #tpu.memory_space<vmem>> -> memref<1x128xi32, #tpu.memory_space<vmem>>
      %dma_wait3A_170 = arith.constant 0 : i32
      %dma_wait3A_171 = arith.constant 0 : i32
      %dma_wait3A_172 = arith.constant 0 : i32
      %dma_wait3A_173 = tpu.memref_slice %arg4[%arg1, %dma_wait3A_170, %dma_wait3A_171, %dma_wait3A_172] : memref<16x2x103x128xi32, #tpu.memory_space<hbm>> -> memref<1x2x103x128xi32, #tpu.memory_space<hbm>>
      %dma_wait3A_174 = tpu.memref_squeeze %dma_wait3A_173 : memref<1x2x103x128xi32, #tpu.memory_space<hbm>> -> memref<2x103x128xi32, #tpu.memory_space<hbm>>
      %dma_wait3A_175 = arith.constant 0 : i32
      %dma_wait3A_176 = arith.constant 0 : i32
      %dma_wait3A_177 = tpu.memref_slice %dma_wait3A_174[%arg0, %dma_wait3A_175, %dma_wait3A_176] : memref<2x103x128xi32, #tpu.memory_space<hbm>> -> memref<1x103x128xi32, #tpu.memory_space<hbm>>
      %dma_wait3A_178 = tpu.memref_squeeze %dma_wait3A_177 : memref<1x103x128xi32, #tpu.memory_space<hbm>> -> memref<103x128xi32, #tpu.memory_space<hbm>>
      %dma_wait3A_179 = arith.constant 0 : i32
      %dma_wait3A_180 = tpu.memref_slice %dma_wait3A_178[%mul3A_160, %dma_wait3A_179] : memref<103x128xi32, #tpu.memory_space<hbm>> -> memref<1x128xi32, #tpu.memory_space<hbm>>
      %dma_wait3A_181 = arith.constant 0 : i32
      %dma_wait3A_182 = arith.constant 0 : i32
      %dma_wait3A_183 = tpu.memref_slice %arg8[%dma_wait3A_181, %dma_wait3A_182] : memref<2x128xi32, #tpu.memory_space<vmem>> -> memref<1x128xi32, #tpu.memory_space<vmem>>
      %dma_wait3A_184 = arith.constant 0 : i32
      %dma_wait3A_185 = arith.constant 0 : i32
      %dma_wait3A_186 = arith.constant 0 : i32
      %dma_wait3A_187 = tpu.memref_slice %arg4[%arg1, %dma_wait3A_184, %dma_wait3A_185, %dma_wait3A_186] : memref<16x2x103x128xi32, #tpu.memory_space<hbm>> -> memref<1x2x103x128xi32, #tpu.memory_space<hbm>>
      %dma_wait3A_188 = tpu.memref_squeeze %dma_wait3A_187 : memref<1x2x103x128xi32, #tpu.memory_space<hbm>> -> memref<2x103x128xi32, #tpu.memory_space<hbm>>
      %dma_wait3A_189 = arith.constant 0 : i32
      %dma_wait3A_190 = arith.constant 0 : i32
      %dma_wait3A_191 = tpu.memref_slice %dma_wait3A_188[%arg0, %dma_wait3A_189, %dma_wait3A_190] : memref<2x103x128xi32, #tpu.memory_space<hbm>> -> memref<1x103x128xi32, #tpu.memory_space<hbm>>
      %dma_wait3A_192 = tpu.memref_squeeze %dma_wait3A_191 : memref<1x103x128xi32, #tpu.memory_space<hbm>> -> memref<103x128xi32, #tpu.memory_space<hbm>>
      %dma_wait3A_193 = arith.constant 0 : i32
      %dma_wait3A_194 = tpu.memref_slice %dma_wait3A_192[%mul3A_160, %dma_wait3A_193] : memref<103x128xi32, #tpu.memory_space<hbm>> -> memref<1x128xi32, #tpu.memory_space<hbm>>
      tpu.wait_dma2 semaphore(%arg14 : memref<!tpu.dma_semaphore, #tpu.memory_space<semaphore_mem>>) src(%dma_wait3A_194 : memref<1x128xi32, #tpu.memory_space<hbm>>) dst(%dma_wait3A_183 : memref<1x128xi32, #tpu.memory_space<vmem>>)
      %run_scoped3A_195 = arith.constant 0 : i32
      "tpu.region"() ({
        %run_scoped3A_278 = tpu.sem_alloc : memref<!tpu.dma_semaphore, #tpu.memory_space<semaphore_mem>>
        %dma_start3A_279 = arith.constant 0 : i32
        %dma_start3A_280 = tpu.memref_slice %arg8[%run_scoped3A_195, %dma_start3A_279] : memref<2x128xi32, #tpu.memory_space<vmem>> -> memref<1x128xi32, #tpu.memory_space<vmem>>
        %dma_start3A_281 = tpu.memref_squeeze %dma_start3A_280 : memref<1x128xi32, #tpu.memory_space<vmem>> -> memref<128xi32, #tpu.memory_space<vmem>>
        %dma_start3A_282 = arith.constant 0 : i32
        %dma_start3A_283 = arith.constant 0 : i32
        %dma_start3A_284 = tpu.memref_slice %arg11[%dma_start3A_282, %dma_start3A_283] : memref<10240x128xf32, #tpu.memory_space<vmem_shared>> -> memref<10240x128xf32, #tpu.memory_space<vmem_shared>>
        tpu.enqueue_indirect_dma source(%arg9 : memref<128x128xf32, #tpu.memory_space<vmem>>) target(%dma_start3A_284 : memref<10240x128xf32, #tpu.memory_space<vmem_shared>>) offsets(%dma_start3A_281 : memref<128xi32, #tpu.memory_space<vmem>>) semaphore(%run_scoped3A_278 : memref<!tpu.dma_semaphore, #tpu.memory_space<semaphore_mem>>) {add = true}
        %dma_wait3A_285 = arith.constant 0 : i32
        %dma_wait3A_286 = tpu.memref_slice %arg8[%run_scoped3A_195, %dma_wait3A_285] : memref<2x128xi32, #tpu.memory_space<vmem>> -> memref<1x128xi32, #tpu.memory_space<vmem>>
        %dma_wait3A_287 = tpu.memref_squeeze %dma_wait3A_286 : memref<1x128xi32, #tpu.memory_space<vmem>> -> memref<128xi32, #tpu.memory_space<vmem>>
        %dma_wait3A_288 = arith.constant 0 : i32
        %dma_wait3A_289 = arith.constant 0 : i32
        %dma_wait3A_290 = tpu.memref_slice %arg11[%dma_wait3A_288, %dma_wait3A_289] : memref<10240x128xf32, #tpu.memory_space<vmem_shared>> -> memref<10240x128xf32, #tpu.memory_space<vmem_shared>>
        tpu.wait_indirect_dma semaphore(%run_scoped3A_278 : memref<!tpu.dma_semaphore, #tpu.memory_space<semaphore_mem>>) src(%arg9 : memref<128x128xf32, #tpu.memory_space<vmem>>) dst(%dma_wait3A_290 : memref<10240x128xf32, #tpu.memory_space<vmem_shared>>)
        tpu.yield
      }) : () -> ()
      %add3A_196 = arith.constant 2 : i32
      %add3A_197 = arith.addi %mul3A_160, %add3A_196 : i32
      %dma_start3A_198 = arith.constant 0 : i32
      %dma_start3A_199 = arith.constant 0 : i32
      %dma_start3A_200 = tpu.memref_slice %arg8[%dma_start3A_198, %dma_start3A_199] : memref<2x128xi32, #tpu.memory_space<vmem>> -> memref<1x128xi32, #tpu.memory_space<vmem>>
      %dma_start3A_201 = arith.constant 0 : i32
      %dma_start3A_202 = arith.constant 0 : i32
      %dma_start3A_203 = arith.constant 0 : i32
      %dma_start3A_204 = tpu.memref_slice %arg4[%arg1, %dma_start3A_201, %dma_start3A_202, %dma_start3A_203] : memref<16x2x103x128xi32, #tpu.memory_space<hbm>> -> memref<1x2x103x128xi32, #tpu.memory_space<hbm>>
      %dma_start3A_205 = tpu.memref_squeeze %dma_start3A_204 : memref<1x2x103x128xi32, #tpu.memory_space<hbm>> -> memref<2x103x128xi32, #tpu.memory_space<hbm>>
      %dma_start3A_206 = arith.constant 0 : i32
      %dma_start3A_207 = arith.constant 0 : i32
      %dma_start3A_208 = tpu.memref_slice %dma_start3A_205[%arg0, %dma_start3A_206, %dma_start3A_207] : memref<2x103x128xi32, #tpu.memory_space<hbm>> -> memref<1x103x128xi32, #tpu.memory_space<hbm>>
      %dma_start3A_209 = tpu.memref_squeeze %dma_start3A_208 : memref<1x103x128xi32, #tpu.memory_space<hbm>> -> memref<103x128xi32, #tpu.memory_space<hbm>>
      %dma_start3A_210 = arith.constant 0 : i32
      %dma_start3A_211 = tpu.memref_slice %dma_start3A_209[%add3A_197, %dma_start3A_210] : memref<103x128xi32, #tpu.memory_space<hbm>> -> memref<1x128xi32, #tpu.memory_space<hbm>>
      %dma_start3A_212 = arith.constant 0 : i32
      %dma_start3A_213 = arith.constant 0 : i32
      %dma_start3A_214 = tpu.memref_slice %arg8[%dma_start3A_212, %dma_start3A_213] : memref<2x128xi32, #tpu.memory_space<vmem>> -> memref<1x128xi32, #tpu.memory_space<vmem>>
      %dma_start3A_215 = arith.constant 0 : i32
      %dma_start3A_216 = arith.constant 0 : i32
      %dma_start3A_217 = arith.constant 0 : i32
      %dma_start3A_218 = tpu.memref_slice %arg4[%arg1, %dma_start3A_215, %dma_start3A_216, %dma_start3A_217] : memref<16x2x103x128xi32, #tpu.memory_space<hbm>> -> memref<1x2x103x128xi32, #tpu.memory_space<hbm>>
      %dma_start3A_219 = tpu.memref_squeeze %dma_start3A_218 : memref<1x2x103x128xi32, #tpu.memory_space<hbm>> -> memref<2x103x128xi32, #tpu.memory_space<hbm>>
      %dma_start3A_220 = arith.constant 0 : i32
      %dma_start3A_221 = arith.constant 0 : i32
      %dma_start3A_222 = tpu.memref_slice %dma_start3A_219[%arg0, %dma_start3A_220, %dma_start3A_221] : memref<2x103x128xi32, #tpu.memory_space<hbm>> -> memref<1x103x128xi32, #tpu.memory_space<hbm>>
      %dma_start3A_223 = tpu.memref_squeeze %dma_start3A_222 : memref<1x103x128xi32, #tpu.memory_space<hbm>> -> memref<103x128xi32, #tpu.memory_space<hbm>>
      %dma_start3A_224 = arith.constant 0 : i32
      %dma_start3A_225 = tpu.memref_slice %dma_start3A_223[%add3A_197, %dma_start3A_224] : memref<103x128xi32, #tpu.memory_space<hbm>> -> memref<1x128xi32, #tpu.memory_space<hbm>>
      tpu.enqueue_dma source(%dma_start3A_225 : memref<1x128xi32, #tpu.memory_space<hbm>>) target(%dma_start3A_214 : memref<1x128xi32, #tpu.memory_space<vmem>>) target_semaphore(%arg14 : memref<!tpu.dma_semaphore, #tpu.memory_space<semaphore_mem>>)
      %add3A_226 = arith.constant 2 : i32
      %add3A_227 = arith.addi %mul3A_160, %add3A_226 : i32
      %dma_start3A_228 = arith.constant 0 : i32
      %dma_start3A_229 = tpu.memref_slice %arg7[%add3A_227, %dma_start3A_228] : memref<103x128xi32, #tpu.memory_space<vmem>> -> memref<1x128xi32, #tpu.memory_space<vmem>>
      %dma_start3A_230 = tpu.memref_squeeze %dma_start3A_229 : memref<1x128xi32, #tpu.memory_space<vmem>> -> memref<128xi32, #tpu.memory_space<vmem>>
      %dma_start3A_231 = arith.constant 0 : i32
      %dma_start3A_232 = arith.constant 0 : i32
      %dma_start3A_233 = tpu.memref_slice %arg2[%dma_start3A_231, %dma_start3A_232] : memref<10000x128xf32, #tpu.memory_space<hbm>> -> memref<10000x128xf32, #tpu.memory_space<hbm>>
      tpu.enqueue_indirect_dma source(%dma_start3A_233 : memref<10000x128xf32, #tpu.memory_space<hbm>>) target(%arg9 : memref<128x128xf32, #tpu.memory_space<vmem>>) offsets(%dma_start3A_230 : memref<128xi32, #tpu.memory_space<vmem>>) semaphore(%arg12 : memref<!tpu.dma_semaphore, #tpu.memory_space<semaphore_mem>>)
      %add3A_234 = arith.constant 1 : i32
      %add3A_235 = arith.addi %mul3A_160, %add3A_234 : i32
      %dma_wait3A_236 = arith.constant 0 : i32
      %dma_wait3A_237 = tpu.memref_slice %arg7[%add3A_235, %dma_wait3A_236] : memref<103x128xi32, #tpu.memory_space<vmem>> -> memref<1x128xi32, #tpu.memory_space<vmem>>
      %dma_wait3A_238 = tpu.memref_squeeze %dma_wait3A_237 : memref<1x128xi32, #tpu.memory_space<vmem>> -> memref<128xi32, #tpu.memory_space<vmem>>
      %dma_wait3A_239 = arith.constant 0 : i32
      %dma_wait3A_240 = arith.constant 0 : i32
      %dma_wait3A_241 = tpu.memref_slice %arg2[%dma_wait3A_239, %dma_wait3A_240] : memref<10000x128xf32, #tpu.memory_space<hbm>> -> memref<10000x128xf32, #tpu.memory_space<hbm>>
      tpu.wait_indirect_dma semaphore(%arg13 : memref<!tpu.dma_semaphore, #tpu.memory_space<semaphore_mem>>) src(%dma_wait3A_241 : memref<10000x128xf32, #tpu.memory_space<hbm>>) dst(%arg10 : memref<128x128xf32, #tpu.memory_space<vmem>>)
      %add3A_242 = arith.constant 1 : i32
      %add3A_243 = arith.addi %mul3A_160, %add3A_242 : i32
      %dma_wait3A_244 = arith.constant 1 : i32
      %dma_wait3A_245 = arith.constant 0 : i32
      %dma_wait3A_246 = tpu.memref_slice %arg8[%dma_wait3A_244, %dma_wait3A_245] : memref<2x128xi32, #tpu.memory_space<vmem>> -> memref<1x128xi32, #tpu.memory_space<vmem>>
      %dma_wait3A_247 = arith.constant 0 : i32
      %dma_wait3A_248 = arith.constant 0 : i32
      %dma_wait3A_249 = arith.constant 0 : i32
      %dma_wait3A_250 = tpu.memref_slice %arg4[%arg1, %dma_wait3A_247, %dma_wait3A_248, %dma_wait3A_249] : memref<16x2x103x128xi32, #tpu.memory_space<hbm>> -> memref<1x2x103x128xi32, #tpu.memory_space<hbm>>
      %dma_wait3A_251 = tpu.memref_squeeze %dma_wait3A_250 : memref<1x2x103x128xi32, #tpu.memory_space<hbm>> -> memref<2x103x128xi32, #tpu.memory_space<hbm>>
      %dma_wait3A_252 = arith.constant 0 : i32
      %dma_wait3A_253 = arith.constant 0 : i32
      %dma_wait3A_254 = tpu.memref_slice %dma_wait3A_251[%arg0, %dma_wait3A_252, %dma_wait3A_253] : memref<2x103x128xi32, #tpu.memory_space<hbm>> -> memref<1x103x128xi32, #tpu.memory_space<hbm>>
      %dma_wait3A_255 = tpu.memref_squeeze %dma_wait3A_254 : memref<1x103x128xi32, #tpu.memory_space<hbm>> -> memref<103x128xi32, #tpu.memory_space<hbm>>
      %dma_wait3A_256 = arith.constant 0 : i32
      %dma_wait3A_257 = tpu.memref_slice %dma_wait3A_255[%add3A_243, %dma_wait3A_256] : memref<103x128xi32, #tpu.memory_space<hbm>> -> memref<1x128xi32, #tpu.memory_space<hbm>>
      %dma_wait3A_258 = arith.constant 1 : i32
      %dma_wait3A_259 = arith.constant 0 : i32
      %dma_wait3A_260 = tpu.memref_slice %arg8[%dma_wait3A_258, %dma_wait3A_259] : memref<2x128xi32, #tpu.memory_space<vmem>> -> memref<1x128xi32, #tpu.memory_space<vmem>>
      %dma_wait3A_261 = arith.constant 0 : i32
      %dma_wait3A_262 = arith.constant 0 : i32
      %dma_wait3A_263 = arith.constant 0 : i32
      %dma_wait3A_264 = tpu.memref_slice %arg4[%arg1, %dma_wait3A_261, %dma_wait3A_262, %dma_wait3A_263] : memref<16x2x103x128xi32, #tpu.memory_space<hbm>> -> memref<1x2x103x128xi32, #tpu.memory_space<hbm>>
      %dma_wait3A_265 = tpu.memref_squeeze %dma_wait3A_264 : memref<1x2x103x128xi32, #tpu.memory_space<hbm>> -> memref<2x103x128xi32, #tpu.memory_space<hbm>>
      %dma_wait3A_266 = arith.constant 0 : i32
      %dma_wait3A_267 = arith.constant 0 : i32
      %dma_wait3A_268 = tpu.memref_slice %dma_wait3A_265[%arg0, %dma_wait3A_266, %dma_wait3A_267] : memref<2x103x128xi32, #tpu.memory_space<hbm>> -> memref<1x103x128xi32, #tpu.memory_space<hbm>>
      %dma_wait3A_269 = tpu.memref_squeeze %dma_wait3A_268 : memref<1x103x128xi32, #tpu.memory_space<hbm>> -> memref<103x128xi32, #tpu.memory_space<hbm>>
      %dma_wait3A_270 = arith.constant 0 : i32
      %dma_wait3A_271 = tpu.memref_slice %dma_wait3A_269[%add3A_243, %dma_wait3A_270] : memref<103x128xi32, #tpu.memory_space<hbm>> -> memref<1x128xi32, #tpu.memory_space<hbm>>
      tpu.wait_dma2 semaphore(%arg15 : memref<!tpu.dma_semaphore, #tpu.memory_space<semaphore_mem>>) src(%dma_wait3A_271 : memref<1x128xi32, #tpu.memory_space<hbm>>) dst(%dma_wait3A_260 : memref<1x128xi32, #tpu.memory_space<vmem>>)
      %run_scoped3A_272 = arith.constant 1 : i32
      "tpu.region"() ({
        %run_scoped3A_278 = tpu.sem_alloc : memref<!tpu.dma_semaphore, #tpu.memory_space<semaphore_mem>>
        %dma_start3A_279 = arith.constant 0 : i32
        %dma_start3A_280 = tpu.memref_slice %arg8[%run_scoped3A_272, %dma_start3A_279] : memref<2x128xi32, #tpu.memory_space<vmem>> -> memref<1x128xi32, #tpu.memory_space<vmem>>
        %dma_start3A_281 = tpu.memref_squeeze %dma_start3A_280 : memref<1x128xi32, #tpu.memory_space<vmem>> -> memref<128xi32, #tpu.memory_space<vmem>>
        %dma_start3A_282 = arith.constant 0 : i32
        %dma_start3A_283 = arith.constant 0 : i32
        %dma_start3A_284 = tpu.memref_slice %arg11[%dma_start3A_282, %dma_start3A_283] : memref<10240x128xf32, #tpu.memory_space<vmem_shared>> -> memref<10240x128xf32, #tpu.memory_space<vmem_shared>>
        tpu.enqueue_indirect_dma source(%arg10 : memref<128x128xf32, #tpu.memory_space<vmem>>) target(%dma_start3A_284 : memref<10240x128xf32, #tpu.memory_space<vmem_shared>>) offsets(%dma_start3A_281 : memref<128xi32, #tpu.memory_space<vmem>>) semaphore(%run_scoped3A_278 : memref<!tpu.dma_semaphore, #tpu.memory_space<semaphore_mem>>) {add = true}
        %dma_wait3A_285 = arith.constant 0 : i32
        %dma_wait3A_286 = tpu.memref_slice %arg8[%run_scoped3A_272, %dma_wait3A_285] : memref<2x128xi32, #tpu.memory_space<vmem>> -> memref<1x128xi32, #tpu.memory_space<vmem>>
        %dma_wait3A_287 = tpu.memref_squeeze %dma_wait3A_286 : memref<1x128xi32, #tpu.memory_space<vmem>> -> memref<128xi32, #tpu.memory_space<vmem>>
        %dma_wait3A_288 = arith.constant 0 : i32
        %dma_wait3A_289 = arith.constant 0 : i32
        %dma_wait3A_290 = tpu.memref_slice %arg11[%dma_wait3A_288, %dma_wait3A_289] : memref<10240x128xf32, #tpu.memory_space<vmem_shared>> -> memref<10240x128xf32, #tpu.memory_space<vmem_shared>>
        tpu.wait_indirect_dma semaphore(%run_scoped3A_278 : memref<!tpu.dma_semaphore, #tpu.memory_space<semaphore_mem>>) src(%arg10 : memref<128x128xf32, #tpu.memory_space<vmem>>) dst(%dma_wait3A_290 : memref<10240x128xf32, #tpu.memory_space<vmem_shared>>)
        tpu.yield
      }) : () -> ()
      %sub3A_273 = arith.constant 1 : i32
      %sub3A_274 = arith.subi %select_n3A_21, %sub3A_273 : i32
      %lt3A = arith.cmpi slt, %add3A_158, %sub3A_274 : i32
      %convert_element_type3A_275 = arith.extui %lt3A : i1 to i32
      %cond3A_276 = arith.constant 0 : i32
      %cond3A_277 = arith.cmpi ne, %convert_element_type3A_275, %cond3A_276 : i32
      scf.if %cond3A_277 {
        %add3A_278 = arith.constant 3 : i32
        %add3A_279 = arith.addi %mul3A_160, %add3A_278 : i32
        %dma_start3A_280 = arith.constant 1 : i32
        %dma_start3A_281 = arith.constant 0 : i32
        %dma_start3A_282 = tpu.memref_slice %arg8[%dma_start3A_280, %dma_start3A_281] : memref<2x128xi32, #tpu.memory_space<vmem>> -> memref<1x128xi32, #tpu.memory_space<vmem>>
        %dma_start3A_283 = arith.constant 0 : i32
        %dma_start3A_284 = arith.constant 0 : i32
        %dma_start3A_285 = arith.constant 0 : i32
        %dma_start3A_286 = tpu.memref_slice %arg4[%arg1, %dma_start3A_283, %dma_start3A_284, %dma_start3A_285] : memref<16x2x103x128xi32, #tpu.memory_space<hbm>> -> memref<1x2x103x128xi32, #tpu.memory_space<hbm>>
        %dma_start3A_287 = tpu.memref_squeeze %dma_start3A_286 : memref<1x2x103x128xi32, #tpu.memory_space<hbm>> -> memref<2x103x128xi32, #tpu.memory_space<hbm>>
        %dma_start3A_288 = arith.constant 0 : i32
        %dma_start3A_289 = arith.constant 0 : i32
        %dma_start3A_290 = tpu.memref_slice %dma_start3A_287[%arg0, %dma_start3A_288, %dma_start3A_289] : memref<2x103x128xi32, #tpu.memory_space<hbm>> -> memref<1x103x128xi32, #tpu.memory_space<hbm>>
        %dma_start3A_291 = tpu.memref_squeeze %dma_start3A_290 : memref<1x103x128xi32, #tpu.memory_space<hbm>> -> memref<103x128xi32, #tpu.memory_space<hbm>>
        %dma_start3A_292 = arith.constant 0 : i32
        %dma_start3A_293 = tpu.memref_slice %dma_start3A_291[%add3A_279, %dma_start3A_292] : memref<103x128xi32, #tpu.memory_space<hbm>> -> memref<1x128xi32, #tpu.memory_space<hbm>>
        %dma_start3A_294 = arith.constant 1 : i32
        %dma_start3A_295 = arith.constant 0 : i32
        %dma_start3A_296 = tpu.memref_slice %arg8[%dma_start3A_294, %dma_start3A_295] : memref<2x128xi32, #tpu.memory_space<vmem>> -> memref<1x128xi32, #tpu.memory_space<vmem>>
        %dma_start3A_297 = arith.constant 0 : i32
        %dma_start3A_298 = arith.constant 0 : i32
        %dma_start3A_299 = arith.constant 0 : i32
        %dma_start3A_300 = tpu.memref_slice %arg4[%arg1, %dma_start3A_297, %dma_start3A_298, %dma_start3A_299] : memref<16x2x103x128xi32, #tpu.memory_space<hbm>> -> memref<1x2x103x128xi32, #tpu.memory_space<hbm>>
        %dma_start3A_301 = tpu.memref_squeeze %dma_start3A_300 : memref<1x2x103x128xi32, #tpu.memory_space<hbm>> -> memref<2x103x128xi32, #tpu.memory_space<hbm>>
        %dma_start3A_302 = arith.constant 0 : i32
        %dma_start3A_303 = arith.constant 0 : i32
        %dma_start3A_304 = tpu.memref_slice %dma_start3A_301[%arg0, %dma_start3A_302, %dma_start3A_303] : memref<2x103x128xi32, #tpu.memory_space<hbm>> -> memref<1x103x128xi32, #tpu.memory_space<hbm>>
        %dma_start3A_305 = tpu.memref_squeeze %dma_start3A_304 : memref<1x103x128xi32, #tpu.memory_space<hbm>> -> memref<103x128xi32, #tpu.memory_space<hbm>>
        %dma_start3A_306 = arith.constant 0 : i32
        %dma_start3A_307 = tpu.memref_slice %dma_start3A_305[%add3A_279, %dma_start3A_306] : memref<103x128xi32, #tpu.memory_space<hbm>> -> memref<1x128xi32, #tpu.memory_space<hbm>>
        tpu.enqueue_dma source(%dma_start3A_307 : memref<1x128xi32, #tpu.memory_space<hbm>>) target(%dma_start3A_296 : memref<1x128xi32, #tpu.memory_space<vmem>>) target_semaphore(%arg15 : memref<!tpu.dma_semaphore, #tpu.memory_space<semaphore_mem>>)
        %add3A_308 = arith.constant 3 : i32
        %add3A_309 = arith.addi %mul3A_160, %add3A_308 : i32
        %dma_start3A_310 = arith.constant 0 : i32
        %dma_start3A_311 = tpu.memref_slice %arg7[%add3A_309, %dma_start3A_310] : memref<103x128xi32, #tpu.memory_space<vmem>> -> memref<1x128xi32, #tpu.memory_space<vmem>>
        %dma_start3A_312 = tpu.memref_squeeze %dma_start3A_311 : memref<1x128xi32, #tpu.memory_space<vmem>> -> memref<128xi32, #tpu.memory_space<vmem>>
        %dma_start3A_313 = arith.constant 0 : i32
        %dma_start3A_314 = arith.constant 0 : i32
        %dma_start3A_315 = tpu.memref_slice %arg2[%dma_start3A_313, %dma_start3A_314] : memref<10000x128xf32, #tpu.memory_space<hbm>> -> memref<10000x128xf32, #tpu.memory_space<hbm>>
        tpu.enqueue_indirect_dma source(%dma_start3A_315 : memref<10000x128xf32, #tpu.memory_space<hbm>>) target(%arg10 : memref<128x128xf32, #tpu.memory_space<vmem>>) offsets(%dma_start3A_312 : memref<128xi32, #tpu.memory_space<vmem>>) semaphore(%arg13 : memref<!tpu.dma_semaphore, #tpu.memory_space<semaphore_mem>>)
      } else {
      }
    }
    %sub3A_115 = arith.constant 1 : i32
    %sub3A_116 = arith.subi %select_n3A, %sub3A_115 : i32
    %dma_wait3A = arith.constant 0 : i32
    %dma_wait3A_117 = tpu.memref_slice %arg7[%sub3A_116, %dma_wait3A] : memref<103x128xi32, #tpu.memory_space<vmem>> -> memref<1x128xi32, #tpu.memory_space<vmem>>
    %dma_wait3A_118 = tpu.memref_squeeze %dma_wait3A_117 : memref<1x128xi32, #tpu.memory_space<vmem>> -> memref<128xi32, #tpu.memory_space<vmem>>
    %dma_wait3A_119 = arith.constant 0 : i32
    %dma_wait3A_120 = arith.constant 0 : i32
    %dma_wait3A_121 = tpu.memref_slice %arg2[%dma_wait3A_119, %dma_wait3A_120] : memref<10000x128xf32, #tpu.memory_space<hbm>> -> memref<10000x128xf32, #tpu.memory_space<hbm>>
    tpu.wait_indirect_dma semaphore(%arg12 : memref<!tpu.dma_semaphore, #tpu.memory_space<semaphore_mem>>) src(%dma_wait3A_121 : memref<10000x128xf32, #tpu.memory_space<hbm>>) dst(%arg9 : memref<128x128xf32, #tpu.memory_space<vmem>>)
    %sub3A_122 = arith.constant 1 : i32
    %sub3A_123 = arith.subi %select_n3A, %sub3A_122 : i32
    %dma_wait3A_124 = arith.constant 0 : i32
    %dma_wait3A_125 = arith.constant 0 : i32
    %dma_wait3A_126 = tpu.memref_slice %arg8[%dma_wait3A_124, %dma_wait3A_125] : memref<2x128xi32, #tpu.memory_space<vmem>> -> memref<1x128xi32, #tpu.memory_space<vmem>>
    %dma_wait3A_127 = arith.constant 0 : i32
    %dma_wait3A_128 = arith.constant 0 : i32
    %dma_wait3A_129 = arith.constant 0 : i32
    %dma_wait3A_130 = tpu.memref_slice %arg4[%arg1, %dma_wait3A_127, %dma_wait3A_128, %dma_wait3A_129] : memref<16x2x103x128xi32, #tpu.memory_space<hbm>> -> memref<1x2x103x128xi32, #tpu.memory_space<hbm>>
    %dma_wait3A_131 = tpu.memref_squeeze %dma_wait3A_130 : memref<1x2x103x128xi32, #tpu.memory_space<hbm>> -> memref<2x103x128xi32, #tpu.memory_space<hbm>>
    %dma_wait3A_132 = arith.constant 0 : i32
    %dma_wait3A_133 = arith.constant 0 : i32
    %dma_wait3A_134 = tpu.memref_slice %dma_wait3A_131[%arg0, %dma_wait3A_132, %dma_wait3A_133] : memref<2x103x128xi32, #tpu.memory_space<hbm>> -> memref<1x103x128xi32, #tpu.memory_space<hbm>>
    %dma_wait3A_135 = tpu.memref_squeeze %dma_wait3A_134 : memref<1x103x128xi32, #tpu.memory_space<hbm>> -> memref<103x128xi32, #tpu.memory_space<hbm>>
    %dma_wait3A_136 = arith.constant 0 : i32
    %dma_wait3A_137 = tpu.memref_slice %dma_wait3A_135[%sub3A_123, %dma_wait3A_136] : memref<103x128xi32, #tpu.memory_space<hbm>> -> memref<1x128xi32, #tpu.memory_space<hbm>>
    %dma_wait3A_138 = arith.constant 0 : i32
    %dma_wait3A_139 = arith.constant 0 : i32
    %dma_wait3A_140 = tpu.memref_slice %arg8[%dma_wait3A_138, %dma_wait3A_139] : memref<2x128xi32, #tpu.memory_space<vmem>> -> memref<1x128xi32, #tpu.memory_space<vmem>>
    %dma_wait3A_141 = arith.constant 0 : i32
    %dma_wait3A_142 = arith.constant 0 : i32
    %dma_wait3A_143 = arith.constant 0 : i32
    %dma_wait3A_144 = tpu.memref_slice %arg4[%arg1, %dma_wait3A_141, %dma_wait3A_142, %dma_wait3A_143] : memref<16x2x103x128xi32, #tpu.memory_space<hbm>> -> memref<1x2x103x128xi32, #tpu.memory_space<hbm>>
    %dma_wait3A_145 = tpu.memref_squeeze %dma_wait3A_144 : memref<1x2x103x128xi32, #tpu.memory_space<hbm>> -> memref<2x103x128xi32, #tpu.memory_space<hbm>>
    %dma_wait3A_146 = arith.constant 0 : i32
    %dma_wait3A_147 = arith.constant 0 : i32
    %dma_wait3A_148 = tpu.memref_slice %dma_wait3A_145[%arg0, %dma_wait3A_146, %dma_wait3A_147] : memref<2x103x128xi32, #tpu.memory_space<hbm>> -> memref<1x103x128xi32, #tpu.memory_space<hbm>>
    %dma_wait3A_149 = tpu.memref_squeeze %dma_wait3A_148 : memref<1x103x128xi32, #tpu.memory_space<hbm>> -> memref<103x128xi32, #tpu.memory_space<hbm>>
    %dma_wait3A_150 = arith.constant 0 : i32
    %dma_wait3A_151 = tpu.memref_slice %dma_wait3A_149[%sub3A_123, %dma_wait3A_150] : memref<103x128xi32, #tpu.memory_space<hbm>> -> memref<1x128xi32, #tpu.memory_space<hbm>>
    tpu.wait_dma2 semaphore(%arg14 : memref<!tpu.dma_semaphore, #tpu.memory_space<semaphore_mem>>) src(%dma_wait3A_151 : memref<1x128xi32, #tpu.memory_space<hbm>>) dst(%dma_wait3A_140 : memref<1x128xi32, #tpu.memory_space<vmem>>)
    %run_scoped3A = arith.constant 0 : i32
    "tpu.region"() ({
      %run_scoped3A_156 = tpu.sem_alloc : memref<!tpu.dma_semaphore, #tpu.memory_space<semaphore_mem>>
      %dma_start3A_157 = arith.constant 0 : i32
      %dma_start3A_158 = tpu.memref_slice %arg8[%run_scoped3A, %dma_start3A_157] : memref<2x128xi32, #tpu.memory_space<vmem>> -> memref<1x128xi32, #tpu.memory_space<vmem>>
      %dma_start3A_159 = tpu.memref_squeeze %dma_start3A_158 : memref<1x128xi32, #tpu.memory_space<vmem>> -> memref<128xi32, #tpu.memory_space<vmem>>
      %dma_start3A_160 = arith.constant 0 : i32
      %dma_start3A_161 = arith.constant 0 : i32
      %dma_start3A_162 = tpu.memref_slice %arg11[%dma_start3A_160, %dma_start3A_161] : memref<10240x128xf32, #tpu.memory_space<vmem_shared>> -> memref<10240x128xf32, #tpu.memory_space<vmem_shared>>
      tpu.enqueue_indirect_dma source(%arg9 : memref<128x128xf32, #tpu.memory_space<vmem>>) target(%dma_start3A_162 : memref<10240x128xf32, #tpu.memory_space<vmem_shared>>) offsets(%dma_start3A_159 : memref<128xi32, #tpu.memory_space<vmem>>) semaphore(%run_scoped3A_156 : memref<!tpu.dma_semaphore, #tpu.memory_space<semaphore_mem>>) {add = true}
      %dma_wait3A_163 = arith.constant 0 : i32
      %dma_wait3A_164 = tpu.memref_slice %arg8[%run_scoped3A, %dma_wait3A_163] : memref<2x128xi32, #tpu.memory_space<vmem>> -> memref<1x128xi32, #tpu.memory_space<vmem>>
      %dma_wait3A_165 = tpu.memref_squeeze %dma_wait3A_164 : memref<1x128xi32, #tpu.memory_space<vmem>> -> memref<128xi32, #tpu.memory_space<vmem>>
      %dma_wait3A_166 = arith.constant 0 : i32
      %dma_wait3A_167 = arith.constant 0 : i32
      %dma_wait3A_168 = tpu.memref_slice %arg11[%dma_wait3A_166, %dma_wait3A_167] : memref<10240x128xf32, #tpu.memory_space<vmem_shared>> -> memref<10240x128xf32, #tpu.memory_space<vmem_shared>>
      tpu.wait_indirect_dma semaphore(%run_scoped3A_156 : memref<!tpu.dma_semaphore, #tpu.memory_space<semaphore_mem>>) src(%arg9 : memref<128x128xf32, #tpu.memory_space<vmem>>) dst(%dma_wait3A_168 : memref<10240x128xf32, #tpu.memory_space<vmem_shared>>)
      tpu.yield
    }) : () -> ()
    %barrier3A_152 = arith.constant 0 : index
    tpu.barrier barrier_id(%barrier3A_152)
    %mul3A = arith.constant 640 : i32
    %mul3A_153 = arith.muli %arg1, %mul3A : i32
    %mul3A_154 = arith.constant 640 : i32
    %mul3A_155 = arith.muli %arg1, %mul3A_154 : i32
    "tpu.region"() ({
      %run_scoped3A_156 = tpu.sem_alloc : memref<!tpu.dma_semaphore, #tpu.memory_space<semaphore_mem>>
      %dma_start3A_157 = arith.constant 0 : i32
      %dma_start3A_158 = arith.constant 0 : i32
      %dma_start3A_159 = tpu.memref_slice %arg6[%arg0, %dma_start3A_157, %dma_start3A_158] : memref<2x10240x128xf32, #tpu.memory_space<hbm>> -> memref<1x10240x128xf32, #tpu.memory_space<hbm>>
      %dma_start3A_160 = tpu.memref_squeeze %dma_start3A_159 : memref<1x10240x128xf32, #tpu.memory_space<hbm>> -> memref<10240x128xf32, #tpu.memory_space<hbm>>
      %dma_start3A_161 = arith.constant 0 : i32
      %dma_start3A_162 = tpu.memref_slice %dma_start3A_160[%mul3A_155, %dma_start3A_161] : memref<10240x128xf32, #tpu.memory_space<hbm>> -> memref<640x128xf32, #tpu.memory_space<hbm>>
      %dma_start3A_163 = arith.constant 0 : i32
      %dma_start3A_164 = tpu.memref_slice %arg11[%mul3A_153, %dma_start3A_163] : memref<10240x128xf32, #tpu.memory_space<vmem_shared>> -> memref<640x128xf32, #tpu.memory_space<vmem_shared>>
      tpu.enqueue_dma source(%dma_start3A_164 : memref<640x128xf32, #tpu.memory_space<vmem_shared>>) target(%dma_start3A_162 : memref<640x128xf32, #tpu.memory_space<hbm>>) target_semaphore(%run_scoped3A_156 : memref<!tpu.dma_semaphore, #tpu.memory_space<semaphore_mem>>)
      %dma_wait3A_165 = arith.constant 0 : i32
      %dma_wait3A_166 = arith.constant 0 : i32
      %dma_wait3A_167 = tpu.memref_slice %arg6[%arg0, %dma_wait3A_165, %dma_wait3A_166] : memref<2x10240x128xf32, #tpu.memory_space<hbm>> -> memref<1x10240x128xf32, #tpu.memory_space<hbm>>
      %dma_wait3A_168 = tpu.memref_squeeze %dma_wait3A_167 : memref<1x10240x128xf32, #tpu.memory_space<hbm>> -> memref<10240x128xf32, #tpu.memory_space<hbm>>
      %dma_wait3A_169 = arith.constant 0 : i32
      %dma_wait3A_170 = tpu.memref_slice %dma_wait3A_168[%mul3A_155, %dma_wait3A_169] : memref<10240x128xf32, #tpu.memory_space<hbm>> -> memref<640x128xf32, #tpu.memory_space<hbm>>
      %dma_wait3A_171 = arith.constant 0 : i32
      %dma_wait3A_172 = tpu.memref_slice %arg11[%mul3A_153, %dma_wait3A_171] : memref<10240x128xf32, #tpu.memory_space<vmem_shared>> -> memref<640x128xf32, #tpu.memory_space<vmem_shared>>
      tpu.wait_dma2 semaphore(%run_scoped3A_156 : memref<!tpu.dma_semaphore, #tpu.memory_space<semaphore_mem>>) src(%dma_wait3A_172 : memref<640x128xf32, #tpu.memory_space<vmem_shared>>) dst(%dma_wait3A_170 : memref<640x128xf32, #tpu.memory_space<hbm>>)
      tpu.yield
    }) : () -> ()
    return
  }
}

#map = affine_map<(d0, d1) -> (0, 0)>
#map1 = affine_map<(d0, d1) -> (0, 0, 0, 0)>
#map2 = affine_map<(d0, d1) -> (0, 0, 0)>
module attributes {stable_mosaic.version = 14 : i64} {
  func.func @_segsum_body(%arg0: i32, %arg1: i32, %arg2: memref<10000x128xf32, #tpu.memory_space<hbm>>, %arg3: memref<16x2x103x128xi32, #tpu.memory_space<hbm>>, %arg4: memref<16x2x103x128xi32, #tpu.memory_space<hbm>>, %arg5: memref<10240x128xf32, #tpu.memory_space<hbm>>, %arg6: memref<2x10240x128xf32, #tpu.memory_space<hbm>>, %arg7: memref<103x128xi32, #tpu.memory_space<vmem>>, %arg8: memref<2x128xi32, #tpu.memory_space<vmem>>, %arg9: memref<128x128xf32, #tpu.memory_space<vmem>>, %arg10: memref<128x128xf32, #tpu.memory_space<vmem>>, %arg11: memref<10240x128xf32, #tpu.memory_space<vmem_shared>>, %arg12: memref<!tpu.dma_semaphore, #tpu.memory_space<semaphore_mem>>, %arg13: memref<!tpu.dma_semaphore, #tpu.memory_space<semaphore_mem>>, %arg14: memref<!tpu.dma_semaphore, #tpu.memory_space<semaphore_mem>>, %arg15: memref<!tpu.dma_semaphore, #tpu.memory_space<semaphore_mem>>) attributes {dimension_semantics = [#tpu.dimension_semantics<core_parallel>, #tpu.dimension_semantics<subcore_parallel>], iteration_bounds = array<i64: 2, 16>, scalar_prefetch = 0 : i64, scratch_operands = 9 : i64, tpu.core_type = #tpu.core_type<sc_vector_subcore>, window_params = [{transform_indices = #map}, {transform_indices = #map1}, {transform_indices = #map1}, {transform_indices = #map}, {transform_indices = #map2}]} {
    %eq3A = arith.constant 0 : i32
    %eq3A_0 = arith.cmpi eq, %arg0, %eq3A : i32
    %jit3A = arith.constant 103 : i32
    %jit3A_1 = arith.constant 55 : i32
    %select_n3A = arith.select %eq3A_0, %jit3A, %jit3A_1 : i32
    %sub3A = arith.constant 1 : i32
    %sub3A_2 = arith.subi %select_n3A, %sub3A : i32
    %jit3A_3 = arith.constant 2 : i32
    %div3A = arith.divsi %sub3A_2, %jit3A_3 : i32
    %sign3A = arith.constant 0 : i32
    %sign3A_4 = arith.cmpi sgt, %sub3A_2, %sign3A : i32
    %sign3A_5 = arith.extui %sign3A_4 : i1 to i32
    %sign3A_6 = arith.constant 0 : i32
    %sign3A_7 = arith.cmpi slt, %sub3A_2, %sign3A_6 : i32
    %sign3A_8 = arith.extui %sign3A_7 : i1 to i32
    %sign3A_9 = arith.subi %sign3A_5, %sign3A_8 : i32
    %sign3A_10 = arith.constant 0 : i32
    %sign3A_11 = arith.cmpi sgt, %jit3A_3, %sign3A_10 : i32
    %sign3A_12 = arith.extui %sign3A_11 : i1 to i32
    %sign3A_13 = arith.constant 0 : i32
    %sign3A_14 = arith.cmpi slt, %jit3A_3, %sign3A_13 : i32
    %sign3A_15 = arith.extui %sign3A_14 : i1 to i32
    %sign3A_16 = arith.subi %sign3A_12, %sign3A_15 : i32
    %ne3A = arith.cmpi ne, %sign3A_9, %sign3A_16 : i32
    %rem3A = arith.remsi %sub3A_2, %jit3A_3 : i32
    %ne3A_17 = arith.constant 0 : i32
    %ne3A_18 = arith.cmpi ne, %rem3A, %ne3A_17 : i32
    %and3A = arith.andi %ne3A, %ne3A_18 : i1
    %sub3A_19 = arith.constant 1 : i32
    %sub3A_20 = arith.subi %div3A, %sub3A_19 : i32
    %select_n3A_21 = arith.select %and3A, %sub3A_20, %div3A : i32
    "tpu.region"() ({
      %run_scoped3A_156 = tpu.sem_alloc : memref<!tpu.dma_semaphore, #tpu.memory_space<semaphore_mem>>
      %dma_start3A_157 = arith.constant 0 : i32
      %dma_start3A_158 = arith.constant 0 : i32
      %dma_start3A_159 = arith.constant 0 : i32
      %dma_start3A_160 = tpu.memref_slice %arg3[%arg1, %dma_start3A_157, %dma_start3A_158, %dma_start3A_159] : memref<16x2x103x128xi32, #tpu.memory_space<hbm>> -> memref<1x2x103x128xi32, #tpu.memory_space<hbm>>
      %dma_start3A_161 = tpu.memref_squeeze %dma_start3A_160 : memref<1x2x103x128xi32, #tpu.memory_space<hbm>> -> memref<2x103x128xi32, #tpu.memory_space<hbm>>
      %dma_start3A_162 = arith.constant 0 : i32
      %dma_start3A_163 = arith.constant 0 : i32
      %dma_start3A_164 = tpu.memref_slice %dma_start3A_161[%arg0, %dma_start3A_162, %dma_start3A_163] : memref<2x103x128xi32, #tpu.memory_space<hbm>> -> memref<1x103x128xi32, #tpu.memory_space<hbm>>
      %dma_start3A_165 = tpu.memref_squeeze %dma_start3A_164 : memref<1x103x128xi32, #tpu.memory_space<hbm>> -> memref<103x128xi32, #tpu.memory_space<hbm>>
      %dma_start3A_166 = arith.constant 0 : i32
      %dma_start3A_167 = arith.constant 0 : i32
      %dma_start3A_168 = arith.constant 0 : i32
      %dma_start3A_169 = tpu.memref_slice %arg3[%arg1, %dma_start3A_166, %dma_start3A_167, %dma_start3A_168] : memref<16x2x103x128xi32, #tpu.memory_space<hbm>> -> memref<1x2x103x128xi32, #tpu.memory_space<hbm>>
      %dma_start3A_170 = tpu.memref_squeeze %dma_start3A_169 : memref<1x2x103x128xi32, #tpu.memory_space<hbm>> -> memref<2x103x128xi32, #tpu.memory_space<hbm>>
      %dma_start3A_171 = arith.constant 0 : i32
      %dma_start3A_172 = arith.constant 0 : i32
      %dma_start3A_173 = tpu.memref_slice %dma_start3A_170[%arg0, %dma_start3A_171, %dma_start3A_172] : memref<2x103x128xi32, #tpu.memory_space<hbm>> -> memref<1x103x128xi32, #tpu.memory_space<hbm>>
      %dma_start3A_174 = tpu.memref_squeeze %dma_start3A_173 : memref<1x103x128xi32, #tpu.memory_space<hbm>> -> memref<103x128xi32, #tpu.memory_space<hbm>>
      tpu.enqueue_dma source(%dma_start3A_174 : memref<103x128xi32, #tpu.memory_space<hbm>>) target(%arg7 : memref<103x128xi32, #tpu.memory_space<vmem>>) target_semaphore(%run_scoped3A_156 : memref<!tpu.dma_semaphore, #tpu.memory_space<semaphore_mem>>)
      %dma_wait3A_175 = arith.constant 0 : i32
      %dma_wait3A_176 = arith.constant 0 : i32
      %dma_wait3A_177 = arith.constant 0 : i32
      %dma_wait3A_178 = tpu.memref_slice %arg3[%arg1, %dma_wait3A_175, %dma_wait3A_176, %dma_wait3A_177] : memref<16x2x103x128xi32, #tpu.memory_space<hbm>> -> memref<1x2x103x128xi32, #tpu.memory_space<hbm>>
      %dma_wait3A_179 = tpu.memref_squeeze %dma_wait3A_178 : memref<1x2x103x128xi32, #tpu.memory_space<hbm>> -> memref<2x103x128xi32, #tpu.memory_space<hbm>>
      %dma_wait3A_180 = arith.constant 0 : i32
      %dma_wait3A_181 = arith.constant 0 : i32
      %dma_wait3A_182 = tpu.memref_slice %dma_wait3A_179[%arg0, %dma_wait3A_180, %dma_wait3A_181] : memref<2x103x128xi32, #tpu.memory_space<hbm>> -> memref<1x103x128xi32, #tpu.memory_space<hbm>>
      %dma_wait3A_183 = tpu.memref_squeeze %dma_wait3A_182 : memref<1x103x128xi32, #tpu.memory_space<hbm>> -> memref<103x128xi32, #tpu.memory_space<hbm>>
      %dma_wait3A_184 = arith.constant 0 : i32
      %dma_wait3A_185 = arith.constant 0 : i32
      %dma_wait3A_186 = arith.constant 0 : i32
      %dma_wait3A_187 = tpu.memref_slice %arg3[%arg1, %dma_wait3A_184, %dma_wait3A_185, %dma_wait3A_186] : memref<16x2x103x128xi32, #tpu.memory_space<hbm>> -> memref<1x2x103x128xi32, #tpu.memory_space<hbm>>
      %dma_wait3A_188 = tpu.memref_squeeze %dma_wait3A_187 : memref<1x2x103x128xi32, #tpu.memory_space<hbm>> -> memref<2x103x128xi32, #tpu.memory_space<hbm>>
      %dma_wait3A_189 = arith.constant 0 : i32
      %dma_wait3A_190 = arith.constant 0 : i32
      %dma_wait3A_191 = tpu.memref_slice %dma_wait3A_188[%arg0, %dma_wait3A_189, %dma_wait3A_190] : memref<2x103x128xi32, #tpu.memory_space<hbm>> -> memref<1x103x128xi32, #tpu.memory_space<hbm>>
      %dma_wait3A_192 = tpu.memref_squeeze %dma_wait3A_191 : memref<1x103x128xi32, #tpu.memory_space<hbm>> -> memref<103x128xi32, #tpu.memory_space<hbm>>
      tpu.wait_dma2 semaphore(%run_scoped3A_156 : memref<!tpu.dma_semaphore, #tpu.memory_space<semaphore_mem>>) src(%dma_wait3A_192 : memref<103x128xi32, #tpu.memory_space<hbm>>) dst(%arg7 : memref<103x128xi32, #tpu.memory_space<vmem>>)
      tpu.yield
    }) : () -> ()
    %eq3A_22 = arith.constant 0 : i32
    %eq3A_23 = arith.cmpi eq, %arg1, %eq3A_22 : i32
    %convert_element_type3A = arith.extui %eq3A_23 : i1 to i32
    %cond3A = arith.constant 0 : i32
    %cond3A_24 = arith.cmpi ne, %convert_element_type3A, %cond3A : i32
    scf.if %cond3A_24 {
      "tpu.region"() ({
        %run_scoped3A_156 = tpu.sem_alloc : memref<!tpu.dma_semaphore, #tpu.memory_space<semaphore_mem>>
        tpu.enqueue_dma source(%arg5 : memref<10240x128xf32, #tpu.memory_space<hbm>>) target(%arg11 : memref<10240x128xf32, #tpu.memory_space<vmem_shared>>) target_semaphore(%run_scoped3A_156 : memref<!tpu.dma_semaphore, #tpu.memory_space<semaphore_mem>>)
        tpu.wait_dma2 semaphore(%run_scoped3A_156 : memref<!tpu.dma_semaphore, #tpu.memory_space<semaphore_mem>>) src(%arg5 : memref<10240x128xf32, #tpu.memory_space<hbm>>) dst(%arg11 : memref<10240x128xf32, #tpu.memory_space<vmem_shared>>)
        tpu.yield
      }) : () -> ()
    } else {
    }
    %barrier3A = arith.constant 0 : index
    tpu.barrier barrier_id(%barrier3A)
    %dma_start3A = arith.constant 0 : i32
    %dma_start3A_25 = arith.constant 0 : i32
    %dma_start3A_26 = tpu.memref_slice %arg8[%dma_start3A, %dma_start3A_25] : memref<2x128xi32, #tpu.memory_space<vmem>> -> memref<1x128xi32, #tpu.memory_space<vmem>>
    %dma_start3A_27 = arith.constant 0 : i32
    %dma_start3A_28 = arith.constant 0 : i32
    %dma_start3A_29 = arith.constant 0 : i32
    %dma_start3A_30 = tpu.memref_slice %arg4[%arg1, %dma_start3A_27, %dma_start3A_28, %dma_start3A_29] : memref<16x2x103x128xi32, #tpu.memory_space<hbm>> -> memref<1x2x103x128xi32, #tpu.memory_space<hbm>>
    %dma_start3A_31 = tpu.memref_squeeze %dma_start3A_30 : memref<1x2x103x128xi32, #tpu.memory_space<hbm>> -> memref<2x103x128xi32, #tpu.memory_space<hbm>>
    %dma_start3A_32 = arith.constant 0 : i32
    %dma_start3A_33 = arith.constant 0 : i32
    %dma_start3A_34 = tpu.memref_slice %dma_start3A_31[%arg0, %dma_start3A_32, %dma_start3A_33] : memref<2x103x128xi32, #tpu.memory_space<hbm>> -> memref<1x103x128xi32, #tpu.memory_space<hbm>>
    %dma_start3A_35 = tpu.memref_squeeze %dma_start3A_34 : memref<1x103x128xi32, #tpu.memory_space<hbm>> -> memref<103x128xi32, #tpu.memory_space<hbm>>
    %dma_start3A_36 = arith.constant 0 : i32
    %dma_start3A_37 = arith.constant 0 : i32
    %dma_start3A_38 = tpu.memref_slice %dma_start3A_35[%dma_start3A_36, %dma_start3A_37] : memref<103x128xi32, #tpu.memory_space<hbm>> -> memref<1x128xi32, #tpu.memory_space<hbm>>
    %dma_start3A_39 = arith.constant 0 : i32
    %dma_start3A_40 = arith.constant 0 : i32
    %dma_start3A_41 = tpu.memref_slice %arg8[%dma_start3A_39, %dma_start3A_40] : memref<2x128xi32, #tpu.memory_space<vmem>> -> memref<1x128xi32, #tpu.memory_space<vmem>>
    %dma_start3A_42 = arith.constant 0 : i32
    %dma_start3A_43 = arith.constant 0 : i32
    %dma_start3A_44 = arith.constant 0 : i32
    %dma_start3A_45 = tpu.memref_slice %arg4[%arg1, %dma_start3A_42, %dma_start3A_43, %dma_start3A_44] : memref<16x2x103x128xi32, #tpu.memory_space<hbm>> -> memref<1x2x103x128xi32, #tpu.memory_space<hbm>>
    %dma_start3A_46 = tpu.memref_squeeze %dma_start3A_45 : memref<1x2x103x128xi32, #tpu.memory_space<hbm>> -> memref<2x103x128xi32, #tpu.memory_space<hbm>>
    %dma_start3A_47 = arith.constant 0 : i32
    %dma_start3A_48 = arith.constant 0 : i32
    %dma_start3A_49 = tpu.memref_slice %dma_start3A_46[%arg0, %dma_start3A_47, %dma_start3A_48] : memref<2x103x128xi32, #tpu.memory_space<hbm>> -> memref<1x103x128xi32, #tpu.memory_space<hbm>>
    %dma_start3A_50 = tpu.memref_squeeze %dma_start3A_49 : memref<1x103x128xi32, #tpu.memory_space<hbm>> -> memref<103x128xi32, #tpu.memory_space<hbm>>
    %dma_start3A_51 = arith.constant 0 : i32
    %dma_start3A_52 = arith.constant 0 : i32
    %dma_start3A_53 = tpu.memref_slice %dma_start3A_50[%dma_start3A_51, %dma_start3A_52] : memref<103x128xi32, #tpu.memory_space<hbm>> -> memref<1x128xi32, #tpu.memory_space<hbm>>
    tpu.enqueue_dma source(%dma_start3A_53 : memref<1x128xi32, #tpu.memory_space<hbm>>) target(%dma_start3A_41 : memref<1x128xi32, #tpu.memory_space<vmem>>) target_semaphore(%arg14 : memref<!tpu.dma_semaphore, #tpu.memory_space<semaphore_mem>>)
    %dma_start3A_54 = arith.constant 0 : i32
    %dma_start3A_55 = arith.constant 0 : i32
    %dma_start3A_56 = tpu.memref_slice %arg7[%dma_start3A_54, %dma_start3A_55] : memref<103x128xi32, #tpu.memory_space<vmem>> -> memref<1x128xi32, #tpu.memory_space<vmem>>
    %dma_start3A_57 = tpu.memref_squeeze %dma_start3A_56 : memref<1x128xi32, #tpu.memory_space<vmem>> -> memref<128xi32, #tpu.memory_space<vmem>>
    %dma_start3A_58 = arith.constant 0 : i32
    %dma_start3A_59 = arith.constant 0 : i32
    %dma_start3A_60 = tpu.memref_slice %arg2[%dma_start3A_58, %dma_start3A_59] : memref<10000x128xf32, #tpu.memory_space<hbm>> -> memref<10000x128xf32, #tpu.memory_space<hbm>>
    tpu.enqueue_indirect_dma source(%dma_start3A_60 : memref<10000x128xf32, #tpu.memory_space<hbm>>) target(%arg9 : memref<128x128xf32, #tpu.memory_space<vmem>>) offsets(%dma_start3A_57 : memref<128xi32, #tpu.memory_space<vmem>>) semaphore(%arg12 : memref<!tpu.dma_semaphore, #tpu.memory_space<semaphore_mem>>)
    %dma_start3A_61 = arith.constant 1 : i32
    %dma_start3A_62 = arith.constant 0 : i32
    %dma_start3A_63 = tpu.memref_slice %arg8[%dma_start3A_61, %dma_start3A_62] : memref<2x128xi32, #tpu.memory_space<vmem>> -> memref<1x128xi32, #tpu.memory_space<vmem>>
    %dma_start3A_64 = arith.constant 0 : i32
    %dma_start3A_65 = arith.constant 0 : i32
    %dma_start3A_66 = arith.constant 0 : i32
    %dma_start3A_67 = tpu.memref_slice %arg4[%arg1, %dma_start3A_64, %dma_start3A_65, %dma_start3A_66] : memref<16x2x103x128xi32, #tpu.memory_space<hbm>> -> memref<1x2x103x128xi32, #tpu.memory_space<hbm>>
    %dma_start3A_68 = tpu.memref_squeeze %dma_start3A_67 : memref<1x2x103x128xi32, #tpu.memory_space<hbm>> -> memref<2x103x128xi32, #tpu.memory_space<hbm>>
    %dma_start3A_69 = arith.constant 0 : i32
    %dma_start3A_70 = arith.constant 0 : i32
    %dma_start3A_71 = tpu.memref_slice %dma_start3A_68[%arg0, %dma_start3A_69, %dma_start3A_70] : memref<2x103x128xi32, #tpu.memory_space<hbm>> -> memref<1x103x128xi32, #tpu.memory_space<hbm>>
    %dma_start3A_72 = tpu.memref_squeeze %dma_start3A_71 : memref<1x103x128xi32, #tpu.memory_space<hbm>> -> memref<103x128xi32, #tpu.memory_space<hbm>>
    %dma_start3A_73 = arith.constant 1 : i32
    %dma_start3A_74 = arith.constant 0 : i32
    %dma_start3A_75 = tpu.memref_slice %dma_start3A_72[%dma_start3A_73, %dma_start3A_74] : memref<103x128xi32, #tpu.memory_space<hbm>> -> memref<1x128xi32, #tpu.memory_space<hbm>>
    %dma_start3A_76 = arith.constant 1 : i32
    %dma_start3A_77 = arith.constant 0 : i32
    %dma_start3A_78 = tpu.memref_slice %arg8[%dma_start3A_76, %dma_start3A_77] : memref<2x128xi32, #tpu.memory_space<vmem>> -> memref<1x128xi32, #tpu.memory_space<vmem>>
    %dma_start3A_79 = arith.constant 0 : i32
    %dma_start3A_80 = arith.constant 0 : i32
    %dma_start3A_81 = arith.constant 0 : i32
    %dma_start3A_82 = tpu.memref_slice %arg4[%arg1, %dma_start3A_79, %dma_start3A_80, %dma_start3A_81] : memref<16x2x103x128xi32, #tpu.memory_space<hbm>> -> memref<1x2x103x128xi32, #tpu.memory_space<hbm>>
    %dma_start3A_83 = tpu.memref_squeeze %dma_start3A_82 : memref<1x2x103x128xi32, #tpu.memory_space<hbm>> -> memref<2x103x128xi32, #tpu.memory_space<hbm>>
    %dma_start3A_84 = arith.constant 0 : i32
    %dma_start3A_85 = arith.constant 0 : i32
    %dma_start3A_86 = tpu.memref_slice %dma_start3A_83[%arg0, %dma_start3A_84, %dma_start3A_85] : memref<2x103x128xi32, #tpu.memory_space<hbm>> -> memref<1x103x128xi32, #tpu.memory_space<hbm>>
    %dma_start3A_87 = tpu.memref_squeeze %dma_start3A_86 : memref<1x103x128xi32, #tpu.memory_space<hbm>> -> memref<103x128xi32, #tpu.memory_space<hbm>>
    %dma_start3A_88 = arith.constant 1 : i32
    %dma_start3A_89 = arith.constant 0 : i32
    %dma_start3A_90 = tpu.memref_slice %dma_start3A_87[%dma_start3A_88, %dma_start3A_89] : memref<103x128xi32, #tpu.memory_space<hbm>> -> memref<1x128xi32, #tpu.memory_space<hbm>>
    tpu.enqueue_dma source(%dma_start3A_90 : memref<1x128xi32, #tpu.memory_space<hbm>>) target(%dma_start3A_78 : memref<1x128xi32, #tpu.memory_space<vmem>>) target_semaphore(%arg15 : memref<!tpu.dma_semaphore, #tpu.memory_space<semaphore_mem>>)
    %dma_start3A_91 = arith.constant 1 : i32
    %dma_start3A_92 = arith.constant 0 : i32
    %dma_start3A_93 = tpu.memref_slice %arg7[%dma_start3A_91, %dma_start3A_92] : memref<103x128xi32, #tpu.memory_space<vmem>> -> memref<1x128xi32, #tpu.memory_space<vmem>>
    %dma_start3A_94 = tpu.memref_squeeze %dma_start3A_93 : memref<1x128xi32, #tpu.memory_space<vmem>> -> memref<128xi32, #tpu.memory_space<vmem>>
    %dma_start3A_95 = arith.constant 0 : i32
    %dma_start3A_96 = arith.constant 0 : i32
    %dma_start3A_97 = tpu.memref_slice %arg2[%dma_start3A_95, %dma_start3A_96] : memref<10000x128xf32, #tpu.memory_space<hbm>> -> memref<10000x128xf32, #tpu.memory_space<hbm>>
    tpu.enqueue_indirect_dma source(%dma_start3A_97 : memref<10000x128xf32, #tpu.memory_space<hbm>>) target(%arg10 : memref<128x128xf32, #tpu.memory_space<vmem>>) offsets(%dma_start3A_94 : memref<128xi32, #tpu.memory_space<vmem>>) semaphore(%arg13 : memref<!tpu.dma_semaphore, #tpu.memory_space<semaphore_mem>>)
    %sub3A_98 = arith.constant 0 : i32
    %sub3A_99 = arith.subi %select_n3A_21, %sub3A_98 : i32
    %sub3A_100 = arith.constant 1 : i32
    %sub3A_101 = arith.constant 1 : i32
    %sub3A_102 = arith.subi %sub3A_100, %sub3A_101 : i32
    %add3A = arith.addi %sub3A_99, %sub3A_102 : i32
    %div3A_103 = arith.constant 1 : i32
    %div3A_104 = arith.divsi %add3A, %div3A_103 : i32
    %while3A = arith.constant 1 : i32
    %while3A_105 = arith.constant 0 : i32
    %while3A_106 = arith.constant 0 : i32
    %while3A_107 = arith.subi %div3A_104, %while3A_106 : i32
    %while3A_108 = arith.addi %while3A_106, %while3A_107 : i32
    %while3A_109 = arith.constant 1 : i32
    %while3A_110 = arith.divsi %while3A_107, %while3A_109 : i32
    %while3A_111 = arith.muli %while3A_110, %while3A_109 : i32
    %while3A_112 = arith.addi %while3A_106, %while3A_111 : i32
    %while3A_113 = arith.constant 1 : i32
    scf.for %while3A_156 = %while3A_106 to %while3A_112 step %while3A_113  : i32 {
      %mul3A_157 = arith.muli %while3A_156, %while3A : i32
      %add3A_158 = arith.addi %while3A_105, %mul3A_157 : i32
      %mul3A_159 = arith.constant 2 : i32
      %mul3A_160 = arith.muli %mul3A_159, %add3A_158 : i32
      %dma_wait3A_161 = arith.constant 0 : i32
      %dma_wait3A_162 = tpu.memref_slice %arg7[%mul3A_160, %dma_wait3A_161] : memref<103x128xi32, #tpu.memory_space<vmem>> -> memref<1x128xi32, #tpu.memory_space<vmem>>
      %dma_wait3A_163 = tpu.memref_squeeze %dma_wait3A_162 : memref<1x128xi32, #tpu.memory_space<vmem>> -> memref<128xi32, #tpu.memory_space<vmem>>
      %dma_wait3A_164 = arith.constant 0 : i32
      %dma_wait3A_165 = arith.constant 0 : i32
      %dma_wait3A_166 = tpu.memref_slice %arg2[%dma_wait3A_164, %dma_wait3A_165] : memref<10000x128xf32, #tpu.memory_space<hbm>> -> memref<10000x128xf32, #tpu.memory_space<hbm>>
      tpu.wait_indirect_dma semaphore(%arg12 : memref<!tpu.dma_semaphore, #tpu.memory_space<semaphore_mem>>) src(%dma_wait3A_166 : memref<10000x128xf32, #tpu.memory_space<hbm>>) dst(%arg9 : memref<128x128xf32, #tpu.memory_space<vmem>>)
      %dma_wait3A_167 = arith.constant 0 : i32
      %dma_wait3A_168 = arith.constant 0 : i32
      %dma_wait3A_169 = tpu.memref_slice %arg8[%dma_wait3A_167, %dma_wait3A_168] : memref<2x128xi32, #tpu.memory_space<vmem>> -> memref<1x128xi32, #tpu.memory_space<vmem>>
      %dma_wait3A_170 = arith.constant 0 : i32
      %dma_wait3A_171 = arith.constant 0 : i32
      %dma_wait3A_172 = arith.constant 0 : i32
      %dma_wait3A_173 = tpu.memref_slice %arg4[%arg1, %dma_wait3A_170, %dma_wait3A_171, %dma_wait3A_172] : memref<16x2x103x128xi32, #tpu.memory_space<hbm>> -> memref<1x2x103x128xi32, #tpu.memory_space<hbm>>
      %dma_wait3A_174 = tpu.memref_squeeze %dma_wait3A_173 : memref<1x2x103x128xi32, #tpu.memory_space<hbm>> -> memref<2x103x128xi32, #tpu.memory_space<hbm>>
      %dma_wait3A_175 = arith.constant 0 : i32
      %dma_wait3A_176 = arith.constant 0 : i32
      %dma_wait3A_177 = tpu.memref_slice %dma_wait3A_174[%arg0, %dma_wait3A_175, %dma_wait3A_176] : memref<2x103x128xi32, #tpu.memory_space<hbm>> -> memref<1x103x128xi32, #tpu.memory_space<hbm>>
      %dma_wait3A_178 = tpu.memref_squeeze %dma_wait3A_177 : memref<1x103x128xi32, #tpu.memory_space<hbm>> -> memref<103x128xi32, #tpu.memory_space<hbm>>
      %dma_wait3A_179 = arith.constant 0 : i32
      %dma_wait3A_180 = tpu.memref_slice %dma_wait3A_178[%mul3A_160, %dma_wait3A_179] : memref<103x128xi32, #tpu.memory_space<hbm>> -> memref<1x128xi32, #tpu.memory_space<hbm>>
      %dma_wait3A_181 = arith.constant 0 : i32
      %dma_wait3A_182 = arith.constant 0 : i32
      %dma_wait3A_183 = tpu.memref_slice %arg8[%dma_wait3A_181, %dma_wait3A_182] : memref<2x128xi32, #tpu.memory_space<vmem>> -> memref<1x128xi32, #tpu.memory_space<vmem>>
      %dma_wait3A_184 = arith.constant 0 : i32
      %dma_wait3A_185 = arith.constant 0 : i32
      %dma_wait3A_186 = arith.constant 0 : i32
      %dma_wait3A_187 = tpu.memref_slice %arg4[%arg1, %dma_wait3A_184, %dma_wait3A_185, %dma_wait3A_186] : memref<16x2x103x128xi32, #tpu.memory_space<hbm>> -> memref<1x2x103x128xi32, #tpu.memory_space<hbm>>
      %dma_wait3A_188 = tpu.memref_squeeze %dma_wait3A_187 : memref<1x2x103x128xi32, #tpu.memory_space<hbm>> -> memref<2x103x128xi32, #tpu.memory_space<hbm>>
      %dma_wait3A_189 = arith.constant 0 : i32
      %dma_wait3A_190 = arith.constant 0 : i32
      %dma_wait3A_191 = tpu.memref_slice %dma_wait3A_188[%arg0, %dma_wait3A_189, %dma_wait3A_190] : memref<2x103x128xi32, #tpu.memory_space<hbm>> -> memref<1x103x128xi32, #tpu.memory_space<hbm>>
      %dma_wait3A_192 = tpu.memref_squeeze %dma_wait3A_191 : memref<1x103x128xi32, #tpu.memory_space<hbm>> -> memref<103x128xi32, #tpu.memory_space<hbm>>
      %dma_wait3A_193 = arith.constant 0 : i32
      %dma_wait3A_194 = tpu.memref_slice %dma_wait3A_192[%mul3A_160, %dma_wait3A_193] : memref<103x128xi32, #tpu.memory_space<hbm>> -> memref<1x128xi32, #tpu.memory_space<hbm>>
      tpu.wait_dma2 semaphore(%arg14 : memref<!tpu.dma_semaphore, #tpu.memory_space<semaphore_mem>>) src(%dma_wait3A_194 : memref<1x128xi32, #tpu.memory_space<hbm>>) dst(%dma_wait3A_183 : memref<1x128xi32, #tpu.memory_space<vmem>>)
      %run_scoped3A_195 = arith.constant 0 : i32
      "tpu.region"() ({
        %run_scoped3A_278 = tpu.sem_alloc : memref<!tpu.dma_semaphore, #tpu.memory_space<semaphore_mem>>
        %dma_start3A_279 = arith.constant 0 : i32
        %dma_start3A_280 = tpu.memref_slice %arg8[%run_scoped3A_195, %dma_start3A_279] : memref<2x128xi32, #tpu.memory_space<vmem>> -> memref<1x128xi32, #tpu.memory_space<vmem>>
        %dma_start3A_281 = tpu.memref_squeeze %dma_start3A_280 : memref<1x128xi32, #tpu.memory_space<vmem>> -> memref<128xi32, #tpu.memory_space<vmem>>
        %dma_start3A_282 = arith.constant 0 : i32
        %dma_start3A_283 = arith.constant 0 : i32
        %dma_start3A_284 = tpu.memref_slice %arg11[%dma_start3A_282, %dma_start3A_283] : memref<10240x128xf32, #tpu.memory_space<vmem_shared>> -> memref<10240x128xf32, #tpu.memory_space<vmem_shared>>
        tpu.enqueue_indirect_dma source(%arg9 : memref<128x128xf32, #tpu.memory_space<vmem>>) target(%dma_start3A_284 : memref<10240x128xf32, #tpu.memory_space<vmem_shared>>) offsets(%dma_start3A_281 : memref<128xi32, #tpu.memory_space<vmem>>) semaphore(%run_scoped3A_278 : memref<!tpu.dma_semaphore, #tpu.memory_space<semaphore_mem>>) {add = true}
        %dma_wait3A_285 = arith.constant 0 : i32
        %dma_wait3A_286 = tpu.memref_slice %arg8[%run_scoped3A_195, %dma_wait3A_285] : memref<2x128xi32, #tpu.memory_space<vmem>> -> memref<1x128xi32, #tpu.memory_space<vmem>>
        %dma_wait3A_287 = tpu.memref_squeeze %dma_wait3A_286 : memref<1x128xi32, #tpu.memory_space<vmem>> -> memref<128xi32, #tpu.memory_space<vmem>>
        %dma_wait3A_288 = arith.constant 0 : i32
        %dma_wait3A_289 = arith.constant 0 : i32
        %dma_wait3A_290 = tpu.memref_slice %arg11[%dma_wait3A_288, %dma_wait3A_289] : memref<10240x128xf32, #tpu.memory_space<vmem_shared>> -> memref<10240x128xf32, #tpu.memory_space<vmem_shared>>
        tpu.wait_indirect_dma semaphore(%run_scoped3A_278 : memref<!tpu.dma_semaphore, #tpu.memory_space<semaphore_mem>>) src(%arg9 : memref<128x128xf32, #tpu.memory_space<vmem>>) dst(%dma_wait3A_290 : memref<10240x128xf32, #tpu.memory_space<vmem_shared>>)
        tpu.yield
      }) : () -> ()
      %add3A_196 = arith.constant 2 : i32
      %add3A_197 = arith.addi %mul3A_160, %add3A_196 : i32
      %dma_start3A_198 = arith.constant 0 : i32
      %dma_start3A_199 = arith.constant 0 : i32
      %dma_start3A_200 = tpu.memref_slice %arg8[%dma_start3A_198, %dma_start3A_199] : memref<2x128xi32, #tpu.memory_space<vmem>> -> memref<1x128xi32, #tpu.memory_space<vmem>>
      %dma_start3A_201 = arith.constant 0 : i32
      %dma_start3A_202 = arith.constant 0 : i32
      %dma_start3A_203 = arith.constant 0 : i32
      %dma_start3A_204 = tpu.memref_slice %arg4[%arg1, %dma_start3A_201, %dma_start3A_202, %dma_start3A_203] : memref<16x2x103x128xi32, #tpu.memory_space<hbm>> -> memref<1x2x103x128xi32, #tpu.memory_space<hbm>>
      %dma_start3A_205 = tpu.memref_squeeze %dma_start3A_204 : memref<1x2x103x128xi32, #tpu.memory_space<hbm>> -> memref<2x103x128xi32, #tpu.memory_space<hbm>>
      %dma_start3A_206 = arith.constant 0 : i32
      %dma_start3A_207 = arith.constant 0 : i32
      %dma_start3A_208 = tpu.memref_slice %dma_start3A_205[%arg0, %dma_start3A_206, %dma_start3A_207] : memref<2x103x128xi32, #tpu.memory_space<hbm>> -> memref<1x103x128xi32, #tpu.memory_space<hbm>>
      %dma_start3A_209 = tpu.memref_squeeze %dma_start3A_208 : memref<1x103x128xi32, #tpu.memory_space<hbm>> -> memref<103x128xi32, #tpu.memory_space<hbm>>
      %dma_start3A_210 = arith.constant 0 : i32
      %dma_start3A_211 = tpu.memref_slice %dma_start3A_209[%add3A_197, %dma_start3A_210] : memref<103x128xi32, #tpu.memory_space<hbm>> -> memref<1x128xi32, #tpu.memory_space<hbm>>
      %dma_start3A_212 = arith.constant 0 : i32
      %dma_start3A_213 = arith.constant 0 : i32
      %dma_start3A_214 = tpu.memref_slice %arg8[%dma_start3A_212, %dma_start3A_213] : memref<2x128xi32, #tpu.memory_space<vmem>> -> memref<1x128xi32, #tpu.memory_space<vmem>>
      %dma_start3A_215 = arith.constant 0 : i32
      %dma_start3A_216 = arith.constant 0 : i32
      %dma_start3A_217 = arith.constant 0 : i32
      %dma_start3A_218 = tpu.memref_slice %arg4[%arg1, %dma_start3A_215, %dma_start3A_216, %dma_start3A_217] : memref<16x2x103x128xi32, #tpu.memory_space<hbm>> -> memref<1x2x103x128xi32, #tpu.memory_space<hbm>>
      %dma_start3A_219 = tpu.memref_squeeze %dma_start3A_218 : memref<1x2x103x128xi32, #tpu.memory_space<hbm>> -> memref<2x103x128xi32, #tpu.memory_space<hbm>>
      %dma_start3A_220 = arith.constant 0 : i32
      %dma_start3A_221 = arith.constant 0 : i32
      %dma_start3A_222 = tpu.memref_slice %dma_start3A_219[%arg0, %dma_start3A_220, %dma_start3A_221] : memref<2x103x128xi32, #tpu.memory_space<hbm>> -> memref<1x103x128xi32, #tpu.memory_space<hbm>>
      %dma_start3A_223 = tpu.memref_squeeze %dma_start3A_222 : memref<1x103x128xi32, #tpu.memory_space<hbm>> -> memref<103x128xi32, #tpu.memory_space<hbm>>
      %dma_start3A_224 = arith.constant 0 : i32
      %dma_start3A_225 = tpu.memref_slice %dma_start3A_223[%add3A_197, %dma_start3A_224] : memref<103x128xi32, #tpu.memory_space<hbm>> -> memref<1x128xi32, #tpu.memory_space<hbm>>
      tpu.enqueue_dma source(%dma_start3A_225 : memref<1x128xi32, #tpu.memory_space<hbm>>) target(%dma_start3A_214 : memref<1x128xi32, #tpu.memory_space<vmem>>) target_semaphore(%arg14 : memref<!tpu.dma_semaphore, #tpu.memory_space<semaphore_mem>>)
      %add3A_226 = arith.constant 2 : i32
      %add3A_227 = arith.addi %mul3A_160, %add3A_226 : i32
      %dma_start3A_228 = arith.constant 0 : i32
      %dma_start3A_229 = tpu.memref_slice %arg7[%add3A_227, %dma_start3A_228] : memref<103x128xi32, #tpu.memory_space<vmem>> -> memref<1x128xi32, #tpu.memory_space<vmem>>
      %dma_start3A_230 = tpu.memref_squeeze %dma_start3A_229 : memref<1x128xi32, #tpu.memory_space<vmem>> -> memref<128xi32, #tpu.memory_space<vmem>>
      %dma_start3A_231 = arith.constant 0 : i32
      %dma_start3A_232 = arith.constant 0 : i32
      %dma_start3A_233 = tpu.memref_slice %arg2[%dma_start3A_231, %dma_start3A_232] : memref<10000x128xf32, #tpu.memory_space<hbm>> -> memref<10000x128xf32, #tpu.memory_space<hbm>>
      tpu.enqueue_indirect_dma source(%dma_start3A_233 : memref<10000x128xf32, #tpu.memory_space<hbm>>) target(%arg9 : memref<128x128xf32, #tpu.memory_space<vmem>>) offsets(%dma_start3A_230 : memref<128xi32, #tpu.memory_space<vmem>>) semaphore(%arg12 : memref<!tpu.dma_semaphore, #tpu.memory_space<semaphore_mem>>)
      %add3A_234 = arith.constant 1 : i32
      %add3A_235 = arith.addi %mul3A_160, %add3A_234 : i32
      %dma_wait3A_236 = arith.constant 0 : i32
      %dma_wait3A_237 = tpu.memref_slice %arg7[%add3A_235, %dma_wait3A_236] : memref<103x128xi32, #tpu.memory_space<vmem>> -> memref<1x128xi32, #tpu.memory_space<vmem>>
      %dma_wait3A_238 = tpu.memref_squeeze %dma_wait3A_237 : memref<1x128xi32, #tpu.memory_space<vmem>> -> memref<128xi32, #tpu.memory_space<vmem>>
      %dma_wait3A_239 = arith.constant 0 : i32
      %dma_wait3A_240 = arith.constant 0 : i32
      %dma_wait3A_241 = tpu.memref_slice %arg2[%dma_wait3A_239, %dma_wait3A_240] : memref<10000x128xf32, #tpu.memory_space<hbm>> -> memref<10000x128xf32, #tpu.memory_space<hbm>>
      tpu.wait_indirect_dma semaphore(%arg13 : memref<!tpu.dma_semaphore, #tpu.memory_space<semaphore_mem>>) src(%dma_wait3A_241 : memref<10000x128xf32, #tpu.memory_space<hbm>>) dst(%arg10 : memref<128x128xf32, #tpu.memory_space<vmem>>)
      %add3A_242 = arith.constant 1 : i32
      %add3A_243 = arith.addi %mul3A_160, %add3A_242 : i32
      %dma_wait3A_244 = arith.constant 1 : i32
      %dma_wait3A_245 = arith.constant 0 : i32
      %dma_wait3A_246 = tpu.memref_slice %arg8[%dma_wait3A_244, %dma_wait3A_245] : memref<2x128xi32, #tpu.memory_space<vmem>> -> memref<1x128xi32, #tpu.memory_space<vmem>>
      %dma_wait3A_247 = arith.constant 0 : i32
      %dma_wait3A_248 = arith.constant 0 : i32
      %dma_wait3A_249 = arith.constant 0 : i32
      %dma_wait3A_250 = tpu.memref_slice %arg4[%arg1, %dma_wait3A_247, %dma_wait3A_248, %dma_wait3A_249] : memref<16x2x103x128xi32, #tpu.memory_space<hbm>> -> memref<1x2x103x128xi32, #tpu.memory_space<hbm>>
      %dma_wait3A_251 = tpu.memref_squeeze %dma_wait3A_250 : memref<1x2x103x128xi32, #tpu.memory_space<hbm>> -> memref<2x103x128xi32, #tpu.memory_space<hbm>>
      %dma_wait3A_252 = arith.constant 0 : i32
      %dma_wait3A_253 = arith.constant 0 : i32
      %dma_wait3A_254 = tpu.memref_slice %dma_wait3A_251[%arg0, %dma_wait3A_252, %dma_wait3A_253] : memref<2x103x128xi32, #tpu.memory_space<hbm>> -> memref<1x103x128xi32, #tpu.memory_space<hbm>>
      %dma_wait3A_255 = tpu.memref_squeeze %dma_wait3A_254 : memref<1x103x128xi32, #tpu.memory_space<hbm>> -> memref<103x128xi32, #tpu.memory_space<hbm>>
      %dma_wait3A_256 = arith.constant 0 : i32
      %dma_wait3A_257 = tpu.memref_slice %dma_wait3A_255[%add3A_243, %dma_wait3A_256] : memref<103x128xi32, #tpu.memory_space<hbm>> -> memref<1x128xi32, #tpu.memory_space<hbm>>
      %dma_wait3A_258 = arith.constant 1 : i32
      %dma_wait3A_259 = arith.constant 0 : i32
      %dma_wait3A_260 = tpu.memref_slice %arg8[%dma_wait3A_258, %dma_wait3A_259] : memref<2x128xi32, #tpu.memory_space<vmem>> -> memref<1x128xi32, #tpu.memory_space<vmem>>
      %dma_wait3A_261 = arith.constant 0 : i32
      %dma_wait3A_262 = arith.constant 0 : i32
      %dma_wait3A_263 = arith.constant 0 : i32
      %dma_wait3A_264 = tpu.memref_slice %arg4[%arg1, %dma_wait3A_261, %dma_wait3A_262, %dma_wait3A_263] : memref<16x2x103x128xi32, #tpu.memory_space<hbm>> -> memref<1x2x103x128xi32, #tpu.memory_space<hbm>>
      %dma_wait3A_265 = tpu.memref_squeeze %dma_wait3A_264 : memref<1x2x103x128xi32, #tpu.memory_space<hbm>> -> memref<2x103x128xi32, #tpu.memory_space<hbm>>
      %dma_wait3A_266 = arith.constant 0 : i32
      %dma_wait3A_267 = arith.constant 0 : i32
      %dma_wait3A_268 = tpu.memref_slice %dma_wait3A_265[%arg0, %dma_wait3A_266, %dma_wait3A_267] : memref<2x103x128xi32, #tpu.memory_space<hbm>> -> memref<1x103x128xi32, #tpu.memory_space<hbm>>
      %dma_wait3A_269 = tpu.memref_squeeze %dma_wait3A_268 : memref<1x103x128xi32, #tpu.memory_space<hbm>> -> memref<103x128xi32, #tpu.memory_space<hbm>>
      %dma_wait3A_270 = arith.constant 0 : i32
      %dma_wait3A_271 = tpu.memref_slice %dma_wait3A_269[%add3A_243, %dma_wait3A_270] : memref<103x128xi32, #tpu.memory_space<hbm>> -> memref<1x128xi32, #tpu.memory_space<hbm>>
      tpu.wait_dma2 semaphore(%arg15 : memref<!tpu.dma_semaphore, #tpu.memory_space<semaphore_mem>>) src(%dma_wait3A_271 : memref<1x128xi32, #tpu.memory_space<hbm>>) dst(%dma_wait3A_260 : memref<1x128xi32, #tpu.memory_space<vmem>>)
      %run_scoped3A_272 = arith.constant 1 : i32
      "tpu.region"() ({
        %run_scoped3A_278 = tpu.sem_alloc : memref<!tpu.dma_semaphore, #tpu.memory_space<semaphore_mem>>
        %dma_start3A_279 = arith.constant 0 : i32
        %dma_start3A_280 = tpu.memref_slice %arg8[%run_scoped3A_272, %dma_start3A_279] : memref<2x128xi32, #tpu.memory_space<vmem>> -> memref<1x128xi32, #tpu.memory_space<vmem>>
        %dma_start3A_281 = tpu.memref_squeeze %dma_start3A_280 : memref<1x128xi32, #tpu.memory_space<vmem>> -> memref<128xi32, #tpu.memory_space<vmem>>
        %dma_start3A_282 = arith.constant 0 : i32
        %dma_start3A_283 = arith.constant 0 : i32
        %dma_start3A_284 = tpu.memref_slice %arg11[%dma_start3A_282, %dma_start3A_283] : memref<10240x128xf32, #tpu.memory_space<vmem_shared>> -> memref<10240x128xf32, #tpu.memory_space<vmem_shared>>
        tpu.enqueue_indirect_dma source(%arg10 : memref<128x128xf32, #tpu.memory_space<vmem>>) target(%dma_start3A_284 : memref<10240x128xf32, #tpu.memory_space<vmem_shared>>) offsets(%dma_start3A_281 : memref<128xi32, #tpu.memory_space<vmem>>) semaphore(%run_scoped3A_278 : memref<!tpu.dma_semaphore, #tpu.memory_space<semaphore_mem>>) {add = true}
        %dma_wait3A_285 = arith.constant 0 : i32
        %dma_wait3A_286 = tpu.memref_slice %arg8[%run_scoped3A_272, %dma_wait3A_285] : memref<2x128xi32, #tpu.memory_space<vmem>> -> memref<1x128xi32, #tpu.memory_space<vmem>>
        %dma_wait3A_287 = tpu.memref_squeeze %dma_wait3A_286 : memref<1x128xi32, #tpu.memory_space<vmem>> -> memref<128xi32, #tpu.memory_space<vmem>>
        %dma_wait3A_288 = arith.constant 0 : i32
        %dma_wait3A_289 = arith.constant 0 : i32
        %dma_wait3A_290 = tpu.memref_slice %arg11[%dma_wait3A_288, %dma_wait3A_289] : memref<10240x128xf32, #tpu.memory_space<vmem_shared>> -> memref<10240x128xf32, #tpu.memory_space<vmem_shared>>
        tpu.wait_indirect_dma semaphore(%run_scoped3A_278 : memref<!tpu.dma_semaphore, #tpu.memory_space<semaphore_mem>>) src(%arg10 : memref<128x128xf32, #tpu.memory_space<vmem>>) dst(%dma_wait3A_290 : memref<10240x128xf32, #tpu.memory_space<vmem_shared>>)
        tpu.yield
      }) : () -> ()
      %sub3A_273 = arith.constant 1 : i32
      %sub3A_274 = arith.subi %select_n3A_21, %sub3A_273 : i32
      %lt3A = arith.cmpi slt, %add3A_158, %sub3A_274 : i32
      %convert_element_type3A_275 = arith.extui %lt3A : i1 to i32
      %cond3A_276 = arith.constant 0 : i32
      %cond3A_277 = arith.cmpi ne, %convert_element_type3A_275, %cond3A_276 : i32
      scf.if %cond3A_277 {
        %add3A_278 = arith.constant 3 : i32
        %add3A_279 = arith.addi %mul3A_160, %add3A_278 : i32
        %dma_start3A_280 = arith.constant 1 : i32
        %dma_start3A_281 = arith.constant 0 : i32
        %dma_start3A_282 = tpu.memref_slice %arg8[%dma_start3A_280, %dma_start3A_281] : memref<2x128xi32, #tpu.memory_space<vmem>> -> memref<1x128xi32, #tpu.memory_space<vmem>>
        %dma_start3A_283 = arith.constant 0 : i32
        %dma_start3A_284 = arith.constant 0 : i32
        %dma_start3A_285 = arith.constant 0 : i32
        %dma_start3A_286 = tpu.memref_slice %arg4[%arg1, %dma_start3A_283, %dma_start3A_284, %dma_start3A_285] : memref<16x2x103x128xi32, #tpu.memory_space<hbm>> -> memref<1x2x103x128xi32, #tpu.memory_space<hbm>>
        %dma_start3A_287 = tpu.memref_squeeze %dma_start3A_286 : memref<1x2x103x128xi32, #tpu.memory_space<hbm>> -> memref<2x103x128xi32, #tpu.memory_space<hbm>>
        %dma_start3A_288 = arith.constant 0 : i32
        %dma_start3A_289 = arith.constant 0 : i32
        %dma_start3A_290 = tpu.memref_slice %dma_start3A_287[%arg0, %dma_start3A_288, %dma_start3A_289] : memref<2x103x128xi32, #tpu.memory_space<hbm>> -> memref<1x103x128xi32, #tpu.memory_space<hbm>>
        %dma_start3A_291 = tpu.memref_squeeze %dma_start3A_290 : memref<1x103x128xi32, #tpu.memory_space<hbm>> -> memref<103x128xi32, #tpu.memory_space<hbm>>
        %dma_start3A_292 = arith.constant 0 : i32
        %dma_start3A_293 = tpu.memref_slice %dma_start3A_291[%add3A_279, %dma_start3A_292] : memref<103x128xi32, #tpu.memory_space<hbm>> -> memref<1x128xi32, #tpu.memory_space<hbm>>
        %dma_start3A_294 = arith.constant 1 : i32
        %dma_start3A_295 = arith.constant 0 : i32
        %dma_start3A_296 = tpu.memref_slice %arg8[%dma_start3A_294, %dma_start3A_295] : memref<2x128xi32, #tpu.memory_space<vmem>> -> memref<1x128xi32, #tpu.memory_space<vmem>>
        %dma_start3A_297 = arith.constant 0 : i32
        %dma_start3A_298 = arith.constant 0 : i32
        %dma_start3A_299 = arith.constant 0 : i32
        %dma_start3A_300 = tpu.memref_slice %arg4[%arg1, %dma_start3A_297, %dma_start3A_298, %dma_start3A_299] : memref<16x2x103x128xi32, #tpu.memory_space<hbm>> -> memref<1x2x103x128xi32, #tpu.memory_space<hbm>>
        %dma_start3A_301 = tpu.memref_squeeze %dma_start3A_300 : memref<1x2x103x128xi32, #tpu.memory_space<hbm>> -> memref<2x103x128xi32, #tpu.memory_space<hbm>>
        %dma_start3A_302 = arith.constant 0 : i32
        %dma_start3A_303 = arith.constant 0 : i32
        %dma_start3A_304 = tpu.memref_slice %dma_start3A_301[%arg0, %dma_start3A_302, %dma_start3A_303] : memref<2x103x128xi32, #tpu.memory_space<hbm>> -> memref<1x103x128xi32, #tpu.memory_space<hbm>>
        %dma_start3A_305 = tpu.memref_squeeze %dma_start3A_304 : memref<1x103x128xi32, #tpu.memory_space<hbm>> -> memref<103x128xi32, #tpu.memory_space<hbm>>
        %dma_start3A_306 = arith.constant 0 : i32
        %dma_start3A_307 = tpu.memref_slice %dma_start3A_305[%add3A_279, %dma_start3A_306] : memref<103x128xi32, #tpu.memory_space<hbm>> -> memref<1x128xi32, #tpu.memory_space<hbm>>
        tpu.enqueue_dma source(%dma_start3A_307 : memref<1x128xi32, #tpu.memory_space<hbm>>) target(%dma_start3A_296 : memref<1x128xi32, #tpu.memory_space<vmem>>) target_semaphore(%arg15 : memref<!tpu.dma_semaphore, #tpu.memory_space<semaphore_mem>>)
        %add3A_308 = arith.constant 3 : i32
        %add3A_309 = arith.addi %mul3A_160, %add3A_308 : i32
        %dma_start3A_310 = arith.constant 0 : i32
        %dma_start3A_311 = tpu.memref_slice %arg7[%add3A_309, %dma_start3A_310] : memref<103x128xi32, #tpu.memory_space<vmem>> -> memref<1x128xi32, #tpu.memory_space<vmem>>
        %dma_start3A_312 = tpu.memref_squeeze %dma_start3A_311 : memref<1x128xi32, #tpu.memory_space<vmem>> -> memref<128xi32, #tpu.memory_space<vmem>>
        %dma_start3A_313 = arith.constant 0 : i32
        %dma_start3A_314 = arith.constant 0 : i32
        %dma_start3A_315 = tpu.memref_slice %arg2[%dma_start3A_313, %dma_start3A_314] : memref<10000x128xf32, #tpu.memory_space<hbm>> -> memref<10000x128xf32, #tpu.memory_space<hbm>>
        tpu.enqueue_indirect_dma source(%dma_start3A_315 : memref<10000x128xf32, #tpu.memory_space<hbm>>) target(%arg10 : memref<128x128xf32, #tpu.memory_space<vmem>>) offsets(%dma_start3A_312 : memref<128xi32, #tpu.memory_space<vmem>>) semaphore(%arg13 : memref<!tpu.dma_semaphore, #tpu.memory_space<semaphore_mem>>)
      } else {
      }
    }
    %while3A_114 = arith.constant 1 : i32
    scf.for %while3A_156 = %while3A_112 to %while3A_108 step %while3A_114  : i32 {
      %mul3A_157 = arith.muli %while3A_156, %while3A : i32
      %add3A_158 = arith.addi %while3A_105, %mul3A_157 : i32
      %mul3A_159 = arith.constant 2 : i32
      %mul3A_160 = arith.muli %mul3A_159, %add3A_158 : i32
      %dma_wait3A_161 = arith.constant 0 : i32
      %dma_wait3A_162 = tpu.memref_slice %arg7[%mul3A_160, %dma_wait3A_161] : memref<103x128xi32, #tpu.memory_space<vmem>> -> memref<1x128xi32, #tpu.memory_space<vmem>>
      %dma_wait3A_163 = tpu.memref_squeeze %dma_wait3A_162 : memref<1x128xi32, #tpu.memory_space<vmem>> -> memref<128xi32, #tpu.memory_space<vmem>>
      %dma_wait3A_164 = arith.constant 0 : i32
      %dma_wait3A_165 = arith.constant 0 : i32
      %dma_wait3A_166 = tpu.memref_slice %arg2[%dma_wait3A_164, %dma_wait3A_165] : memref<10000x128xf32, #tpu.memory_space<hbm>> -> memref<10000x128xf32, #tpu.memory_space<hbm>>
      tpu.wait_indirect_dma semaphore(%arg12 : memref<!tpu.dma_semaphore, #tpu.memory_space<semaphore_mem>>) src(%dma_wait3A_166 : memref<10000x128xf32, #tpu.memory_space<hbm>>) dst(%arg9 : memref<128x128xf32, #tpu.memory_space<vmem>>)
      %dma_wait3A_167 = arith.constant 0 : i32
      %dma_wait3A_168 = arith.constant 0 : i32
      %dma_wait3A_169 = tpu.memref_slice %arg8[%dma_wait3A_167, %dma_wait3A_168] : memref<2x128xi32, #tpu.memory_space<vmem>> -> memref<1x128xi32, #tpu.memory_space<vmem>>
      %dma_wait3A_170 = arith.constant 0 : i32
      %dma_wait3A_171 = arith.constant 0 : i32
      %dma_wait3A_172 = arith.constant 0 : i32
      %dma_wait3A_173 = tpu.memref_slice %arg4[%arg1, %dma_wait3A_170, %dma_wait3A_171, %dma_wait3A_172] : memref<16x2x103x128xi32, #tpu.memory_space<hbm>> -> memref<1x2x103x128xi32, #tpu.memory_space<hbm>>
      %dma_wait3A_174 = tpu.memref_squeeze %dma_wait3A_173 : memref<1x2x103x128xi32, #tpu.memory_space<hbm>> -> memref<2x103x128xi32, #tpu.memory_space<hbm>>
      %dma_wait3A_175 = arith.constant 0 : i32
      %dma_wait3A_176 = arith.constant 0 : i32
      %dma_wait3A_177 = tpu.memref_slice %dma_wait3A_174[%arg0, %dma_wait3A_175, %dma_wait3A_176] : memref<2x103x128xi32, #tpu.memory_space<hbm>> -> memref<1x103x128xi32, #tpu.memory_space<hbm>>
      %dma_wait3A_178 = tpu.memref_squeeze %dma_wait3A_177 : memref<1x103x128xi32, #tpu.memory_space<hbm>> -> memref<103x128xi32, #tpu.memory_space<hbm>>
      %dma_wait3A_179 = arith.constant 0 : i32
      %dma_wait3A_180 = tpu.memref_slice %dma_wait3A_178[%mul3A_160, %dma_wait3A_179] : memref<103x128xi32, #tpu.memory_space<hbm>> -> memref<1x128xi32, #tpu.memory_space<hbm>>
      %dma_wait3A_181 = arith.constant 0 : i32
      %dma_wait3A_182 = arith.constant 0 : i32
      %dma_wait3A_183 = tpu.memref_slice %arg8[%dma_wait3A_181, %dma_wait3A_182] : memref<2x128xi32, #tpu.memory_space<vmem>> -> memref<1x128xi32, #tpu.memory_space<vmem>>
      %dma_wait3A_184 = arith.constant 0 : i32
      %dma_wait3A_185 = arith.constant 0 : i32
      %dma_wait3A_186 = arith.constant 0 : i32
      %dma_wait3A_187 = tpu.memref_slice %arg4[%arg1, %dma_wait3A_184, %dma_wait3A_185, %dma_wait3A_186] : memref<16x2x103x128xi32, #tpu.memory_space<hbm>> -> memref<1x2x103x128xi32, #tpu.memory_space<hbm>>
      %dma_wait3A_188 = tpu.memref_squeeze %dma_wait3A_187 : memref<1x2x103x128xi32, #tpu.memory_space<hbm>> -> memref<2x103x128xi32, #tpu.memory_space<hbm>>
      %dma_wait3A_189 = arith.constant 0 : i32
      %dma_wait3A_190 = arith.constant 0 : i32
      %dma_wait3A_191 = tpu.memref_slice %dma_wait3A_188[%arg0, %dma_wait3A_189, %dma_wait3A_190] : memref<2x103x128xi32, #tpu.memory_space<hbm>> -> memref<1x103x128xi32, #tpu.memory_space<hbm>>
      %dma_wait3A_192 = tpu.memref_squeeze %dma_wait3A_191 : memref<1x103x128xi32, #tpu.memory_space<hbm>> -> memref<103x128xi32, #tpu.memory_space<hbm>>
      %dma_wait3A_193 = arith.constant 0 : i32
      %dma_wait3A_194 = tpu.memref_slice %dma_wait3A_192[%mul3A_160, %dma_wait3A_193] : memref<103x128xi32, #tpu.memory_space<hbm>> -> memref<1x128xi32, #tpu.memory_space<hbm>>
      tpu.wait_dma2 semaphore(%arg14 : memref<!tpu.dma_semaphore, #tpu.memory_space<semaphore_mem>>) src(%dma_wait3A_194 : memref<1x128xi32, #tpu.memory_space<hbm>>) dst(%dma_wait3A_183 : memref<1x128xi32, #tpu.memory_space<vmem>>)
      %run_scoped3A_195 = arith.constant 0 : i32
      "tpu.region"() ({
        %run_scoped3A_278 = tpu.sem_alloc : memref<!tpu.dma_semaphore, #tpu.memory_space<semaphore_mem>>
        %dma_start3A_279 = arith.constant 0 : i32
        %dma_start3A_280 = tpu.memref_slice %arg8[%run_scoped3A_195, %dma_start3A_279] : memref<2x128xi32, #tpu.memory_space<vmem>> -> memref<1x128xi32, #tpu.memory_space<vmem>>
        %dma_start3A_281 = tpu.memref_squeeze %dma_start3A_280 : memref<1x128xi32, #tpu.memory_space<vmem>> -> memref<128xi32, #tpu.memory_space<vmem>>
        %dma_start3A_282 = arith.constant 0 : i32
        %dma_start3A_283 = arith.constant 0 : i32
        %dma_start3A_284 = tpu.memref_slice %arg11[%dma_start3A_282, %dma_start3A_283] : memref<10240x128xf32, #tpu.memory_space<vmem_shared>> -> memref<10240x128xf32, #tpu.memory_space<vmem_shared>>
        tpu.enqueue_indirect_dma source(%arg9 : memref<128x128xf32, #tpu.memory_space<vmem>>) target(%dma_start3A_284 : memref<10240x128xf32, #tpu.memory_space<vmem_shared>>) offsets(%dma_start3A_281 : memref<128xi32, #tpu.memory_space<vmem>>) semaphore(%run_scoped3A_278 : memref<!tpu.dma_semaphore, #tpu.memory_space<semaphore_mem>>) {add = true}
        %dma_wait3A_285 = arith.constant 0 : i32
        %dma_wait3A_286 = tpu.memref_slice %arg8[%run_scoped3A_195, %dma_wait3A_285] : memref<2x128xi32, #tpu.memory_space<vmem>> -> memref<1x128xi32, #tpu.memory_space<vmem>>
        %dma_wait3A_287 = tpu.memref_squeeze %dma_wait3A_286 : memref<1x128xi32, #tpu.memory_space<vmem>> -> memref<128xi32, #tpu.memory_space<vmem>>
        %dma_wait3A_288 = arith.constant 0 : i32
        %dma_wait3A_289 = arith.constant 0 : i32
        %dma_wait3A_290 = tpu.memref_slice %arg11[%dma_wait3A_288, %dma_wait3A_289] : memref<10240x128xf32, #tpu.memory_space<vmem_shared>> -> memref<10240x128xf32, #tpu.memory_space<vmem_shared>>
        tpu.wait_indirect_dma semaphore(%run_scoped3A_278 : memref<!tpu.dma_semaphore, #tpu.memory_space<semaphore_mem>>) src(%arg9 : memref<128x128xf32, #tpu.memory_space<vmem>>) dst(%dma_wait3A_290 : memref<10240x128xf32, #tpu.memory_space<vmem_shared>>)
        tpu.yield
      }) : () -> ()
      %add3A_196 = arith.constant 2 : i32
      %add3A_197 = arith.addi %mul3A_160, %add3A_196 : i32
      %dma_start3A_198 = arith.constant 0 : i32
      %dma_start3A_199 = arith.constant 0 : i32
      %dma_start3A_200 = tpu.memref_slice %arg8[%dma_start3A_198, %dma_start3A_199] : memref<2x128xi32, #tpu.memory_space<vmem>> -> memref<1x128xi32, #tpu.memory_space<vmem>>
      %dma_start3A_201 = arith.constant 0 : i32
      %dma_start3A_202 = arith.constant 0 : i32
      %dma_start3A_203 = arith.constant 0 : i32
      %dma_start3A_204 = tpu.memref_slice %arg4[%arg1, %dma_start3A_201, %dma_start3A_202, %dma_start3A_203] : memref<16x2x103x128xi32, #tpu.memory_space<hbm>> -> memref<1x2x103x128xi32, #tpu.memory_space<hbm>>
      %dma_start3A_205 = tpu.memref_squeeze %dma_start3A_204 : memref<1x2x103x128xi32, #tpu.memory_space<hbm>> -> memref<2x103x128xi32, #tpu.memory_space<hbm>>
      %dma_start3A_206 = arith.constant 0 : i32
      %dma_start3A_207 = arith.constant 0 : i32
      %dma_start3A_208 = tpu.memref_slice %dma_start3A_205[%arg0, %dma_start3A_206, %dma_start3A_207] : memref<2x103x128xi32, #tpu.memory_space<hbm>> -> memref<1x103x128xi32, #tpu.memory_space<hbm>>
      %dma_start3A_209 = tpu.memref_squeeze %dma_start3A_208 : memref<1x103x128xi32, #tpu.memory_space<hbm>> -> memref<103x128xi32, #tpu.memory_space<hbm>>
      %dma_start3A_210 = arith.constant 0 : i32
      %dma_start3A_211 = tpu.memref_slice %dma_start3A_209[%add3A_197, %dma_start3A_210] : memref<103x128xi32, #tpu.memory_space<hbm>> -> memref<1x128xi32, #tpu.memory_space<hbm>>
      %dma_start3A_212 = arith.constant 0 : i32
      %dma_start3A_213 = arith.constant 0 : i32
      %dma_start3A_214 = tpu.memref_slice %arg8[%dma_start3A_212, %dma_start3A_213] : memref<2x128xi32, #tpu.memory_space<vmem>> -> memref<1x128xi32, #tpu.memory_space<vmem>>
      %dma_start3A_215 = arith.constant 0 : i32
      %dma_start3A_216 = arith.constant 0 : i32
      %dma_start3A_217 = arith.constant 0 : i32
      %dma_start3A_218 = tpu.memref_slice %arg4[%arg1, %dma_start3A_215, %dma_start3A_216, %dma_start3A_217] : memref<16x2x103x128xi32, #tpu.memory_space<hbm>> -> memref<1x2x103x128xi32, #tpu.memory_space<hbm>>
      %dma_start3A_219 = tpu.memref_squeeze %dma_start3A_218 : memref<1x2x103x128xi32, #tpu.memory_space<hbm>> -> memref<2x103x128xi32, #tpu.memory_space<hbm>>
      %dma_start3A_220 = arith.constant 0 : i32
      %dma_start3A_221 = arith.constant 0 : i32
      %dma_start3A_222 = tpu.memref_slice %dma_start3A_219[%arg0, %dma_start3A_220, %dma_start3A_221] : memref<2x103x128xi32, #tpu.memory_space<hbm>> -> memref<1x103x128xi32, #tpu.memory_space<hbm>>
      %dma_start3A_223 = tpu.memref_squeeze %dma_start3A_222 : memref<1x103x128xi32, #tpu.memory_space<hbm>> -> memref<103x128xi32, #tpu.memory_space<hbm>>
      %dma_start3A_224 = arith.constant 0 : i32
      %dma_start3A_225 = tpu.memref_slice %dma_start3A_223[%add3A_197, %dma_start3A_224] : memref<103x128xi32, #tpu.memory_space<hbm>> -> memref<1x128xi32, #tpu.memory_space<hbm>>
      tpu.enqueue_dma source(%dma_start3A_225 : memref<1x128xi32, #tpu.memory_space<hbm>>) target(%dma_start3A_214 : memref<1x128xi32, #tpu.memory_space<vmem>>) target_semaphore(%arg14 : memref<!tpu.dma_semaphore, #tpu.memory_space<semaphore_mem>>)
      %add3A_226 = arith.constant 2 : i32
      %add3A_227 = arith.addi %mul3A_160, %add3A_226 : i32
      %dma_start3A_228 = arith.constant 0 : i32
      %dma_start3A_229 = tpu.memref_slice %arg7[%add3A_227, %dma_start3A_228] : memref<103x128xi32, #tpu.memory_space<vmem>> -> memref<1x128xi32, #tpu.memory_space<vmem>>
      %dma_start3A_230 = tpu.memref_squeeze %dma_start3A_229 : memref<1x128xi32, #tpu.memory_space<vmem>> -> memref<128xi32, #tpu.memory_space<vmem>>
      %dma_start3A_231 = arith.constant 0 : i32
      %dma_start3A_232 = arith.constant 0 : i32
      %dma_start3A_233 = tpu.memref_slice %arg2[%dma_start3A_231, %dma_start3A_232] : memref<10000x128xf32, #tpu.memory_space<hbm>> -> memref<10000x128xf32, #tpu.memory_space<hbm>>
      tpu.enqueue_indirect_dma source(%dma_start3A_233 : memref<10000x128xf32, #tpu.memory_space<hbm>>) target(%arg9 : memref<128x128xf32, #tpu.memory_space<vmem>>) offsets(%dma_start3A_230 : memref<128xi32, #tpu.memory_space<vmem>>) semaphore(%arg12 : memref<!tpu.dma_semaphore, #tpu.memory_space<semaphore_mem>>)
      %add3A_234 = arith.constant 1 : i32
      %add3A_235 = arith.addi %mul3A_160, %add3A_234 : i32
      %dma_wait3A_236 = arith.constant 0 : i32
      %dma_wait3A_237 = tpu.memref_slice %arg7[%add3A_235, %dma_wait3A_236] : memref<103x128xi32, #tpu.memory_space<vmem>> -> memref<1x128xi32, #tpu.memory_space<vmem>>
      %dma_wait3A_238 = tpu.memref_squeeze %dma_wait3A_237 : memref<1x128xi32, #tpu.memory_space<vmem>> -> memref<128xi32, #tpu.memory_space<vmem>>
      %dma_wait3A_239 = arith.constant 0 : i32
      %dma_wait3A_240 = arith.constant 0 : i32
      %dma_wait3A_241 = tpu.memref_slice %arg2[%dma_wait3A_239, %dma_wait3A_240] : memref<10000x128xf32, #tpu.memory_space<hbm>> -> memref<10000x128xf32, #tpu.memory_space<hbm>>
      tpu.wait_indirect_dma semaphore(%arg13 : memref<!tpu.dma_semaphore, #tpu.memory_space<semaphore_mem>>) src(%dma_wait3A_241 : memref<10000x128xf32, #tpu.memory_space<hbm>>) dst(%arg10 : memref<128x128xf32, #tpu.memory_space<vmem>>)
      %add3A_242 = arith.constant 1 : i32
      %add3A_243 = arith.addi %mul3A_160, %add3A_242 : i32
      %dma_wait3A_244 = arith.constant 1 : i32
      %dma_wait3A_245 = arith.constant 0 : i32
      %dma_wait3A_246 = tpu.memref_slice %arg8[%dma_wait3A_244, %dma_wait3A_245] : memref<2x128xi32, #tpu.memory_space<vmem>> -> memref<1x128xi32, #tpu.memory_space<vmem>>
      %dma_wait3A_247 = arith.constant 0 : i32
      %dma_wait3A_248 = arith.constant 0 : i32
      %dma_wait3A_249 = arith.constant 0 : i32
      %dma_wait3A_250 = tpu.memref_slice %arg4[%arg1, %dma_wait3A_247, %dma_wait3A_248, %dma_wait3A_249] : memref<16x2x103x128xi32, #tpu.memory_space<hbm>> -> memref<1x2x103x128xi32, #tpu.memory_space<hbm>>
      %dma_wait3A_251 = tpu.memref_squeeze %dma_wait3A_250 : memref<1x2x103x128xi32, #tpu.memory_space<hbm>> -> memref<2x103x128xi32, #tpu.memory_space<hbm>>
      %dma_wait3A_252 = arith.constant 0 : i32
      %dma_wait3A_253 = arith.constant 0 : i32
      %dma_wait3A_254 = tpu.memref_slice %dma_wait3A_251[%arg0, %dma_wait3A_252, %dma_wait3A_253] : memref<2x103x128xi32, #tpu.memory_space<hbm>> -> memref<1x103x128xi32, #tpu.memory_space<hbm>>
      %dma_wait3A_255 = tpu.memref_squeeze %dma_wait3A_254 : memref<1x103x128xi32, #tpu.memory_space<hbm>> -> memref<103x128xi32, #tpu.memory_space<hbm>>
      %dma_wait3A_256 = arith.constant 0 : i32
      %dma_wait3A_257 = tpu.memref_slice %dma_wait3A_255[%add3A_243, %dma_wait3A_256] : memref<103x128xi32, #tpu.memory_space<hbm>> -> memref<1x128xi32, #tpu.memory_space<hbm>>
      %dma_wait3A_258 = arith.constant 1 : i32
      %dma_wait3A_259 = arith.constant 0 : i32
      %dma_wait3A_260 = tpu.memref_slice %arg8[%dma_wait3A_258, %dma_wait3A_259] : memref<2x128xi32, #tpu.memory_space<vmem>> -> memref<1x128xi32, #tpu.memory_space<vmem>>
      %dma_wait3A_261 = arith.constant 0 : i32
      %dma_wait3A_262 = arith.constant 0 : i32
      %dma_wait3A_263 = arith.constant 0 : i32
      %dma_wait3A_264 = tpu.memref_slice %arg4[%arg1, %dma_wait3A_261, %dma_wait3A_262, %dma_wait3A_263] : memref<16x2x103x128xi32, #tpu.memory_space<hbm>> -> memref<1x2x103x128xi32, #tpu.memory_space<hbm>>
      %dma_wait3A_265 = tpu.memref_squeeze %dma_wait3A_264 : memref<1x2x103x128xi32, #tpu.memory_space<hbm>> -> memref<2x103x128xi32, #tpu.memory_space<hbm>>
      %dma_wait3A_266 = arith.constant 0 : i32
      %dma_wait3A_267 = arith.constant 0 : i32
      %dma_wait3A_268 = tpu.memref_slice %dma_wait3A_265[%arg0, %dma_wait3A_266, %dma_wait3A_267] : memref<2x103x128xi32, #tpu.memory_space<hbm>> -> memref<1x103x128xi32, #tpu.memory_space<hbm>>
      %dma_wait3A_269 = tpu.memref_squeeze %dma_wait3A_268 : memref<1x103x128xi32, #tpu.memory_space<hbm>> -> memref<103x128xi32, #tpu.memory_space<hbm>>
      %dma_wait3A_270 = arith.constant 0 : i32
      %dma_wait3A_271 = tpu.memref_slice %dma_wait3A_269[%add3A_243, %dma_wait3A_270] : memref<103x128xi32, #tpu.memory_space<hbm>> -> memref<1x128xi32, #tpu.memory_space<hbm>>
      tpu.wait_dma2 semaphore(%arg15 : memref<!tpu.dma_semaphore, #tpu.memory_space<semaphore_mem>>) src(%dma_wait3A_271 : memref<1x128xi32, #tpu.memory_space<hbm>>) dst(%dma_wait3A_260 : memref<1x128xi32, #tpu.memory_space<vmem>>)
      %run_scoped3A_272 = arith.constant 1 : i32
      "tpu.region"() ({
        %run_scoped3A_278 = tpu.sem_alloc : memref<!tpu.dma_semaphore, #tpu.memory_space<semaphore_mem>>
        %dma_start3A_279 = arith.constant 0 : i32
        %dma_start3A_280 = tpu.memref_slice %arg8[%run_scoped3A_272, %dma_start3A_279] : memref<2x128xi32, #tpu.memory_space<vmem>> -> memref<1x128xi32, #tpu.memory_space<vmem>>
        %dma_start3A_281 = tpu.memref_squeeze %dma_start3A_280 : memref<1x128xi32, #tpu.memory_space<vmem>> -> memref<128xi32, #tpu.memory_space<vmem>>
        %dma_start3A_282 = arith.constant 0 : i32
        %dma_start3A_283 = arith.constant 0 : i32
        %dma_start3A_284 = tpu.memref_slice %arg11[%dma_start3A_282, %dma_start3A_283] : memref<10240x128xf32, #tpu.memory_space<vmem_shared>> -> memref<10240x128xf32, #tpu.memory_space<vmem_shared>>
        tpu.enqueue_indirect_dma source(%arg10 : memref<128x128xf32, #tpu.memory_space<vmem>>) target(%dma_start3A_284 : memref<10240x128xf32, #tpu.memory_space<vmem_shared>>) offsets(%dma_start3A_281 : memref<128xi32, #tpu.memory_space<vmem>>) semaphore(%run_scoped3A_278 : memref<!tpu.dma_semaphore, #tpu.memory_space<semaphore_mem>>) {add = true}
        %dma_wait3A_285 = arith.constant 0 : i32
        %dma_wait3A_286 = tpu.memref_slice %arg8[%run_scoped3A_272, %dma_wait3A_285] : memref<2x128xi32, #tpu.memory_space<vmem>> -> memref<1x128xi32, #tpu.memory_space<vmem>>
        %dma_wait3A_287 = tpu.memref_squeeze %dma_wait3A_286 : memref<1x128xi32, #tpu.memory_space<vmem>> -> memref<128xi32, #tpu.memory_space<vmem>>
        %dma_wait3A_288 = arith.constant 0 : i32
        %dma_wait3A_289 = arith.constant 0 : i32
        %dma_wait3A_290 = tpu.memref_slice %arg11[%dma_wait3A_288, %dma_wait3A_289] : memref<10240x128xf32, #tpu.memory_space<vmem_shared>> -> memref<10240x128xf32, #tpu.memory_space<vmem_shared>>
        tpu.wait_indirect_dma semaphore(%run_scoped3A_278 : memref<!tpu.dma_semaphore, #tpu.memory_space<semaphore_mem>>) src(%arg10 : memref<128x128xf32, #tpu.memory_space<vmem>>) dst(%dma_wait3A_290 : memref<10240x128xf32, #tpu.memory_space<vmem_shared>>)
        tpu.yield
      }) : () -> ()
      %sub3A_273 = arith.constant 1 : i32
      %sub3A_274 = arith.subi %select_n3A_21, %sub3A_273 : i32
      %lt3A = arith.cmpi slt, %add3A_158, %sub3A_274 : i32
      %convert_element_type3A_275 = arith.extui %lt3A : i1 to i32
      %cond3A_276 = arith.constant 0 : i32
      %cond3A_277 = arith.cmpi ne, %convert_element_type3A_275, %cond3A_276 : i32
      scf.if %cond3A_277 {
        %add3A_278 = arith.constant 3 : i32
        %add3A_279 = arith.addi %mul3A_160, %add3A_278 : i32
        %dma_start3A_280 = arith.constant 1 : i32
        %dma_start3A_281 = arith.constant 0 : i32
        %dma_start3A_282 = tpu.memref_slice %arg8[%dma_start3A_280, %dma_start3A_281] : memref<2x128xi32, #tpu.memory_space<vmem>> -> memref<1x128xi32, #tpu.memory_space<vmem>>
        %dma_start3A_283 = arith.constant 0 : i32
        %dma_start3A_284 = arith.constant 0 : i32
        %dma_start3A_285 = arith.constant 0 : i32
        %dma_start3A_286 = tpu.memref_slice %arg4[%arg1, %dma_start3A_283, %dma_start3A_284, %dma_start3A_285] : memref<16x2x103x128xi32, #tpu.memory_space<hbm>> -> memref<1x2x103x128xi32, #tpu.memory_space<hbm>>
        %dma_start3A_287 = tpu.memref_squeeze %dma_start3A_286 : memref<1x2x103x128xi32, #tpu.memory_space<hbm>> -> memref<2x103x128xi32, #tpu.memory_space<hbm>>
        %dma_start3A_288 = arith.constant 0 : i32
        %dma_start3A_289 = arith.constant 0 : i32
        %dma_start3A_290 = tpu.memref_slice %dma_start3A_287[%arg0, %dma_start3A_288, %dma_start3A_289] : memref<2x103x128xi32, #tpu.memory_space<hbm>> -> memref<1x103x128xi32, #tpu.memory_space<hbm>>
        %dma_start3A_291 = tpu.memref_squeeze %dma_start3A_290 : memref<1x103x128xi32, #tpu.memory_space<hbm>> -> memref<103x128xi32, #tpu.memory_space<hbm>>
        %dma_start3A_292 = arith.constant 0 : i32
        %dma_start3A_293 = tpu.memref_slice %dma_start3A_291[%add3A_279, %dma_start3A_292] : memref<103x128xi32, #tpu.memory_space<hbm>> -> memref<1x128xi32, #tpu.memory_space<hbm>>
        %dma_start3A_294 = arith.constant 1 : i32
        %dma_start3A_295 = arith.constant 0 : i32
        %dma_start3A_296 = tpu.memref_slice %arg8[%dma_start3A_294, %dma_start3A_295] : memref<2x128xi32, #tpu.memory_space<vmem>> -> memref<1x128xi32, #tpu.memory_space<vmem>>
        %dma_start3A_297 = arith.constant 0 : i32
        %dma_start3A_298 = arith.constant 0 : i32
        %dma_start3A_299 = arith.constant 0 : i32
        %dma_start3A_300 = tpu.memref_slice %arg4[%arg1, %dma_start3A_297, %dma_start3A_298, %dma_start3A_299] : memref<16x2x103x128xi32, #tpu.memory_space<hbm>> -> memref<1x2x103x128xi32, #tpu.memory_space<hbm>>
        %dma_start3A_301 = tpu.memref_squeeze %dma_start3A_300 : memref<1x2x103x128xi32, #tpu.memory_space<hbm>> -> memref<2x103x128xi32, #tpu.memory_space<hbm>>
        %dma_start3A_302 = arith.constant 0 : i32
        %dma_start3A_303 = arith.constant 0 : i32
        %dma_start3A_304 = tpu.memref_slice %dma_start3A_301[%arg0, %dma_start3A_302, %dma_start3A_303] : memref<2x103x128xi32, #tpu.memory_space<hbm>> -> memref<1x103x128xi32, #tpu.memory_space<hbm>>
        %dma_start3A_305 = tpu.memref_squeeze %dma_start3A_304 : memref<1x103x128xi32, #tpu.memory_space<hbm>> -> memref<103x128xi32, #tpu.memory_space<hbm>>
        %dma_start3A_306 = arith.constant 0 : i32
        %dma_start3A_307 = tpu.memref_slice %dma_start3A_305[%add3A_279, %dma_start3A_306] : memref<103x128xi32, #tpu.memory_space<hbm>> -> memref<1x128xi32, #tpu.memory_space<hbm>>
        tpu.enqueue_dma source(%dma_start3A_307 : memref<1x128xi32, #tpu.memory_space<hbm>>) target(%dma_start3A_296 : memref<1x128xi32, #tpu.memory_space<vmem>>) target_semaphore(%arg15 : memref<!tpu.dma_semaphore, #tpu.memory_space<semaphore_mem>>)
        %add3A_308 = arith.constant 3 : i32
        %add3A_309 = arith.addi %mul3A_160, %add3A_308 : i32
        %dma_start3A_310 = arith.constant 0 : i32
        %dma_start3A_311 = tpu.memref_slice %arg7[%add3A_309, %dma_start3A_310] : memref<103x128xi32, #tpu.memory_space<vmem>> -> memref<1x128xi32, #tpu.memory_space<vmem>>
        %dma_start3A_312 = tpu.memref_squeeze %dma_start3A_311 : memref<1x128xi32, #tpu.memory_space<vmem>> -> memref<128xi32, #tpu.memory_space<vmem>>
        %dma_start3A_313 = arith.constant 0 : i32
        %dma_start3A_314 = arith.constant 0 : i32
        %dma_start3A_315 = tpu.memref_slice %arg2[%dma_start3A_313, %dma_start3A_314] : memref<10000x128xf32, #tpu.memory_space<hbm>> -> memref<10000x128xf32, #tpu.memory_space<hbm>>
        tpu.enqueue_indirect_dma source(%dma_start3A_315 : memref<10000x128xf32, #tpu.memory_space<hbm>>) target(%arg10 : memref<128x128xf32, #tpu.memory_space<vmem>>) offsets(%dma_start3A_312 : memref<128xi32, #tpu.memory_space<vmem>>) semaphore(%arg13 : memref<!tpu.dma_semaphore, #tpu.memory_space<semaphore_mem>>)
      } else {
      }
    }
    %sub3A_115 = arith.constant 1 : i32
    %sub3A_116 = arith.subi %select_n3A, %sub3A_115 : i32
    %dma_wait3A = arith.constant 0 : i32
    %dma_wait3A_117 = tpu.memref_slice %arg7[%sub3A_116, %dma_wait3A] : memref<103x128xi32, #tpu.memory_space<vmem>> -> memref<1x128xi32, #tpu.memory_space<vmem>>
    %dma_wait3A_118 = tpu.memref_squeeze %dma_wait3A_117 : memref<1x128xi32, #tpu.memory_space<vmem>> -> memref<128xi32, #tpu.memory_space<vmem>>
    %dma_wait3A_119 = arith.constant 0 : i32
    %dma_wait3A_120 = arith.constant 0 : i32
    %dma_wait3A_121 = tpu.memref_slice %arg2[%dma_wait3A_119, %dma_wait3A_120] : memref<10000x128xf32, #tpu.memory_space<hbm>> -> memref<10000x128xf32, #tpu.memory_space<hbm>>
    tpu.wait_indirect_dma semaphore(%arg12 : memref<!tpu.dma_semaphore, #tpu.memory_space<semaphore_mem>>) src(%dma_wait3A_121 : memref<10000x128xf32, #tpu.memory_space<hbm>>) dst(%arg9 : memref<128x128xf32, #tpu.memory_space<vmem>>)
    %sub3A_122 = arith.constant 1 : i32
    %sub3A_123 = arith.subi %select_n3A, %sub3A_122 : i32
    %dma_wait3A_124 = arith.constant 0 : i32
    %dma_wait3A_125 = arith.constant 0 : i32
    %dma_wait3A_126 = tpu.memref_slice %arg8[%dma_wait3A_124, %dma_wait3A_125] : memref<2x128xi32, #tpu.memory_space<vmem>> -> memref<1x128xi32, #tpu.memory_space<vmem>>
    %dma_wait3A_127 = arith.constant 0 : i32
    %dma_wait3A_128 = arith.constant 0 : i32
    %dma_wait3A_129 = arith.constant 0 : i32
    %dma_wait3A_130 = tpu.memref_slice %arg4[%arg1, %dma_wait3A_127, %dma_wait3A_128, %dma_wait3A_129] : memref<16x2x103x128xi32, #tpu.memory_space<hbm>> -> memref<1x2x103x128xi32, #tpu.memory_space<hbm>>
    %dma_wait3A_131 = tpu.memref_squeeze %dma_wait3A_130 : memref<1x2x103x128xi32, #tpu.memory_space<hbm>> -> memref<2x103x128xi32, #tpu.memory_space<hbm>>
    %dma_wait3A_132 = arith.constant 0 : i32
    %dma_wait3A_133 = arith.constant 0 : i32
    %dma_wait3A_134 = tpu.memref_slice %dma_wait3A_131[%arg0, %dma_wait3A_132, %dma_wait3A_133] : memref<2x103x128xi32, #tpu.memory_space<hbm>> -> memref<1x103x128xi32, #tpu.memory_space<hbm>>
    %dma_wait3A_135 = tpu.memref_squeeze %dma_wait3A_134 : memref<1x103x128xi32, #tpu.memory_space<hbm>> -> memref<103x128xi32, #tpu.memory_space<hbm>>
    %dma_wait3A_136 = arith.constant 0 : i32
    %dma_wait3A_137 = tpu.memref_slice %dma_wait3A_135[%sub3A_123, %dma_wait3A_136] : memref<103x128xi32, #tpu.memory_space<hbm>> -> memref<1x128xi32, #tpu.memory_space<hbm>>
    %dma_wait3A_138 = arith.constant 0 : i32
    %dma_wait3A_139 = arith.constant 0 : i32
    %dma_wait3A_140 = tpu.memref_slice %arg8[%dma_wait3A_138, %dma_wait3A_139] : memref<2x128xi32, #tpu.memory_space<vmem>> -> memref<1x128xi32, #tpu.memory_space<vmem>>
    %dma_wait3A_141 = arith.constant 0 : i32
    %dma_wait3A_142 = arith.constant 0 : i32
    %dma_wait3A_143 = arith.constant 0 : i32
    %dma_wait3A_144 = tpu.memref_slice %arg4[%arg1, %dma_wait3A_141, %dma_wait3A_142, %dma_wait3A_143] : memref<16x2x103x128xi32, #tpu.memory_space<hbm>> -> memref<1x2x103x128xi32, #tpu.memory_space<hbm>>
    %dma_wait3A_145 = tpu.memref_squeeze %dma_wait3A_144 : memref<1x2x103x128xi32, #tpu.memory_space<hbm>> -> memref<2x103x128xi32, #tpu.memory_space<hbm>>
    %dma_wait3A_146 = arith.constant 0 : i32
    %dma_wait3A_147 = arith.constant 0 : i32
    %dma_wait3A_148 = tpu.memref_slice %dma_wait3A_145[%arg0, %dma_wait3A_146, %dma_wait3A_147] : memref<2x103x128xi32, #tpu.memory_space<hbm>> -> memref<1x103x128xi32, #tpu.memory_space<hbm>>
    %dma_wait3A_149 = tpu.memref_squeeze %dma_wait3A_148 : memref<1x103x128xi32, #tpu.memory_space<hbm>> -> memref<103x128xi32, #tpu.memory_space<hbm>>
    %dma_wait3A_150 = arith.constant 0 : i32
    %dma_wait3A_151 = tpu.memref_slice %dma_wait3A_149[%sub3A_123, %dma_wait3A_150] : memref<103x128xi32, #tpu.memory_space<hbm>> -> memref<1x128xi32, #tpu.memory_space<hbm>>
    tpu.wait_dma2 semaphore(%arg14 : memref<!tpu.dma_semaphore, #tpu.memory_space<semaphore_mem>>) src(%dma_wait3A_151 : memref<1x128xi32, #tpu.memory_space<hbm>>) dst(%dma_wait3A_140 : memref<1x128xi32, #tpu.memory_space<vmem>>)
    %run_scoped3A = arith.constant 0 : i32
    "tpu.region"() ({
      %run_scoped3A_156 = tpu.sem_alloc : memref<!tpu.dma_semaphore, #tpu.memory_space<semaphore_mem>>
      %dma_start3A_157 = arith.constant 0 : i32
      %dma_start3A_158 = tpu.memref_slice %arg8[%run_scoped3A, %dma_start3A_157] : memref<2x128xi32, #tpu.memory_space<vmem>> -> memref<1x128xi32, #tpu.memory_space<vmem>>
      %dma_start3A_159 = tpu.memref_squeeze %dma_start3A_158 : memref<1x128xi32, #tpu.memory_space<vmem>> -> memref<128xi32, #tpu.memory_space<vmem>>
      %dma_start3A_160 = arith.constant 0 : i32
      %dma_start3A_161 = arith.constant 0 : i32
      %dma_start3A_162 = tpu.memref_slice %arg11[%dma_start3A_160, %dma_start3A_161] : memref<10240x128xf32, #tpu.memory_space<vmem_shared>> -> memref<10240x128xf32, #tpu.memory_space<vmem_shared>>
      tpu.enqueue_indirect_dma source(%arg9 : memref<128x128xf32, #tpu.memory_space<vmem>>) target(%dma_start3A_162 : memref<10240x128xf32, #tpu.memory_space<vmem_shared>>) offsets(%dma_start3A_159 : memref<128xi32, #tpu.memory_space<vmem>>) semaphore(%run_scoped3A_156 : memref<!tpu.dma_semaphore, #tpu.memory_space<semaphore_mem>>) {add = true}
      %dma_wait3A_163 = arith.constant 0 : i32
      %dma_wait3A_164 = tpu.memref_slice %arg8[%run_scoped3A, %dma_wait3A_163] : memref<2x128xi32, #tpu.memory_space<vmem>> -> memref<1x128xi32, #tpu.memory_space<vmem>>
      %dma_wait3A_165 = tpu.memref_squeeze %dma_wait3A_164 : memref<1x128xi32, #tpu.memory_space<vmem>> -> memref<128xi32, #tpu.memory_space<vmem>>
      %dma_wait3A_166 = arith.constant 0 : i32
      %dma_wait3A_167 = arith.constant 0 : i32
      %dma_wait3A_168 = tpu.memref_slice %arg11[%dma_wait3A_166, %dma_wait3A_167] : memref<10240x128xf32, #tpu.memory_space<vmem_shared>> -> memref<10240x128xf32, #tpu.memory_space<vmem_shared>>
      tpu.wait_indirect_dma semaphore(%run_scoped3A_156 : memref<!tpu.dma_semaphore, #tpu.memory_space<semaphore_mem>>) src(%arg9 : memref<128x128xf32, #tpu.memory_space<vmem>>) dst(%dma_wait3A_168 : memref<10240x128xf32, #tpu.memory_space<vmem_shared>>)
      tpu.yield
    }) : () -> ()
    %barrier3A_152 = arith.constant 0 : index
    tpu.barrier barrier_id(%barrier3A_152)
    %mul3A = arith.constant 640 : i32
    %mul3A_153 = arith.muli %arg1, %mul3A : i32
    %mul3A_154 = arith.constant 640 : i32
    %mul3A_155 = arith.muli %arg1, %mul3A_154 : i32
    "tpu.region"() ({
      %run_scoped3A_156 = tpu.sem_alloc : memref<!tpu.dma_semaphore, #tpu.memory_space<semaphore_mem>>
      %dma_start3A_157 = arith.constant 0 : i32
      %dma_start3A_158 = arith.constant 0 : i32
      %dma_start3A_159 = tpu.memref_slice %arg6[%arg0, %dma_start3A_157, %dma_start3A_158] : memref<2x10240x128xf32, #tpu.memory_space<hbm>> -> memref<1x10240x128xf32, #tpu.memory_space<hbm>>
      %dma_start3A_160 = tpu.memref_squeeze %dma_start3A_159 : memref<1x10240x128xf32, #tpu.memory_space<hbm>> -> memref<10240x128xf32, #tpu.memory_space<hbm>>
      %dma_start3A_161 = arith.constant 0 : i32
      %dma_start3A_162 = tpu.memref_slice %dma_start3A_160[%mul3A_155, %dma_start3A_161] : memref<10240x128xf32, #tpu.memory_space<hbm>> -> memref<640x128xf32, #tpu.memory_space<hbm>>
      %dma_start3A_163 = arith.constant 0 : i32
      %dma_start3A_164 = tpu.memref_slice %arg11[%mul3A_153, %dma_start3A_163] : memref<10240x128xf32, #tpu.memory_space<vmem_shared>> -> memref<640x128xf32, #tpu.memory_space<vmem_shared>>
      tpu.enqueue_dma source(%dma_start3A_164 : memref<640x128xf32, #tpu.memory_space<vmem_shared>>) target(%dma_start3A_162 : memref<640x128xf32, #tpu.memory_space<hbm>>) target_semaphore(%run_scoped3A_156 : memref<!tpu.dma_semaphore, #tpu.memory_space<semaphore_mem>>)
      %dma_wait3A_165 = arith.constant 0 : i32
      %dma_wait3A_166 = arith.constant 0 : i32
      %dma_wait3A_167 = tpu.memref_slice %arg6[%arg0, %dma_wait3A_165, %dma_wait3A_166] : memref<2x10240x128xf32, #tpu.memory_space<hbm>> -> memref<1x10240x128xf32, #tpu.memory_space<hbm>>
      %dma_wait3A_168 = tpu.memref_squeeze %dma_wait3A_167 : memref<1x10240x128xf32, #tpu.memory_space<hbm>> -> memref<10240x128xf32, #tpu.memory_space<hbm>>
      %dma_wait3A_169 = arith.constant 0 : i32
      %dma_wait3A_170 = tpu.memref_slice %dma_wait3A_168[%mul3A_155, %dma_wait3A_169] : memref<10240x128xf32, #tpu.memory_space<hbm>> -> memref<640x128xf32, #tpu.memory_space<hbm>>
      %dma_wait3A_171 = arith.constant 0 : i32
      %dma_wait3A_172 = tpu.memref_slice %arg11[%mul3A_153, %dma_wait3A_171] : memref<10240x128xf32, #tpu.memory_space<vmem_shared>> -> memref<640x128xf32, #tpu.memory_space<vmem_shared>>
      tpu.wait_dma2 semaphore(%run_scoped3A_156 : memref<!tpu.dma_semaphore, #tpu.memory_space<semaphore_mem>>) src(%dma_wait3A_172 : memref<640x128xf32, #tpu.memory_space<vmem_shared>>) dst(%dma_wait3A_170 : memref<640x128xf32, #tpu.memory_space<hbm>>)
      tpu.yield
    }) : () -> ()
    return
  }
}

module attributes {stable_mosaic.version = 14 : i64} {
  func.func @_enc_body(%arg0: i32, %arg1: memref<5000x128xf32, #tpu.memory_space<vmem>>, %arg2: memref<5000x128xf32, #tpu.memory_space<vmem>>, %arg3: memref<128x64xf32, #tpu.memory_space<vmem>>, %arg4: memref<1x64xf32, #tpu.memory_space<vmem>>, %arg5: memref<128x64xf32, #tpu.memory_space<vmem>>, %arg6: memref<1x64xf32, #tpu.memory_space<vmem>>, %arg7: memref<128x128xf32, #tpu.memory_space<vmem>>, %arg8: memref<5000x128xf32, #tpu.memory_space<vmem>>, %arg9: memref<5000x128xf32, #tpu.memory_space<vmem>>) attributes {dimension_semantics = [#tpu.dimension_semantics<arbitrary>], iteration_bounds = array<i64: 2>, scalar_prefetch = 0 : i64, scratch_operands = 0 : i64, tpu.core_type = #tpu.core_type<tc>, window_params = [{transform_indices = @transform_0, window_bounds = array<i64: 5000, 128>}, {transform_indices = @transform_1, window_bounds = array<i64: 5000, 128>}, {pipeline_mode = #tpu.pipeline_mode<synchronous>, transform_indices = @transform_2, window_bounds = array<i64: 128, 64>}, {pipeline_mode = #tpu.pipeline_mode<synchronous>, transform_indices = @transform_3, window_bounds = array<i64: 1, 64>}, {pipeline_mode = #tpu.pipeline_mode<synchronous>, transform_indices = @transform_4, window_bounds = array<i64: 128, 64>}, {pipeline_mode = #tpu.pipeline_mode<synchronous>, transform_indices = @transform_5, window_bounds = array<i64: 1, 64>}, {pipeline_mode = #tpu.pipeline_mode<synchronous>, transform_indices = @transform_6, window_bounds = array<i64: 128, 128>}, {transform_indices = @transform_7, window_bounds = array<i64: 5000, 128>}, {transform_indices = @transform_8, window_bounds = array<i64: 5000, 128>}]} {
    %get3A = arith.constant 0 : index
    %get3A_0 = arith.constant 0 : index
    %get3A_1 = vector.load %arg1[%get3A, %get3A_0] : memref<5000x128xf32, #tpu.memory_space<vmem>>, vector<5000x128xf32>
    %get3A_2 = arith.constant 0 : index
    %get3A_3 = arith.constant 0 : index
    %get3A_4 = vector.load %arg3[%get3A_2, %get3A_3] : memref<128x64xf32, #tpu.memory_space<vmem>>, vector<128x64xf32>
    %dot_general3A = arith.constant dense<0.000000e+00> : vector<5000x64xf32>
    %dot_general3A_5 = tpu.matmul %get3A_1, %get3A_4, %dot_general3A {dimension_numbers = #tpu.dot_dimension_numbers<[1], [0], [0], [1], [0, 0, 1, 1], [], []>, transpose_lhs_hint = false} : vector<5000x128xf32>, vector<128x64xf32>, vector<5000x64xf32> -> vector<5000x64xf32>
    %get3A_6 = arith.constant 0 : index
    %get3A_7 = arith.constant 0 : index
    %get3A_8 = vector.load %arg4[%get3A_6, %get3A_7] : memref<1x64xf32, #tpu.memory_space<vmem>>, vector<1x64xf32>
    %add3A = vector.broadcast %get3A_8 : vector<1x64xf32> to vector<5000x64xf32>
    %add3A_9 = arith.addf %dot_general3A_5, %add3A : vector<5000x64xf32>
    %get3A_10 = arith.constant 0 : index
    %get3A_11 = arith.constant 0 : index
    %get3A_12 = vector.load %arg2[%get3A_10, %get3A_11] : memref<5000x128xf32, #tpu.memory_space<vmem>>, vector<5000x128xf32>
    %get3A_13 = arith.constant 0 : index
    %get3A_14 = arith.constant 0 : index
    %get3A_15 = vector.load %arg5[%get3A_13, %get3A_14] : memref<128x64xf32, #tpu.memory_space<vmem>>, vector<128x64xf32>
    %dot_general3A_16 = arith.constant dense<0.000000e+00> : vector<5000x64xf32>
    %dot_general3A_17 = tpu.matmul %get3A_12, %get3A_15, %dot_general3A_16 {dimension_numbers = #tpu.dot_dimension_numbers<[1], [0], [0], [1], [0, 0, 1, 1], [], []>, transpose_lhs_hint = false} : vector<5000x128xf32>, vector<128x64xf32>, vector<5000x64xf32> -> vector<5000x64xf32>
    %get3A_18 = arith.constant 0 : index
    %get3A_19 = arith.constant 0 : index
    %get3A_20 = vector.load %arg6[%get3A_18, %get3A_19] : memref<1x64xf32, #tpu.memory_space<vmem>>, vector<1x64xf32>
    %add3A_21 = vector.broadcast %get3A_20 : vector<1x64xf32> to vector<5000x64xf32>
    %add3A_22 = arith.addf %dot_general3A_17, %add3A_21 : vector<5000x64xf32>
    %concatenate3A = tpu.concatenate %add3A_9, %add3A_22 in 1 : vector<5000x64xf32>, vector<5000x64xf32> -> vector<5000x128xf32>
    %swap3A = arith.constant 0 : index
    %swap3A_23 = arith.constant 0 : index
    %swap3A_24 = vector.load %arg8[%swap3A, %swap3A_23] : memref<5000x128xf32, #tpu.memory_space<vmem>>, vector<5000x128xf32>
    tpu.vector_store %arg8[%swap3A, %swap3A_23], %concatenate3A {strides = array<i32>} : memref<5000x128xf32, #tpu.memory_space<vmem>>, vector<5000x128xf32>,
    %get3A_25 = arith.constant 0 : index
    %get3A_26 = arith.constant 0 : index
    %get3A_27 = vector.load %arg7[%get3A_25, %get3A_26] : memref<128x128xf32, #tpu.memory_space<vmem>>, vector<128x128xf32>
    %dot_general3A_28 = arith.constant dense<0.000000e+00> : vector<5000x128xf32>
    %dot_general3A_29 = tpu.matmul %concatenate3A, %get3A_27, %dot_general3A_28 {dimension_numbers = #tpu.dot_dimension_numbers<[1], [0], [0], [1], [0, 0, 1, 1], [], []>, transpose_lhs_hint = false} : vector<5000x128xf32>, vector<128x128xf32>, vector<5000x128xf32> -> vector<5000x128xf32>
    %swap3A_30 = arith.constant 0 : index
    %swap3A_31 = arith.constant 0 : index
    %swap3A_32 = vector.load %arg9[%swap3A_30, %swap3A_31] : memref<5000x128xf32, #tpu.memory_space<vmem>>, vector<5000x128xf32>
    tpu.vector_store %arg9[%swap3A_30, %swap3A_31], %dot_general3A_29 {strides = array<i32>} : memref<5000x128xf32, #tpu.memory_space<vmem>>, vector<5000x128xf32>,
    return
  }
  func.func @transform_0(%arg0: i32) -> (i32, i32) {
    %c0_i32 = arith.constant 0 : i32
    %c0_i32_0 = arith.constant 0 : i32
    return %arg0, %c0_i32 : i32, i32
  }
  func.func @transform_1(%arg0: i32) -> (i32, i32) {
    %c0_i32 = arith.constant 0 : i32
    %c0_i32_0 = arith.constant 0 : i32
    return %arg0, %c0_i32 : i32, i32
  }
  func.func @transform_2(%arg0: i32) -> (i32, i32) {
    %c0_i32 = arith.constant 0 : i32
    %c0_i32_0 = arith.constant 0 : i32
    %c0_i32_1 = arith.constant 0 : i32
    return %c0_i32, %c0_i32_0 : i32, i32
  }
  func.func @transform_3(%arg0: i32) -> (i32, i32) {
    %c0_i32 = arith.constant 0 : i32
    %c0_i32_0 = arith.constant 0 : i32
    %c0_i32_1 = arith.constant 0 : i32
    return %c0_i32, %c0_i32_0 : i32, i32
  }
  func.func @transform_4(%arg0: i32) -> (i32, i32) {
    %c0_i32 = arith.constant 0 : i32
    %c0_i32_0 = arith.constant 0 : i32
    %c0_i32_1 = arith.constant 0 : i32
    return %c0_i32, %c0_i32_0 : i32, i32
  }
  func.func @transform_5(%arg0: i32) -> (i32, i32) {
    %c0_i32 = arith.constant 0 : i32
    %c0_i32_0 = arith.constant 0 : i32
    %c0_i32_1 = arith.constant 0 : i32
    return %c0_i32, %c0_i32_0 : i32, i32
  }
  func.func @transform_6(%arg0: i32) -> (i32, i32) {
    %c0_i32 = arith.constant 0 : i32
    %c0_i32_0 = arith.constant 0 : i32
    %c0_i32_1 = arith.constant 0 : i32
    return %c0_i32, %c0_i32_0 : i32, i32
  }
  func.func @transform_7(%arg0: i32) -> (i32, i32) {
    %c0_i32 = arith.constant 0 : i32
    %c0_i32_0 = arith.constant 0 : i32
    return %arg0, %c0_i32 : i32, i32
  }
  func.func @transform_8(%arg0: i32) -> (i32, i32) {
    %c0_i32 = arith.constant 0 : i32
    %c0_i32_0 = arith.constant 0 : i32
    return %arg0, %c0_i32 : i32, i32
  }
}

module attributes {stable_mosaic.version = 14 : i64} {
  func.func @_gru_out_body(%arg0: i32, %arg1: memref<2x5000x128xf32, #tpu.memory_space<vmem>>, %arg2: memref<5000x128xf32, #tpu.memory_space<vmem>>, %arg3: memref<128x384xf32, #tpu.memory_space<vmem>>, %arg4: memref<128x384xf32, #tpu.memory_space<vmem>>, %arg5: memref<1x384xf32, #tpu.memory_space<vmem>>, %arg6: memref<1x384xf32, #tpu.memory_space<vmem>>, %arg7: memref<128x2xf32, #tpu.memory_space<vmem>>, %arg8: memref<1x2xf32, #tpu.memory_space<vmem>>, %arg9: memref<5000x2xf32, #tpu.memory_space<vmem>>) attributes {dimension_semantics = [#tpu.dimension_semantics<arbitrary>], iteration_bounds = array<i64: 2>, scalar_prefetch = 0 : i64, scratch_operands = 0 : i64, tpu.core_type = #tpu.core_type<tc>, window_params = [{transform_indices = @transform_0, window_bounds = array<i64: 2, 5000, 128>}, {transform_indices = @transform_1, window_bounds = array<i64: 5000, 128>}, {pipeline_mode = #tpu.pipeline_mode<synchronous>, transform_indices = @transform_2, window_bounds = array<i64: 128, 384>}, {pipeline_mode = #tpu.pipeline_mode<synchronous>, transform_indices = @transform_3, window_bounds = array<i64: 128, 384>}, {pipeline_mode = #tpu.pipeline_mode<synchronous>, transform_indices = @transform_4, window_bounds = array<i64: 1, 384>}, {pipeline_mode = #tpu.pipeline_mode<synchronous>, transform_indices = @transform_5, window_bounds = array<i64: 1, 384>}, {pipeline_mode = #tpu.pipeline_mode<synchronous>, transform_indices = @transform_6, window_bounds = array<i64: 128, 2>}, {pipeline_mode = #tpu.pipeline_mode<synchronous>, transform_indices = @transform_7, window_bounds = array<i64: 1, 2>}, {transform_indices = @transform_8, window_bounds = array<i64: 5000, 2>}]} {
    %get3A = arith.constant 0 : index
    %get3A_0 = arith.constant 0 : index
    %get3A_1 = arith.constant 0 : index
    %get3A_2 = vector.load %arg1[%get3A, %get3A_0, %get3A_1] : memref<2x5000x128xf32, #tpu.memory_space<vmem>>, vector<1x5000x128xf32>
    %get3A_3 = vector.shape_cast %get3A_2 : vector<1x5000x128xf32> to vector<5000x128xf32>
    %get3A_4 = arith.constant 1 : index
    %get3A_5 = arith.constant 0 : index
    %get3A_6 = arith.constant 0 : index
    %get3A_7 = vector.load %arg1[%get3A_4, %get3A_5, %get3A_6] : memref<2x5000x128xf32, #tpu.memory_space<vmem>>, vector<1x5000x128xf32>
    %get3A_8 = vector.shape_cast %get3A_7 : vector<1x5000x128xf32> to vector<5000x128xf32>
    %add3A = arith.addf %get3A_3, %get3A_8 : vector<5000x128xf32>
    %get3A_9 = arith.constant 0 : index
    %get3A_10 = arith.constant 0 : index
    %get3A_11 = vector.load %arg2[%get3A_9, %get3A_10] : memref<5000x128xf32, #tpu.memory_space<vmem>>, vector<5000x128xf32>
    %get3A_12 = arith.constant 0 : index
    %get3A_13 = arith.constant 0 : index
    %get3A_14 = vector.load %arg3[%get3A_12, %get3A_13] : memref<128x384xf32, #tpu.memory_space<vmem>>, vector<128x384xf32>
    %get3A_15 = arith.constant 0 : index
    %get3A_16 = arith.constant 0 : index
    %get3A_17 = vector.load %arg4[%get3A_15, %get3A_16] : memref<128x384xf32, #tpu.memory_space<vmem>>, vector<128x384xf32>
    %get3A_18 = arith.constant 0 : index
    %get3A_19 = arith.constant 0 : index
    %get3A_20 = vector.load %arg5[%get3A_18, %get3A_19] : memref<1x384xf32, #tpu.memory_space<vmem>>, vector<1x384xf32>
    %get3A_21 = arith.constant 0 : index
    %get3A_22 = arith.constant 0 : index
    %get3A_23 = vector.load %arg6[%get3A_21, %get3A_22] : memref<1x384xf32, #tpu.memory_space<vmem>>, vector<1x384xf32>
    %dot_general3A = arith.constant dense<0.000000e+00> : vector<5000x384xf32>
    %dot_general3A_24 = tpu.matmul %add3A, %get3A_14, %dot_general3A {dimension_numbers = #tpu.dot_dimension_numbers<[1], [0], [0], [1], [0, 0, 1, 1], [], []>, transpose_lhs_hint = false} : vector<5000x128xf32>, vector<128x384xf32>, vector<5000x384xf32> -> vector<5000x384xf32>
    %add3A_25 = vector.broadcast %get3A_20 : vector<1x384xf32> to vector<5000x384xf32>
    %add3A_26 = arith.addf %dot_general3A_24, %add3A_25 : vector<5000x384xf32>
    %dot_general3A_27 = arith.constant dense<0.000000e+00> : vector<5000x384xf32>
    %dot_general3A_28 = tpu.matmul %get3A_11, %get3A_17, %dot_general3A_27 {dimension_numbers = #tpu.dot_dimension_numbers<[1], [0], [0], [1], [0, 0, 1, 1], [], []>, transpose_lhs_hint = false} : vector<5000x128xf32>, vector<128x384xf32>, vector<5000x384xf32> -> vector<5000x384xf32>
    %add3A_29 = vector.broadcast %get3A_23 : vector<1x384xf32> to vector<5000x384xf32>
    %add3A_30 = arith.addf %dot_general3A_28, %add3A_29 : vector<5000x384xf32>
    %slice3A = vector.extract_strided_slice %add3A_26 {offsets = [0, 0], sizes = [5000, 128], strides = [1, 1]} : vector<5000x384xf32> to vector<5000x128xf32>
    %slice3A_31 = vector.extract_strided_slice %add3A_30 {offsets = [0, 0], sizes = [5000, 128], strides = [1, 1]} : vector<5000x384xf32> to vector<5000x128xf32>
    %add3A_32 = arith.addf %slice3A, %slice3A_31 : vector<5000x128xf32>
    %logistic3A = arith.negf %add3A_32 : vector<5000x128xf32>
    %logistic3A_33 = math.exp %logistic3A : vector<5000x128xf32>
    %logistic3A_34 = arith.constant 1.000000e+00 : f32
    %logistic3A_35 = vector.broadcast %logistic3A_34 : f32 to vector<5000x128xf32>
    %logistic3A_36 = arith.addf %logistic3A_35, %logistic3A_33 : vector<5000x128xf32>
    %logistic3A_37 = arith.divf %logistic3A_35, %logistic3A_36 : vector<5000x128xf32>
    %slice3A_38 = vector.extract_strided_slice %add3A_26 {offsets = [0, 128], sizes = [5000, 128], strides = [1, 1]} : vector<5000x384xf32> to vector<5000x128xf32>
    %slice3A_39 = vector.extract_strided_slice %add3A_30 {offsets = [0, 128], sizes = [5000, 128], strides = [1, 1]} : vector<5000x384xf32> to vector<5000x128xf32>
    %add3A_40 = arith.addf %slice3A_38, %slice3A_39 : vector<5000x128xf32>
    %logistic3A_41 = arith.negf %add3A_40 : vector<5000x128xf32>
    %logistic3A_42 = math.exp %logistic3A_41 : vector<5000x128xf32>
    %logistic3A_43 = arith.constant 1.000000e+00 : f32
    %logistic3A_44 = vector.broadcast %logistic3A_43 : f32 to vector<5000x128xf32>
    %logistic3A_45 = arith.addf %logistic3A_44, %logistic3A_42 : vector<5000x128xf32>
    %logistic3A_46 = arith.divf %logistic3A_44, %logistic3A_45 : vector<5000x128xf32>
    %slice3A_47 = vector.extract_strided_slice %add3A_26 {offsets = [0, 256], sizes = [5000, 128], strides = [1, 1]} : vector<5000x384xf32> to vector<5000x128xf32>
    %slice3A_48 = vector.extract_strided_slice %add3A_30 {offsets = [0, 256], sizes = [5000, 128], strides = [1, 1]} : vector<5000x384xf32> to vector<5000x128xf32>
    %mul3A = arith.mulf %logistic3A_37, %slice3A_48 : vector<5000x128xf32>
    %add3A_49 = arith.addf %slice3A_47, %mul3A : vector<5000x128xf32>
    %tanh3A = math.tanh %add3A_49 : vector<5000x128xf32>
    %sub3A = arith.constant 1.000000e+00 : f32
    %sub3A_50 = vector.broadcast %sub3A : f32 to vector<5000x128xf32>
    %sub3A_51 = arith.subf %sub3A_50, %logistic3A_46 : vector<5000x128xf32>
    %mul3A_52 = arith.mulf %sub3A_51, %tanh3A : vector<5000x128xf32>
    %mul3A_53 = arith.mulf %logistic3A_46, %get3A_11 : vector<5000x128xf32>
    %add3A_54 = arith.addf %mul3A_52, %mul3A_53 : vector<5000x128xf32>
    %max3A = arith.constant 0.000000e+00 : f32
    %max3A_55 = vector.broadcast %max3A : f32 to vector<5000x128xf32>
    %max3A_56 = arith.maximumf %add3A_54, %max3A_55 : vector<5000x128xf32>
    %get3A_57 = arith.constant 0 : index
    %get3A_58 = arith.constant 0 : index
    %get3A_59 = vector.load %arg7[%get3A_57, %get3A_58] : memref<128x2xf32, #tpu.memory_space<vmem>>, vector<128x2xf32>
    %dot_general3A_60 = arith.constant dense<0.000000e+00> : vector<5000x2xf32>
    %dot_general3A_61 = tpu.matmul %max3A_56, %get3A_59, %dot_general3A_60 {dimension_numbers = #tpu.dot_dimension_numbers<[1], [0], [0], [1], [0, 0, 1, 1], [], []>, transpose_lhs_hint = false} : vector<5000x128xf32>, vector<128x2xf32>, vector<5000x2xf32> -> vector<5000x2xf32>
    %get3A_62 = arith.constant 0 : index
    %get3A_63 = arith.constant 0 : index
    %get3A_64 = vector.load %arg8[%get3A_62, %get3A_63] : memref<1x2xf32, #tpu.memory_space<vmem>>, vector<1x2xf32>
    %add3A_65 = vector.broadcast %get3A_64 : vector<1x2xf32> to vector<5000x2xf32>
    %add3A_66 = arith.addf %dot_general3A_61, %add3A_65 : vector<5000x2xf32>
    %swap3A = arith.constant 0 : index
    %swap3A_67 = arith.constant 0 : index
    %swap3A_68 = vector.load %arg9[%swap3A, %swap3A_67] : memref<5000x2xf32, #tpu.memory_space<vmem>>, vector<5000x2xf32>
    tpu.vector_store %arg9[%swap3A, %swap3A_67], %add3A_66 {strides = array<i32>} : memref<5000x2xf32, #tpu.memory_space<vmem>>, vector<5000x2xf32>,
    return
  }
  func.func @transform_0(%arg0: i32) -> (i32, i32, i32) {
    %c0_i32 = arith.constant 0 : i32
    %c0_i32_0 = arith.constant 0 : i32
    %c0_i32_1 = arith.constant 0 : i32
    return %c0_i32, %arg0, %c0_i32_0 : i32, i32, i32
  }
  func.func @transform_1(%arg0: i32) -> (i32, i32) {
    %c0_i32 = arith.constant 0 : i32
    %c0_i32_0 = arith.constant 0 : i32
    return %arg0, %c0_i32 : i32, i32
  }
  func.func @transform_2(%arg0: i32) -> (i32, i32) {
    %c0_i32 = arith.constant 0 : i32
    %c0_i32_0 = arith.constant 0 : i32
    %c0_i32_1 = arith.constant 0 : i32
    return %c0_i32, %c0_i32_0 : i32, i32
  }
  func.func @transform_3(%arg0: i32) -> (i32, i32) {
    %c0_i32 = arith.constant 0 : i32
    %c0_i32_0 = arith.constant 0 : i32
    %c0_i32_1 = arith.constant 0 : i32
    return %c0_i32, %c0_i32_0 : i32, i32
  }
  func.func @transform_4(%arg0: i32) -> (i32, i32) {
    %c0_i32 = arith.constant 0 : i32
    %c0_i32_0 = arith.constant 0 : i32
    %c0_i32_1 = arith.constant 0 : i32
    return %c0_i32, %c0_i32_0 : i32, i32
  }
  func.func @transform_5(%arg0: i32) -> (i32, i32) {
    %c0_i32 = arith.constant 0 : i32
    %c0_i32_0 = arith.constant 0 : i32
    %c0_i32_1 = arith.constant 0 : i32
    return %c0_i32, %c0_i32_0 : i32, i32
  }
  func.func @transform_6(%arg0: i32) -> (i32, i32) {
    %c0_i32 = arith.constant 0 : i32
    %c0_i32_0 = arith.constant 0 : i32
    %c0_i32_1 = arith.constant 0 : i32
    return %c0_i32, %c0_i32_0 : i32, i32
  }
  func.func @transform_7(%arg0: i32) -> (i32, i32) {
    %c0_i32 = arith.constant 0 : i32
    %c0_i32_0 = arith.constant 0 : i32
    %c0_i32_1 = arith.constant 0 : i32
    return %c0_i32, %c0_i32_0 : i32, i32
  }
  func.func @transform_8(%arg0: i32) -> (i32, i32) {
    %c0_i32 = arith.constant 0 : i32
    %c0_i32_0 = arith.constant 0 : i32
    return %arg0, %c0_i32 : i32, i32
  }
}

module attributes {stable_mosaic.version = 14 : i64} {
  func.func @_gru_m_body(%arg0: i32, %arg1: memref<2x5000x128xf32, #tpu.memory_space<vmem>>, %arg2: memref<5000x128xf32, #tpu.memory_space<vmem>>, %arg3: memref<128x384xf32, #tpu.memory_space<vmem>>, %arg4: memref<128x384xf32, #tpu.memory_space<vmem>>, %arg5: memref<1x384xf32, #tpu.memory_space<vmem>>, %arg6: memref<1x384xf32, #tpu.memory_space<vmem>>, %arg7: memref<128x128xf32, #tpu.memory_space<vmem>>, %arg8: memref<5000x128xf32, #tpu.memory_space<vmem>>, %arg9: memref<5000x128xf32, #tpu.memory_space<vmem>>) attributes {dimension_semantics = [#tpu.dimension_semantics<arbitrary>], iteration_bounds = array<i64: 2>, scalar_prefetch = 0 : i64, scratch_operands = 0 : i64, tpu.core_type = #tpu.core_type<tc>, window_params = [{transform_indices = @transform_0, window_bounds = array<i64: 2, 5000, 128>}, {transform_indices = @transform_1, window_bounds = array<i64: 5000, 128>}, {pipeline_mode = #tpu.pipeline_mode<synchronous>, transform_indices = @transform_2, window_bounds = array<i64: 128, 384>}, {pipeline_mode = #tpu.pipeline_mode<synchronous>, transform_indices = @transform_3, window_bounds = array<i64: 128, 384>}, {pipeline_mode = #tpu.pipeline_mode<synchronous>, transform_indices = @transform_4, window_bounds = array<i64: 1, 384>}, {pipeline_mode = #tpu.pipeline_mode<synchronous>, transform_indices = @transform_5, window_bounds = array<i64: 1, 384>}, {pipeline_mode = #tpu.pipeline_mode<synchronous>, transform_indices = @transform_6, window_bounds = array<i64: 128, 128>}, {transform_indices = @transform_7, window_bounds = array<i64: 5000, 128>}, {transform_indices = @transform_8, window_bounds = array<i64: 5000, 128>}]} {
    %get3A = arith.constant 0 : index
    %get3A_0 = arith.constant 0 : index
    %get3A_1 = arith.constant 0 : index
    %get3A_2 = vector.load %arg1[%get3A, %get3A_0, %get3A_1] : memref<2x5000x128xf32, #tpu.memory_space<vmem>>, vector<1x5000x128xf32>
    %get3A_3 = vector.shape_cast %get3A_2 : vector<1x5000x128xf32> to vector<5000x128xf32>
    %get3A_4 = arith.constant 1 : index
    %get3A_5 = arith.constant 0 : index
    %get3A_6 = arith.constant 0 : index
    %get3A_7 = vector.load %arg1[%get3A_4, %get3A_5, %get3A_6] : memref<2x5000x128xf32, #tpu.memory_space<vmem>>, vector<1x5000x128xf32>
    %get3A_8 = vector.shape_cast %get3A_7 : vector<1x5000x128xf32> to vector<5000x128xf32>
    %add3A = arith.addf %get3A_3, %get3A_8 : vector<5000x128xf32>
    %get3A_9 = arith.constant 0 : index
    %get3A_10 = arith.constant 0 : index
    %get3A_11 = vector.load %arg2[%get3A_9, %get3A_10] : memref<5000x128xf32, #tpu.memory_space<vmem>>, vector<5000x128xf32>
    %get3A_12 = arith.constant 0 : index
    %get3A_13 = arith.constant 0 : index
    %get3A_14 = vector.load %arg3[%get3A_12, %get3A_13] : memref<128x384xf32, #tpu.memory_space<vmem>>, vector<128x384xf32>
    %get3A_15 = arith.constant 0 : index
    %get3A_16 = arith.constant 0 : index
    %get3A_17 = vector.load %arg4[%get3A_15, %get3A_16] : memref<128x384xf32, #tpu.memory_space<vmem>>, vector<128x384xf32>
    %get3A_18 = arith.constant 0 : index
    %get3A_19 = arith.constant 0 : index
    %get3A_20 = vector.load %arg5[%get3A_18, %get3A_19] : memref<1x384xf32, #tpu.memory_space<vmem>>, vector<1x384xf32>
    %get3A_21 = arith.constant 0 : index
    %get3A_22 = arith.constant 0 : index
    %get3A_23 = vector.load %arg6[%get3A_21, %get3A_22] : memref<1x384xf32, #tpu.memory_space<vmem>>, vector<1x384xf32>
    %dot_general3A = arith.constant dense<0.000000e+00> : vector<5000x384xf32>
    %dot_general3A_24 = tpu.matmul %add3A, %get3A_14, %dot_general3A {dimension_numbers = #tpu.dot_dimension_numbers<[1], [0], [0], [1], [0, 0, 1, 1], [], []>, transpose_lhs_hint = false} : vector<5000x128xf32>, vector<128x384xf32>, vector<5000x384xf32> -> vector<5000x384xf32>
    %add3A_25 = vector.broadcast %get3A_20 : vector<1x384xf32> to vector<5000x384xf32>
    %add3A_26 = arith.addf %dot_general3A_24, %add3A_25 : vector<5000x384xf32>
    %dot_general3A_27 = arith.constant dense<0.000000e+00> : vector<5000x384xf32>
    %dot_general3A_28 = tpu.matmul %get3A_11, %get3A_17, %dot_general3A_27 {dimension_numbers = #tpu.dot_dimension_numbers<[1], [0], [0], [1], [0, 0, 1, 1], [], []>, transpose_lhs_hint = false} : vector<5000x128xf32>, vector<128x384xf32>, vector<5000x384xf32> -> vector<5000x384xf32>
    %add3A_29 = vector.broadcast %get3A_23 : vector<1x384xf32> to vector<5000x384xf32>
    %add3A_30 = arith.addf %dot_general3A_28, %add3A_29 : vector<5000x384xf32>
    %slice3A = vector.extract_strided_slice %add3A_26 {offsets = [0, 0], sizes = [5000, 128], strides = [1, 1]} : vector<5000x384xf32> to vector<5000x128xf32>
    %slice3A_31 = vector.extract_strided_slice %add3A_30 {offsets = [0, 0], sizes = [5000, 128], strides = [1, 1]} : vector<5000x384xf32> to vector<5000x128xf32>
    %add3A_32 = arith.addf %slice3A, %slice3A_31 : vector<5000x128xf32>
    %logistic3A = arith.negf %add3A_32 : vector<5000x128xf32>
    %logistic3A_33 = math.exp %logistic3A : vector<5000x128xf32>
    %logistic3A_34 = arith.constant 1.000000e+00 : f32
    %logistic3A_35 = vector.broadcast %logistic3A_34 : f32 to vector<5000x128xf32>
    %logistic3A_36 = arith.addf %logistic3A_35, %logistic3A_33 : vector<5000x128xf32>
    %logistic3A_37 = arith.divf %logistic3A_35, %logistic3A_36 : vector<5000x128xf32>
    %slice3A_38 = vector.extract_strided_slice %add3A_26 {offsets = [0, 128], sizes = [5000, 128], strides = [1, 1]} : vector<5000x384xf32> to vector<5000x128xf32>
    %slice3A_39 = vector.extract_strided_slice %add3A_30 {offsets = [0, 128], sizes = [5000, 128], strides = [1, 1]} : vector<5000x384xf32> to vector<5000x128xf32>
    %add3A_40 = arith.addf %slice3A_38, %slice3A_39 : vector<5000x128xf32>
    %logistic3A_41 = arith.negf %add3A_40 : vector<5000x128xf32>
    %logistic3A_42 = math.exp %logistic3A_41 : vector<5000x128xf32>
    %logistic3A_43 = arith.constant 1.000000e+00 : f32
    %logistic3A_44 = vector.broadcast %logistic3A_43 : f32 to vector<5000x128xf32>
    %logistic3A_45 = arith.addf %logistic3A_44, %logistic3A_42 : vector<5000x128xf32>
    %logistic3A_46 = arith.divf %logistic3A_44, %logistic3A_45 : vector<5000x128xf32>
    %slice3A_47 = vector.extract_strided_slice %add3A_26 {offsets = [0, 256], sizes = [5000, 128], strides = [1, 1]} : vector<5000x384xf32> to vector<5000x128xf32>
    %slice3A_48 = vector.extract_strided_slice %add3A_30 {offsets = [0, 256], sizes = [5000, 128], strides = [1, 1]} : vector<5000x384xf32> to vector<5000x128xf32>
    %mul3A = arith.mulf %logistic3A_37, %slice3A_48 : vector<5000x128xf32>
    %add3A_49 = arith.addf %slice3A_47, %mul3A : vector<5000x128xf32>
    %tanh3A = math.tanh %add3A_49 : vector<5000x128xf32>
    %sub3A = arith.constant 1.000000e+00 : f32
    %sub3A_50 = vector.broadcast %sub3A : f32 to vector<5000x128xf32>
    %sub3A_51 = arith.subf %sub3A_50, %logistic3A_46 : vector<5000x128xf32>
    %mul3A_52 = arith.mulf %sub3A_51, %tanh3A : vector<5000x128xf32>
    %mul3A_53 = arith.mulf %logistic3A_46, %get3A_11 : vector<5000x128xf32>
    %add3A_54 = arith.addf %mul3A_52, %mul3A_53 : vector<5000x128xf32>
    %swap3A = arith.constant 0 : index
    %swap3A_55 = arith.constant 0 : index
    %swap3A_56 = vector.load %arg8[%swap3A, %swap3A_55] : memref<5000x128xf32, #tpu.memory_space<vmem>>, vector<5000x128xf32>
    tpu.vector_store %arg8[%swap3A, %swap3A_55], %add3A_54 {strides = array<i32>} : memref<5000x128xf32, #tpu.memory_space<vmem>>, vector<5000x128xf32>,
    %get3A_57 = arith.constant 0 : index
    %get3A_58 = arith.constant 0 : index
    %get3A_59 = vector.load %arg7[%get3A_57, %get3A_58] : memref<128x128xf32, #tpu.memory_space<vmem>>, vector<128x128xf32>
    %dot_general3A_60 = arith.constant dense<0.000000e+00> : vector<5000x128xf32>
    %dot_general3A_61 = tpu.matmul %add3A_54, %get3A_59, %dot_general3A_60 {dimension_numbers = #tpu.dot_dimension_numbers<[1], [0], [0], [1], [0, 0, 1, 1], [], []>, transpose_lhs_hint = false} : vector<5000x128xf32>, vector<128x128xf32>, vector<5000x128xf32> -> vector<5000x128xf32>
    %swap3A_62 = arith.constant 0 : index
    %swap3A_63 = arith.constant 0 : index
    %swap3A_64 = vector.load %arg9[%swap3A_62, %swap3A_63] : memref<5000x128xf32, #tpu.memory_space<vmem>>, vector<5000x128xf32>
    tpu.vector_store %arg9[%swap3A_62, %swap3A_63], %dot_general3A_61 {strides = array<i32>} : memref<5000x128xf32, #tpu.memory_space<vmem>>, vector<5000x128xf32>,
    return
  }
  func.func @transform_0(%arg0: i32) -> (i32, i32, i32) {
    %c0_i32 = arith.constant 0 : i32
    %c0_i32_0 = arith.constant 0 : i32
    %c0_i32_1 = arith.constant 0 : i32
    return %c0_i32, %arg0, %c0_i32_0 : i32, i32, i32
  }
  func.func @transform_1(%arg0: i32) -> (i32, i32) {
    %c0_i32 = arith.constant 0 : i32
    %c0_i32_0 = arith.constant 0 : i32
    return %arg0, %c0_i32 : i32, i32
  }
  func.func @transform_2(%arg0: i32) -> (i32, i32) {
    %c0_i32 = arith.constant 0 : i32
    %c0_i32_0 = arith.constant 0 : i32
    %c0_i32_1 = arith.constant 0 : i32
    return %c0_i32, %c0_i32_0 : i32, i32
  }
  func.func @transform_3(%arg0: i32) -> (i32, i32) {
    %c0_i32 = arith.constant 0 : i32
    %c0_i32_0 = arith.constant 0 : i32
    %c0_i32_1 = arith.constant 0 : i32
    return %c0_i32, %c0_i32_0 : i32, i32
  }
  func.func @transform_4(%arg0: i32) -> (i32, i32) {
    %c0_i32 = arith.constant 0 : i32
    %c0_i32_0 = arith.constant 0 : i32
    %c0_i32_1 = arith.constant 0 : i32
    return %c0_i32, %c0_i32_0 : i32, i32
  }
  func.func @transform_5(%arg0: i32) -> (i32, i32) {
    %c0_i32 = arith.constant 0 : i32
    %c0_i32_0 = arith.constant 0 : i32
    %c0_i32_1 = arith.constant 0 : i32
    return %c0_i32, %c0_i32_0 : i32, i32
  }
  func.func @transform_6(%arg0: i32) -> (i32, i32) {
    %c0_i32 = arith.constant 0 : i32
    %c0_i32_0 = arith.constant 0 : i32
    %c0_i32_1 = arith.constant 0 : i32
    return %c0_i32, %c0_i32_0 : i32, i32
  }
  func.func @transform_7(%arg0: i32) -> (i32, i32) {
    %c0_i32 = arith.constant 0 : i32
    %c0_i32_0 = arith.constant 0 : i32
    return %arg0, %c0_i32 : i32, i32
  }
  func.func @transform_8(%arg0: i32) -> (i32, i32) {
    %c0_i32 = arith.constant 0 : i32
    %c0_i32_0 = arith.constant 0 : i32
    return %arg0, %c0_i32 : i32, i32
  }
}

</mosaic_0001>

<sc_bundles>
// kernel: kernel.10.cloned.1.call-start
scs
__scs_entry_jumppad:
0x0: {  	(pc) =	sbr.rel $0x88, $3  }
0x1: {  	(tag) =	ssettag $0x0;
	lr =	simm.s32 $0x1  }
0x2: {  	[smem:$0x3F93] =	sst lr;
	_ =	strace $0xD0000000  }
0x3: {  	_ = 	snop  }
0x4: {  	_ = 	snop  }
0x5: {  	_ = 	snop  }
0x6: {  	_ = 	snop  }
0x7: {  	_ = 	snop  }
__scs_overlays_trampoline_lowered:
0x8: {  	[smem:$0x3FA2] =	sst s0  }
0x9: {  	[smem:$0x3FA3] =	sst s1  }
0xa: {  	[smem:$0x3FA4] =	sst s2  }
0xb: {  	[smem:$0x3FA5] =	sst s3  }
0xc: {  	[smem:$0x3FA6] =	sst s4  }
0xd: {  	[smem:$0x3FA7] =	sst s5  }
0xe: {  	[smem:$0x3FA8] =	sst s6  }
0xf: {  	[smem:$0x3FA9] =	sst s7  }
0x10: {  	[smem:$0x3FAA] =	sst s8  }
0x11: {  	[smem:$0x3FAB] =	sst s9;
	s0 =	simm.s32 @!p0 $0x0  }
0x12: {  	s1 =	sld [smem:$0x3F91];
	s0 =	simm.s32 @p0 $0x1  }
0x13: {  	[smem:$0x3FAC] =	sst s0;
	s0 =	simm.s32 @!p1 $0x0  }
0x14: {  	s2 =	sld [smem:$0x3F90];
	s0 =	simm.s32 @p1 $0x1  }
0x15: {  	[smem:$0x3FAD] =	sst s0;
	s0 =	simm.s32 @!p2 $0x0  }
0x16: {  	s3 =	sld [smem:$0x3FDB];
	s0 =	simm.s32 @p2 $0x1  }
0x17: {  	s4 =	simm.s32 $0x1BF5;
	[smem:$0x3FAF] =	sst s0  }
0x18: {  	s0 =	sld [smem:$0x3F92];
	_ =	swait.ge [sflag:s4], $0x0  }
0x19: {  	s7 =	sld [smem:$0x3F93]  }
0x1a: {  	s8 =	sadd.s32 $0xFFFFE003, lr  }
0x1b: {  	s9 =	sadd.s32 $0xFFFFFEF7, lr;
	s5 =	simm.s32 $0xFFFFFFFF;
	p2 =	slt.u32 s8, $0xFFFFF086  }
0x1c: {  	p1 =	slt.u32 s9, $0xF7A;
	s5 =	simm.s32 @!p2 $0x0  }
0x1d: {  	s5 =	simm.s32 @p1 $0x1;
	p0 =	seq.s32 s7, s2  }
0x1e: {  	s7 =	smul.u32 @!p0 $0xF7A, s2;
	p2 =	seq.s32 @!p0 s5, $0x0  }
0x1f: {  	s9 =	smul.u32 $0xF7A, s1;
	s8 =	simm.s32 @!p0 $0x1BF5;
	p2 =	por !p2, p0  }
0x20: {  	[sflag:s8] =	ssyncset.s32 @!p0 $0xFFFFF086;
	s6 =	sadd.s32 @!p0 s3, s7;
	s7 =	simm.s32 @!p0 $0x108  }
0x21: {  	s3 =	sadd.s32 s3, s9;
	s6 =	sadd.s32 @!p0 $0x88, s6;
	s7 =	simm.s32 @p2 $0x1082  }
0x22: {  	[simem:s7], [sflag:s8] =	dma.local @!p0 [hbm:s6], $0xF7A  }
0x23: {  	s9 =	sor.u32 $0xD0000000, s2;
	s6 =	simm.s32 $0x108;
	_ =	swait.ge @!p0 [sflag:s8], $0x0  }
0x24: {  	s3 =	sadd.s32 $0x88, s3;
	s6 =	simm.s32 @!p1 $0x1082;
	[sflag:s4] =	ssyncset.s32 $0xFFFFF086  }
0x25: {  	[simem:s6], [sflag:s4] =	dma.local [hbm:s3], $0xF7A  }
0x26: {  	[smem:$0x3F93] =	sst s1;
	(tag) =	ssettag s2;
	_ =	strace s9  }
0x27: {  	s1 =	sld [smem:$0x3FA3]  }
0x28: {  	s2 =	sld [smem:$0x3FA4]  }
0x29: {  	s4 =	sld [smem:$0x3FA6]  }
0x2a: {  	p0 =	seq.s32 s5, $0x0;
	s5 =	sld [smem:$0x3FA7]  }
0x2b: {  	s6 =	sld [smem:$0x3FA8]  }
0x2c: {  	s7 =	sld [smem:$0x3FA9]  }
0x2d: {  	s3 =	simm.s32 $0x108;
	s8 =	sld [smem:$0x3FAA]  }
0x2e: {  	s3 =	simm.s32 @!p0 $0x1082;
	s9 =	sld [smem:$0x3FAB]  }
0x2f: {  	lr =	sadd.s32 s0, s3;
	s0 =	sld [smem:$0x3FA2]  }
0x30: {  	s3 =	sld [smem:$0x3FA5]  }
0x31: {  	[smem:$0x3FAE] =	sst s10  }
0x32: {  	s10 =	sld [smem:$0x3FAC];
	_ =	sdelay $0x3  }
0x33: {  	p0 =	seq.s32 s10, $0x1;
	s10 =	sld [smem:$0x3FAE];
	_ =	sdelay $0x3  }
0x34: {  	[smem:$0x3FAE] =	sst s10  }
0x35: {  	s10 =	sld [smem:$0x3FAD];
	_ =	sdelay $0x3  }
0x36: {  	p1 =	seq.s32 s10, $0x1;
	s10 =	sld [smem:$0x3FAE];
	_ =	sdelay $0x3  }
0x37: {  	[smem:$0x3FAE] =	sst s10  }
0x38: {  	s10 =	sld [smem:$0x3FAF]  }
0x39: {  	_ = 	snop;
	(pc) =	sbr.ind lr, $3  }
0x3a: {  	_ = 	snop  }
0x3b: {  	_ = 	snop  }
0x3c: {  	p2 =	seq.s32 s10, $0x1;
	s10 =	sld [smem:$0x3FAE]  }
0x3d: {  	_ =	shalt  }
0x3e: {  	_ =	shalt  }
0x3f: {  	_ =	shalt  }
0x40: {  	_ =	shalt  }
0x41: {  	_ =	shalt  }
0x42: {  	_ =	shalt  }
0x43: {  	_ =	shalt  }
0x44: {  	_ =	shalt  }
0x45: {  	_ =	shalt  }
0x46: {  	_ =	shalt  }
0x47: {  	_ =	shalt  }
0x48: {  	_ =	shalt  }
0x49: {  	_ =	shalt  }
0x4a: {  	_ =	shalt  }
0x4b: {  	_ =	shalt  }
0x4c: {  	_ =	shalt  }
0x4d: {  	_ =	shalt  }
0x4e: {  	_ =	shalt  }
0x4f: {  	_ =	shalt  }
0x50: {  	_ =	shalt  }
0x51: {  	_ =	shalt  }
0x52: {  	_ =	shalt  }
0x53: {  	_ =	shalt  }
0x54: {  	_ =	shalt  }
0x55: {  	_ =	shalt  }
0x56: {  	_ =	shalt  }
0x57: {  	_ =	shalt  }
0x58: {  	_ =	shalt  }
0x59: {  	_ =	shalt  }
0x5a: {  	_ =	shalt  }
0x5b: {  	_ =	shalt  }
0x5c: {  	_ =	shalt  }
0x5d: {  	_ =	shalt  }
0x5e: {  	_ =	shalt  }
0x5f: {  	_ =	shalt  }
0x60: {  	_ =	shalt  }
0x61: {  	_ =	shalt  }
0x62: {  	_ =	shalt  }
0x63: {  	_ =	shalt  }
0x64: {  	_ =	shalt  }
0x65: {  	_ =	shalt  }
0x66: {  	_ =	shalt  }
0x67: {  	_ =	shalt  }
0x68: {  	_ =	shalt  }
0x69: {  	_ =	shalt  }
0x6a: {  	_ =	shalt  }
0x6b: {  	_ =	shalt  }
0x6c: {  	_ =	shalt  }
0x6d: {  	_ =	shalt  }
0x6e: {  	_ =	shalt  }
0x6f: {  	_ =	shalt  }
0x70: {  	_ =	shalt  }
0x71: {  	_ =	shalt  }
0x72: {  	_ =	shalt  }
0x73: {  	_ =	shalt  }
0x74: {  	_ =	shalt  }
0x75: {  	_ =	shalt  }
0x76: {  	_ =	shalt  }
0x77: {  	_ =	shalt  }
0x78: {  	_ =	shalt  }
0x79: {  	_ =	shalt  }
0x7a: {  	_ =	shalt  }
0x7b: {  	_ =	shalt  }
0x7c: {  	_ =	shalt  }
0x7d: {  	_ =	shalt  }
0x7e: {  	_ =	shalt  }
0x7f: {  	_ =	shalt  }
0x80: {  	_ =	shalt  }
0x81: {  	_ =	shalt  }
0x82: {  	_ =	shalt  }
0x83: {  	_ =	shalt  }
0x84: {  	_ =	shalt  }
0x85: {  	_ =	shalt  }
0x86: {  	_ =	shalt  }
0x87: {  	_ =	shalt  }
.Lfunc_end0:
.L_simem_size_0:
called_computation.1_lowered:
.L_overlay_start_0:
0x88: {  	s2 =	sld [smem:$0x3FD9]  }
0x89: {  	s3 =	sld [smem:$0x3FFE];
	_ =	sdelay $0x1  }
0x8a: {  	s1 =	srdreg.scid  }
0x8b: {  	s0 =	sand.u32 $0x1, s1  }
0x8c: {  	s16 =	sshll.u32 s0, $0xA;
	s2 =	sadd.s32 s3, s2  }
0x8d: {  	s2 =	sadd.s32 s2, s16  }
0x8e: {  	[smem:$0x3FBA] =	sst s2  }
0x8f: {  	_ = 	snop  }
0x90: {  	(tm) =	ssettm $0x1  }
0x91: {  	s17 =	sld [smem:$0x3FFB];
	_ =	sdelay $0x3  }
0x92: {  	_ =	strace s17  }
0x93: {  	s2 =	sld [smem:$0x3FFC];
	_ =	sdelay $0x3  }
0x94: {  	_ =	strace s2  }
0x95: {  	s2 =	sld [smem:$0x3FFD];
	_ =	sdelay $0x3  }
0x96: {  	_ =	strace s2  }
0x97: {  	_ =	strace $0x8FFFFFFF  }
0x98: {  	s18 =	sld [smem:$0x3FDB];
	_ =	sdelay $0x1  }
0x99: {  	s19 =	simm.s32 $_scs_section_size  }
0x9a: {  	s4 =	simm.s32 $_size__tile_overlayer_lowered;
	s5 =	simm.s32 $_tile_overlayer_lowered  }
0x9b: {  	s22 =	simm.s32 $0x1BFF;
	s21 =	sshll.u32 s5, $0x1;
	s2 =	sadd.s32 s19, s18  }
0x9c: {  	s6 =	simm.s32 $0x0;
	s20 =	sshll.u32 s4, $0x1;
	s4 =	sadd.s32 s21, s2  }
0x9d: {  	[timem:s6], [sflag:s22] =	dma.local [hbm:s4], s20  }
0x9e: {  	_ =	swait.ge [sflag:s22], s20  }
0x9f: {  	s3 =	ssub.s32 $0x0, s20;
	[sflag:s22] =	ssyncset.done $0x0  }
0xa0: {  	[sflag:s22] =	ssyncadd.s32 s3;
	_ =	sdelay $0x1  }
0xa1: {  	s23 =	simm.s32 $0x1B8B  }
0xa2: {  	_ =	swait.ge [sflag:s23], $0x1  }
0xa3: {  	[sflag:s23] =	ssyncset.done $0x0  }
0xa4: {  	s25 =	simm.s32 $0x1B8E;
	s24 =	sld [smem:$0x3FFE];
	[sflag:s23] =	ssyncadd.s32 $0xFFFFFFFF  }
0xa5: {  	s26 =	simm.s32 $execute0_lowered;
	[smem:$0x3FD2] =	sst s25  }
0xa6: {  	s4 =	sshll.u32 s26, $0x1;
	_ =	strace $0x80000049;
	[dreg:$0x1] =	wrdreg $0xFFFFFFFF  }
0xa7: {  	s28 =	simm.s32 $_size_execute0_lowered;
	s2 =	sadd.s32 s2, s4;
	[dreg:$0x0] =	wrdreg $0x0  }
0xa8: {  	s4 =	sshll.u32 s28, $0x1;
	[dreg:$0x2] =	wrdreg s2  }
0xa9: {  	[dreg:$0x3] =	wrdreg s4  }
0xaa: {  	[dreg:$0x4] =	wrdreg $0xC0  }
0xab: {  	_ =	task [dreg:s6], $0x5FFFF  }
0xac: {  	[dreg:$0x1] =	wrdreg $0xFFFFFFFF  }
0xad: {  	[dreg:$0x0] =	wrdreg $0x60  }
0xae: {  	[dreg:$0x2] =	wrdreg s24  }
0xaf: {  	[dreg:$0x3] =	wrdreg $0xB5000  }
0xb0: {  	[dreg:$0x4] =	wrdreg $0x9  }
0xb1: {  	_ =	task.clear_ibuf [dreg:s6], $0x5FFFF;
	_ =	strace $0x90000049  }
0xb2: {  	s29 =	simm.s32 $0x9;
	_ =	strace $0x8000004B  }
0xb3: {  	_ =	swait.ge [sflag:s29], $0x1  }
0xb4: {  	[sflag:s29] =	ssyncadd.s32 $0xFFFFFFFF  }
0xb5: {  	_ =	strace $0x9000004B  }
0xb6: {  	_ =	sfence  }
0xb7: {  	s30 =	sld [smem:$0x0];
	_ =	sdelay $0x2  }
0xb8: {  	s31 =	sshll.u32 s1, $0xD;
	s1 =	sshrl.u32 s1, $0x2  }
0xb9: {  	s3 =	sand.u32 $0x4000, s31;
	s1 =	sadd.s32 s1, s30  }
0xba: {  	s0 =	sor.u32 s3, s0;
	s1 =	sshll.u32 s1, $0x11  }
0xbb: {  	s0 =	sor.u32 s1, s0  }
0xbc: {  	s0 =	sadd.s32 $0x8F2B, s0  }
0xbd: {  	[sflag:s0] =	ssyncadd.remote.s32 $0x1  }
0xbe: {  	_ =	sfence.sel $0xFFFF  }
0xbf: {  	[dreg:$0x0] =	wrdreg $0xFFFFFFFF;
	(pc) =	sbr.abs _section_cstart, $3  }
0xc0: {  	[dreg:$0x1] =	wrdreg $0xFFFFFFFF  }
0xc1: {  	_ =	task.clear_ibuf [dreg:s6], $0x2FFFF;
	_ =	strace $0x9FFFFFFF  }
0xc2: {  	(tm) =	ssettm $0x7FFFFFFF  }
0xc3: {  	_ =	shalt  }
tec
execute0_lowered:
.L_overlay_start_1:
0x0: {  	(tag) =	ssettag $0x1  }
0x1: {  	s6 =	rddreg [dreg:$0x0]  }
0x2: {  	s1 =	rddreg [dreg:$0x1];
	s2 =	simm.s32 $0x0  }
0x3: {  	s3 =	stileid.u32;
	s4 =	srdreg.scid;
	s14 =	simm.s32 $0x3500  }
0x4: {  	s16 =	simm.s32 $0x3480;
	s17 =	simm.s32 $0x7500;
	s19 =	simm.s32 $0x1  }
0x5: {  	s20 =	simm.s32 $0x3;
	s21 =	simm.s32 $0x2;
	s5 =	smul.u32 $0xD00, s3  }
0x6: {  	s22 =	simm.s32 $0x4;
	[smem:$0x7FF] =	sst s2;
	s13 =	smul.u32 $0x50000, s3  }
0x7: {  	s7 =	sand.u32 $0x1, s4;
	s4 =	sadd.s32 $0x1D600, s6;
	s25 =	smul.u32 $0x2800, s3  }
0x8: {  	_ =	strace $0x8000004A;
	s9 =	smul.u32 $0x28000, s7;
	s10 =	ssub.s32 $0x2, s7  }
0x9: {  	s11 =	smul.u32 $0x680, s7;
	p0 =	seq.s32 s7, $0x0;
	s8 =	sadd.s32 s5, s6  }
0xa: {  	s5 =	sadd.s32 $0x44800, s6;
	s12 =	sshrl.u32 s10, $0x1;
	s31 =	sshrl.u32 s13, $0x2  }
0xb: {  	s13 =	simm.s32 $0x80;
	s9 =	sadd.s32 s9, s6;
	s6 =	simm.s32 $0x32  }
0xc: {  	s29 =	sadd.s32 s11, s8;
	s10 =	ssub.s32 s10, s12;
	s30 =	sadd.s32 $0x3600, s8  }
0xd: {  	s24 =	sadd.s32 s31, s1;
	s12 =	simm.s32 $0x3400;
	s6 =	simm.s32 @!p0 $0x1A  }
0xe: {  	s7 =	sadd.s32 $0x10600, s29;
	s23 =	sadd.s32 $0x6C800, s9;
	p0 =	sne.s32 s3, $0x0  }
0xf: {  	s8 =	smax.u32 s10, $0x1;
	s9 =	simm.s32 $0x5;
	s11 =	sadd.s32 s11, s30  }
0x10: {  	s24 =	sshrl.u32 s24, $0x3;
	s10 =	sshrl.u32 @!p0 s1, $0x3;
	s15 =	sadd.s32 $0x10, s11  }
0x11: {  	s18 =	sadd.s32 $0x30, s11;
	s23 =	sadd.s32 s25, s23;
	s25 =	simm.s32 $0x0  }
.LBB2_1:
0x12: {  	[tilespmem:s2], [sflag:$0x5] =	stream.linear.gather [hbm4b:s7+s2], $0x3380, $0x38;
	[tilespmem:$0x1F500] =	vst v63  }
0x13: {  	_ =	swait.ge [sflag:s9], $0x3380  }
0x14: {  	[sflag:s9] =	ssyncset.done $0x0  }
0x15: {  	s26 =	simm.s32 @!p0 $0x1C05;
	[sflag:s9] =	ssyncadd.s32 $0xFFFFCC80  }
0x16: {  	[spmem:s10], [sflag:s26] =	dma.local @!p0 [hbm:s5], $0x28000  }
0x17: {  	s26 =	simm.s32 @!p0 $0x5  }
0x18: {  	_ =	swait.ge @!p0 [sflag:s26], $0x28000  }
0x19: {  	[sflag:s26] =	ssyncset.done @!p0 $0x0  }
0x1a: {  	[sflag:s26] =	ssyncadd.s32 @!p0 $0xFFFD8000  }
0x1b: {  	[bflag:$0x0] =	sbarrier.arrive $0xFFFF  }
0x1c: {  	[tilespmem:s12], [sflag:$0x3] =	stream.linear.gather [hbm4b:s11+s2], $0x80, $0x38;
	[tilespmem:$0x1F500] =	vst v63  }
0x1d: {  	_ = 	snop  }
0x1e: {  	[tilespmem:s14], [sflag:$0x1] =	stream.indirect.gather [hbm4b:s4+s13], $0x80, s2, s13, $0xb8;
	[tilespmem:$0x1F500] =	vst v63  }
0x1f: {  	_ = 	snop  }
0x20: {  	[tilespmem:s16], [sflag:$0x4] =	stream.linear.gather [hbm4b:s15+s2], $0x80, $0x38;
	[tilespmem:$0x1F500] =	vst v63  }
0x21: {  	_ = 	snop  }
0x22: {  	[tilespmem:s17], [sflag:$0x2] =	stream.indirect.gather [hbm4b:s4+s13], $0x80, s13, s13, $0xb8;
	[tilespmem:$0x1F500] =	vst v63  }
0x23: {  	_ =	swait.ge [sflag:s19], $0x4000  }
0x24: {  	[sflag:s19] =	ssyncset.done $0x0  }
0x25: {  	[sflag:s19] =	ssyncadd.s32 $0xFFFFC000  }
0x26: {  	_ =	swait.ge [sflag:s20], $0x80  }
0x27: {  	[sflag:s20] =	ssyncset.done $0x0  }
0x28: {  	[sflag:s20] =	ssyncadd.s32 $0xFFFFFF80  }
0x29: {  	[spmem:s1] =	stream.indirect.scatter.add.f32 [tilespmem:s14], [sflag:$0x5], $0x80, s12, s13, $0xb8;
	[tilespmem:$0x1F500] =	vst v63  }
0x2a: {  	_ =	swait.ge [sflag:s9], $0x4000  }
0x2b: {  	[sflag:s9] =	ssyncset.done $0x0  }
0x2c: {  	s0 =	sadd.s32 $0xFFFFFFF0, s18;
	[sflag:s9] =	ssyncadd.s32 $0xFFFFC000  }
0x2d: {  	[tilespmem:s12], [sflag:$0x3] =	stream.linear.gather [hbm4b:s0+s2], $0x80, $0x38;
	[tilespmem:$0x1F500] =	vst v63  }
0x2e: {  	s0 =	simm.s32 $0x100  }
0x2f: {  	[tilespmem:s14], [sflag:$0x1] =	stream.indirect.gather [hbm4b:s4+s13], $0x80, s0, s13, $0xb8;
	[tilespmem:$0x1F500] =	vst v63  }
0x30: {  	_ =	swait.ge [sflag:s21], $0x4000  }
0x31: {  	[sflag:s21] =	ssyncset.done $0x0  }
0x32: {  	[sflag:s21] =	ssyncadd.s32 $0xFFFFC000  }
0x33: {  	_ =	swait.ge [sflag:s22], $0x80  }
0x34: {  	[sflag:s22] =	ssyncset.done $0x0  }
0x35: {  	p1 =	sne.s32 s6, $0x1;
	[sflag:s22] =	ssyncadd.s32 $0xFFFFFF80  }
0x36: {  	[spmem:s1] =	stream.indirect.scatter.add.f32 [tilespmem:s17], [sflag:$0x5], $0x80, s16, s13, $0xb8;
	[tilespmem:$0x1F500] =	vst v63  }
.Ltmp0:
0x37: {  	_ = 	snop;
	(pc) =	sbr.rel @!p1 .LBB2_3-.Ltmp0, $4  }
0x38: {  	s31 =	simm.s32 $0x180;
	_ =	swait.ge [sflag:s9], $0x4000  }
0x39: {  	s29 =	simm.s32 $0x1;
	s28 =	sadd.s32 $0x20, s18;
	[sflag:s9] =	ssyncset.done $0x0  }
0x3a: {  	s30 =	simm.s32 $0x180;
	s26 =	simm.s32 $0x280;
	[sflag:s9] =	ssyncadd.s32 $0xFFFFC000  }
0x3b: {  	[tilespmem:s16], [sflag:$0x4] =	stream.linear.gather [hbm4b:s18+s2], $0x80, $0x38;
	[tilespmem:$0x1F500] =	vst v63  }
.LBB2_2:
0x3c: {  	s30 =	smov.u32 s26  }
0x3d: {  	[tilespmem:s17], [sflag:$0x2] =	stream.indirect.gather [hbm4b:s4+s13], $0x80, s31, s13, $0xb8;
	[tilespmem:$0x1F500] =	vst v63  }
0x3e: {  	s29 =	sadd.s32 $0x1, s29;
	s31 =	smov.u32 s26;
	_ =	swait.ge [sflag:s19], $0x4000  }
0x3f: {  	p1 =	sne.s32 s6, s29;
	[sflag:s19] =	ssyncset.done $0x0  }
0x40: {  	[sflag:s19] =	ssyncadd.s32 $0xFFFFC000  }
0x41: {  	_ =	swait.ge [sflag:s20], $0x80  }
0x42: {  	[sflag:s20] =	ssyncset.done $0x0  }
0x43: {  	[sflag:s20] =	ssyncadd.s32 $0xFFFFFF80  }
0x44: {  	[spmem:s1] =	stream.indirect.scatter.add.f32 [tilespmem:s14], [sflag:$0x5], $0x80, s12, s13, $0xb8;
	[tilespmem:$0x1F500] =	vst v63  }
0x45: {  	_ =	swait.ge [sflag:s9], $0x4000  }
0x46: {  	[sflag:s9] =	ssyncset.done $0x0  }
0x47: {  	s0 =	sadd.s32 $0xFFFFFFF0, s28;
	[sflag:s9] =	ssyncadd.s32 $0xFFFFC000  }
0x48: {  	[tilespmem:s12], [sflag:$0x3] =	stream.linear.gather [hbm4b:s0+s2], $0x80, $0x38;
	[tilespmem:$0x1F500] =	vst v63  }
0x49: {  	s0 =	sadd.s32 $0xFFFFFF80, s26  }
0x4a: {  	[tilespmem:s14], [sflag:$0x1] =	stream.indirect.gather [hbm4b:s4+s13], $0x80, s0, s13, $0xb8;
	[tilespmem:$0x1F500] =	vst v63  }
0x4b: {  	_ =	swait.ge [sflag:s21], $0x4000  }
0x4c: {  	[sflag:s21] =	ssyncset.done $0x0  }
0x4d: {  	[sflag:s21] =	ssyncadd.s32 $0xFFFFC000  }
0x4e: {  	_ =	swait.ge [sflag:s22], $0x80  }
0x4f: {  	[sflag:s22] =	ssyncset.done $0x0  }
0x50: {  	[sflag:s22] =	ssyncadd.s32 $0xFFFFFF80  }
0x51: {  	[spmem:s1] =	stream.indirect.scatter.add.f32 [tilespmem:s17], [sflag:$0x5], $0x80, s16, s13, $0xb8;
	[tilespmem:$0x1F500] =	vst v63  }
.Ltmp1:
0x52: {  	_ =	swait.ge [sflag:s9], $0x4000;
	(pc) =	sbr.rel @p1 .LBB2_2-.Ltmp1, $4  }
0x53: {  	[sflag:s9] =	ssyncset.done $0x0  }
0x54: {  	[sflag:s9] =	ssyncadd.s32 $0xFFFFC000  }
0x55: {  	[tilespmem:s16], [sflag:$0x4] =	stream.linear.gather [hbm4b:s28+s2], $0x80, $0x38;
	[tilespmem:$0x1F500] =	vst v63  }
0x56: {  	s26 =	sadd.s32 $0x100, s26;
	s28 =	sadd.s32 $0x20, s28  }
.LBB2_3:
0x57: {  	[tilespmem:s17], [sflag:$0x2] =	stream.indirect.gather [hbm4b:s4+s13], $0x80, s31, s13, $0xb8;
	[tilespmem:$0x1F500] =	vst v63  }
0x58: {  	_ =	swait.ge [sflag:s19], $0x4000  }
0x59: {  	[sflag:s19] =	ssyncset.done $0x0  }
0x5a: {  	[sflag:s19] =	ssyncadd.s32 $0xFFFFC000  }
0x5b: {  	_ =	swait.ge [sflag:s20], $0x80  }
0x5c: {  	[sflag:s20] =	ssyncset.done $0x0  }
0x5d: {  	[sflag:s20] =	ssyncadd.s32 $0xFFFFFF80  }
0x5e: {  	[spmem:s1] =	stream.indirect.scatter.add.f32 [tilespmem:s14], [sflag:$0x5], $0x80, s12, s13, $0xb8;
	[tilespmem:$0x1F500] =	vst v63  }
0x5f: {  	_ =	swait.ge [sflag:s9], $0x4000  }
0x60: {  	[sflag:s9] =	ssyncset.done $0x0  }
0x61: {  	s0 =	sadd.s32 $0xFFFFFFF0, s28;
	[sflag:s9] =	ssyncadd.s32 $0xFFFFC000  }
0x62: {  	[tilespmem:s12], [sflag:$0x3] =	stream.linear.gather [hbm4b:s0+s2], $0x80, $0x38;
	[tilespmem:$0x1F500] =	vst v63  }
0x63: {  	s30 =	sadd.s32 $0x80, s30  }
0x64: {  	[tilespmem:s14], [sflag:$0x1] =	stream.indirect.gather [hbm4b:s4+s13], $0x80, s30, s13, $0xb8;
	[tilespmem:$0x1F500] =	vst v63  }
0x65: {  	_ =	swait.ge [sflag:s21], $0x4000  }
0x66: {  	[sflag:s21] =	ssyncset.done $0x0  }
0x67: {  	[sflag:s21] =	ssyncadd.s32 $0xFFFFC000  }
0x68: {  	_ =	swait.ge [sflag:s22], $0x80  }
0x69: {  	[sflag:s22] =	ssyncset.done $0x0  }
0x6a: {  	[sflag:s22] =	ssyncadd.s32 $0xFFFFFF80  }
0x6b: {  	[spmem:s1] =	stream.indirect.scatter.add.f32 [tilespmem:s17], [sflag:$0x5], $0x80, s16, s13, $0xb8;
	[tilespmem:$0x1F500] =	vst v63  }
0x6c: {  	_ =	swait.ge [sflag:s9], $0x4000  }
0x6d: {  	p1 =	sge.u32 s29, s6;
	[sflag:s9] =	ssyncset.done $0x0  }
0x6e: {  	s29 =	simm.s32 @!p1 $0x3480;
	s0 =	simm.s32 @!p1 $0x0;
	[sflag:s9] =	ssyncadd.s32 $0xFFFFC000  }
0x6f: {  	[tilespmem:s29], [sflag:$0x4] =	stream.linear.gather @!p1 [hbm4b:s28+s0], $0x80, $0x38;
	[tilespmem:$0x1F500] =	vst v63  }
0x70: {  	s0 =	simm.s32 @!p1 $0x80;
	s28 =	simm.s32 @!p1 $0x7500  }
0x71: {  	[tilespmem:s28], [sflag:$0x2] =	stream.indirect.gather @!p1 [hbm4b:s4+s0], $0x80, s26, s0, $0xb8;
	[tilespmem:$0x1F500] =	vst v63  }
0x72: {  	_ =	swait.ge [sflag:s19], $0x4000  }
0x73: {  	[sflag:s19] =	ssyncset.done $0x0  }
0x74: {  	[sflag:s19] =	ssyncadd.s32 $0xFFFFC000  }
0x75: {  	_ =	swait.ge [sflag:s20], $0x80  }
0x76: {  	[sflag:s20] =	ssyncset.done $0x0  }
0x77: {  	[sflag:s20] =	ssyncadd.s32 $0xFFFFFF80  }
0x78: {  	[spmem:s1] =	stream.indirect.scatter.add.f32 [tilespmem:s14], [sflag:$0x5], $0x80, s12, s13, $0xb8;
	[tilespmem:$0x1F500] =	vst v63  }
0x79: {  	_ =	swait.ge [sflag:s9], $0x4000  }
0x7a: {  	s25 =	sadd.s32 $0x1, s25;
	[sflag:s9] =	ssyncset.done $0x0  }
0x7b: {  	s31 =	sshll.u32 s3, $0x6;
	p1 =	sne.s32 s25, s8;
	[sflag:s9] =	ssyncadd.s32 $0xFFFFC000  }
.Ltmp2:
0x7c: {  	s0 =	sor.u32 $0x1C05, s31;
	[bflag:$0x0] =	sbarrier.arrive $0xFFFF;
	(pc) =	sbr.rel @p1 .LBB2_1-.Ltmp2, $4  }
0x7d: {  	[hbm:s23], [sflag:s0] =	dma.local [spmem:s24], $0x2800  }
0x7e: {  	_ =	swait.ge [sflag:s9], $0x2800  }
0x7f: {  	[sflag:s9] =	ssyncset.done $0x0  }
0x80: {  	[sflag:s9] =	ssyncadd.s32 $0xFFFFD800  }
0x81: {  	_ =	sfence.sel $0x180000  }
0x82: {  	[bflag:$0x0] =	sbarrier.arrive $0xFFFF  }
0x83: {  	_ =	strace $0x9000004A  }
0x84: {  	[bflag:$0x2] =	sbarrier.arrive $0xFFFF  }
0x85: {  	s0 =	rddreg [dreg:$0x2]  }
0x86: {  	s0 =	sadd.s32 @!p0 $0x100000, s0  }
0x87: {  	[sflag:s0] =	ssyncadd.tile.s32 @!p0 $0x1;
	_ =	shalt  }
.Lfunc_end2:
_tile_overlayer_lowered:
.L_overlay_start_2:
0x88: {  	(tag) =	ssettag $0x2  }
0x89: {  	s0 =	rddreg [dreg:$0x0];
	s2 =	stileid.u32  }
0x8a: {  	s1 =	rddreg [dreg:$0x1];
	p0 =	sne.s32 s2, $0x0  }
0x8b: {  	s3 =	rddreg [dreg:$0x2];
	[bflag:$0x3] =	sbarrier.arrive $0xFFFF;
	s2 =	simm.s32 @!p0 $0x1C05  }
0x8c: {  	[timem:s3], [sflag:s2] =	dma.local @!p0 [hbm:s0], s1  }
0x8d: {  	s0 =	simm.s32 @!p0 $0x5  }
0x8e: {  	_ =	swait.ge @!p0 [sflag:s0], s1  }
0x8f: {  	s1 =	ssub.s32 @!p0 $0x0, s1;
	[sflag:s0] =	ssyncset.done @!p0 $0x0  }
0x90: {  	[sflag:s0] =	ssyncadd.s32 @!p0 s1  }
0x91: {  	[bflag:$0x3] =	sbarrier.arrive $0xFFFF  }
0x92: {  	_ =	shalt  }

// kernel: kernel.7.cloned.1.call-start
scs
__scs_entry_jumppad:
0x0: {  	(pc) =	sbr.rel $0x88, $3  }
0x1: {  	(tag) =	ssettag $0x0;
	lr =	simm.s32 $0x1  }
0x2: {  	[smem:$0x3F93] =	sst lr;
	_ =	strace $0xD0000000  }
0x3: {  	_ = 	snop  }
0x4: {  	_ = 	snop  }
0x5: {  	_ = 	snop  }
0x6: {  	_ = 	snop  }
0x7: {  	_ = 	snop  }
__scs_overlays_trampoline_lowered:
0x8: {  	[smem:$0x3FA2] =	sst s0  }
0x9: {  	[smem:$0x3FA3] =	sst s1  }
0xa: {  	[smem:$0x3FA4] =	sst s2  }
0xb: {  	[smem:$0x3FA5] =	sst s3  }
0xc: {  	[smem:$0x3FA6] =	sst s4  }
0xd: {  	[smem:$0x3FA7] =	sst s5  }
0xe: {  	[smem:$0x3FA8] =	sst s6  }
0xf: {  	[smem:$0x3FA9] =	sst s7  }
0x10: {  	[smem:$0x3FAA] =	sst s8  }
0x11: {  	[smem:$0x3FAB] =	sst s9;
	s0 =	simm.s32 @!p0 $0x0  }
0x12: {  	s1 =	sld [smem:$0x3F91];
	s0 =	simm.s32 @p0 $0x1  }
0x13: {  	[smem:$0x3FAC] =	sst s0;
	s0 =	simm.s32 @!p1 $0x0  }
0x14: {  	s2 =	sld [smem:$0x3F90];
	s0 =	simm.s32 @p1 $0x1  }
0x15: {  	[smem:$0x3FAD] =	sst s0;
	s0 =	simm.s32 @!p2 $0x0  }
0x16: {  	s3 =	sld [smem:$0x3FDB];
	s0 =	simm.s32 @p2 $0x1  }
0x17: {  	s4 =	simm.s32 $0x1BF5;
	[smem:$0x3FAF] =	sst s0  }
0x18: {  	s0 =	sld [smem:$0x3F92];
	_ =	swait.ge [sflag:s4], $0x0  }
0x19: {  	s7 =	sld [smem:$0x3F93]  }
0x1a: {  	s8 =	sadd.s32 $0xFFFFE003, lr  }
0x1b: {  	s9 =	sadd.s32 $0xFFFFFEF7, lr;
	s5 =	simm.s32 $0xFFFFFFFF;
	p2 =	slt.u32 s8, $0xFFFFF086  }
0x1c: {  	p1 =	slt.u32 s9, $0xF7A;
	s5 =	simm.s32 @!p2 $0x0  }
0x1d: {  	s5 =	simm.s32 @p1 $0x1;
	p0 =	seq.s32 s7, s2  }
0x1e: {  	s7 =	smul.u32 @!p0 $0xF7A, s2;
	p2 =	seq.s32 @!p0 s5, $0x0  }
0x1f: {  	s9 =	smul.u32 $0xF7A, s1;
	s8 =	simm.s32 @!p0 $0x1BF5;
	p2 =	por !p2, p0  }
0x20: {  	[sflag:s8] =	ssyncset.s32 @!p0 $0xFFFFF086;
	s6 =	sadd.s32 @!p0 s3, s7;
	s7 =	simm.s32 @!p0 $0x108  }
0x21: {  	s3 =	sadd.s32 s3, s9;
	s6 =	sadd.s32 @!p0 $0x88, s6;
	s7 =	simm.s32 @p2 $0x1082  }
0x22: {  	[simem:s7], [sflag:s8] =	dma.local @!p0 [hbm:s6], $0xF7A  }
0x23: {  	s9 =	sor.u32 $0xD0000000, s2;
	s6 =	simm.s32 $0x108;
	_ =	swait.ge @!p0 [sflag:s8], $0x0  }
0x24: {  	s3 =	sadd.s32 $0x88, s3;
	s6 =	simm.s32 @!p1 $0x1082;
	[sflag:s4] =	ssyncset.s32 $0xFFFFF086  }
0x25: {  	[simem:s6], [sflag:s4] =	dma.local [hbm:s3], $0xF7A  }
0x26: {  	[smem:$0x3F93] =	sst s1;
	(tag) =	ssettag s2;
	_ =	strace s9  }
0x27: {  	s1 =	sld [smem:$0x3FA3]  }
0x28: {  	s2 =	sld [smem:$0x3FA4]  }
0x29: {  	s4 =	sld [smem:$0x3FA6]  }
0x2a: {  	p0 =	seq.s32 s5, $0x0;
	s5 =	sld [smem:$0x3FA7]  }
0x2b: {  	s6 =	sld [smem:$0x3FA8]  }
0x2c: {  	s7 =	sld [smem:$0x3FA9]  }
0x2d: {  	s3 =	simm.s32 $0x108;
	s8 =	sld [smem:$0x3FAA]  }
0x2e: {  	s3 =	simm.s32 @!p0 $0x1082;
	s9 =	sld [smem:$0x3FAB]  }
0x2f: {  	lr =	sadd.s32 s0, s3;
	s0 =	sld [smem:$0x3FA2]  }
0x30: {  	s3 =	sld [smem:$0x3FA5]  }
0x31: {  	[smem:$0x3FAE] =	sst s10  }
0x32: {  	s10 =	sld [smem:$0x3FAC];
	_ =	sdelay $0x3  }
0x33: {  	p0 =	seq.s32 s10, $0x1;
	s10 =	sld [smem:$0x3FAE];
	_ =	sdelay $0x3  }
0x34: {  	[smem:$0x3FAE] =	sst s10  }
0x35: {  	s10 =	sld [smem:$0x3FAD];
	_ =	sdelay $0x3  }
0x36: {  	p1 =	seq.s32 s10, $0x1;
	s10 =	sld [smem:$0x3FAE];
	_ =	sdelay $0x3  }
0x37: {  	[smem:$0x3FAE] =	sst s10  }
0x38: {  	s10 =	sld [smem:$0x3FAF]  }
0x39: {  	_ = 	snop;
	(pc) =	sbr.ind lr, $3  }
0x3a: {  	_ = 	snop  }
0x3b: {  	_ = 	snop  }
0x3c: {  	p2 =	seq.s32 s10, $0x1;
	s10 =	sld [smem:$0x3FAE]  }
0x3d: {  	_ =	shalt  }
0x3e: {  	_ =	shalt  }
0x3f: {  	_ =	shalt  }
0x40: {  	_ =	shalt  }
0x41: {  	_ =	shalt  }
0x42: {  	_ =	shalt  }
0x43: {  	_ =	shalt  }
0x44: {  	_ =	shalt  }
0x45: {  	_ =	shalt  }
0x46: {  	_ =	shalt  }
0x47: {  	_ =	shalt  }
0x48: {  	_ =	shalt  }
0x49: {  	_ =	shalt  }
0x4a: {  	_ =	shalt  }
0x4b: {  	_ =	shalt  }
0x4c: {  	_ =	shalt  }
0x4d: {  	_ =	shalt  }
0x4e: {  	_ =	shalt  }
0x4f: {  	_ =	shalt  }
0x50: {  	_ =	shalt  }
0x51: {  	_ =	shalt  }
0x52: {  	_ =	shalt  }
0x53: {  	_ =	shalt  }
0x54: {  	_ =	shalt  }
0x55: {  	_ =	shalt  }
0x56: {  	_ =	shalt  }
0x57: {  	_ =	shalt  }
0x58: {  	_ =	shalt  }
0x59: {  	_ =	shalt  }
0x5a: {  	_ =	shalt  }
0x5b: {  	_ =	shalt  }
0x5c: {  	_ =	shalt  }
0x5d: {  	_ =	shalt  }
0x5e: {  	_ =	shalt  }
0x5f: {  	_ =	shalt  }
0x60: {  	_ =	shalt  }
0x61: {  	_ =	shalt  }
0x62: {  	_ =	shalt  }
0x63: {  	_ =	shalt  }
0x64: {  	_ =	shalt  }
0x65: {  	_ =	shalt  }
0x66: {  	_ =	shalt  }
0x67: {  	_ =	shalt  }
0x68: {  	_ =	shalt  }
0x69: {  	_ =	shalt  }
0x6a: {  	_ =	shalt  }
0x6b: {  	_ =	shalt  }
0x6c: {  	_ =	shalt  }
0x6d: {  	_ =	shalt  }
0x6e: {  	_ =	shalt  }
0x6f: {  	_ =	shalt  }
0x70: {  	_ =	shalt  }
0x71: {  	_ =	shalt  }
0x72: {  	_ =	shalt  }
0x73: {  	_ =	shalt  }
0x74: {  	_ =	shalt  }
0x75: {  	_ =	shalt  }
0x76: {  	_ =	shalt  }
0x77: {  	_ =	shalt  }
0x78: {  	_ =	shalt  }
0x79: {  	_ =	shalt  }
0x7a: {  	_ =	shalt  }
0x7b: {  	_ =	shalt  }
0x7c: {  	_ =	shalt  }
0x7d: {  	_ =	shalt  }
0x7e: {  	_ =	shalt  }
0x7f: {  	_ =	shalt  }
0x80: {  	_ =	shalt  }
0x81: {  	_ =	shalt  }
0x82: {  	_ =	shalt  }
0x83: {  	_ =	shalt  }
0x84: {  	_ =	shalt  }
0x85: {  	_ =	shalt  }
0x86: {  	_ =	shalt  }
0x87: {  	_ =	shalt  }
.Lfunc_end0:
.L_simem_size_0:
called_computation_lowered:
.L_overlay_start_0:
0x88: {  	s2 =	sld [smem:$0x3FD9]  }
0x89: {  	s3 =	sld [smem:$0x3FFE];
	_ =	sdelay $0x1  }
0x8a: {  	s1 =	srdreg.scid  }
0x8b: {  	s0 =	sand.u32 $0x1, s1  }
0x8c: {  	s16 =	sshll.u32 s0, $0xA;
	s2 =	sadd.s32 s3, s2  }
0x8d: {  	s2 =	sadd.s32 s2, s16  }
0x8e: {  	[smem:$0x3FBA] =	sst s2  }
0x8f: {  	_ = 	snop  }
0x90: {  	(tm) =	ssettm $0x1  }
0x91: {  	s17 =	sld [smem:$0x3FFB];
	_ =	sdelay $0x3  }
0x92: {  	_ =	strace s17  }
0x93: {  	s2 =	sld [smem:$0x3FFC];
	_ =	sdelay $0x3  }
0x94: {  	_ =	strace s2  }
0x95: {  	s2 =	sld [smem:$0x3FFD];
	_ =	sdelay $0x3  }
0x96: {  	_ =	strace s2  }
0x97: {  	_ =	strace $0x8FFFFFFF  }
0x98: {  	s18 =	sld [smem:$0x3FDB];
	_ =	sdelay $0x1  }
0x99: {  	s19 =	simm.s32 $_scs_section_size  }
0x9a: {  	s4 =	simm.s32 $_size__tile_overlayer_lowered;
	s5 =	simm.s32 $_tile_overlayer_lowered  }
0x9b: {  	s22 =	simm.s32 $0x1BFF;
	s21 =	sshll.u32 s5, $0x1;
	s2 =	sadd.s32 s19, s18  }
0x9c: {  	s6 =	simm.s32 $0x0;
	s20 =	sshll.u32 s4, $0x1;
	s4 =	sadd.s32 s21, s2  }
0x9d: {  	[timem:s6], [sflag:s22] =	dma.local [hbm:s4], s20  }
0x9e: {  	_ =	swait.ge [sflag:s22], s20  }
0x9f: {  	s3 =	ssub.s32 $0x0, s20;
	[sflag:s22] =	ssyncset.done $0x0  }
0xa0: {  	[sflag:s22] =	ssyncadd.s32 s3;
	_ =	sdelay $0x1  }
0xa1: {  	s23 =	simm.s32 $0x1B8B  }
0xa2: {  	_ =	swait.ge [sflag:s23], $0x1  }
0xa3: {  	[sflag:s23] =	ssyncset.done $0x0  }
0xa4: {  	s25 =	simm.s32 $0x1B8E;
	s24 =	sld [smem:$0x3FFE];
	[sflag:s23] =	ssyncadd.s32 $0xFFFFFFFF  }
0xa5: {  	s26 =	simm.s32 $execute0_lowered;
	[smem:$0x3FD2] =	sst s25  }
0xa6: {  	s4 =	sshll.u32 s26, $0x1;
	_ =	strace $0x80000046;
	[dreg:$0x1] =	wrdreg $0xFFFFFFFF  }
0xa7: {  	s28 =	simm.s32 $_size_execute0_lowered;
	s2 =	sadd.s32 s2, s4;
	[dreg:$0x0] =	wrdreg $0x0  }
0xa8: {  	s4 =	sshll.u32 s28, $0x1;
	[dreg:$0x2] =	wrdreg s2  }
0xa9: {  	[dreg:$0x3] =	wrdreg s4  }
0xaa: {  	[dreg:$0x4] =	wrdreg $0xC0  }
0xab: {  	_ =	task [dreg:s6], $0x5FFFF  }
0xac: {  	[dreg:$0x1] =	wrdreg $0xFFFFFFFF  }
0xad: {  	[dreg:$0x0] =	wrdreg $0x60  }
0xae: {  	[dreg:$0x2] =	wrdreg s24  }
0xaf: {  	[dreg:$0x3] =	wrdreg $0xB5000  }
0xb0: {  	[dreg:$0x4] =	wrdreg $0x9  }
0xb1: {  	_ =	task.clear_ibuf [dreg:s6], $0x5FFFF;
	_ =	strace $0x90000046  }
0xb2: {  	s29 =	simm.s32 $0x9;
	_ =	strace $0x80000048  }
0xb3: {  	_ =	swait.ge [sflag:s29], $0x1  }
0xb4: {  	[sflag:s29] =	ssyncadd.s32 $0xFFFFFFFF  }
0xb5: {  	_ =	strace $0x90000048  }
0xb6: {  	_ =	sfence  }
0xb7: {  	s30 =	sld [smem:$0x0];
	_ =	sdelay $0x2  }
0xb8: {  	s31 =	sshll.u32 s1, $0xD;
	s1 =	sshrl.u32 s1, $0x2  }
0xb9: {  	s3 =	sand.u32 $0x4000, s31;
	s1 =	sadd.s32 s1, s30  }
0xba: {  	s0 =	sor.u32 s3, s0;
	s1 =	sshll.u32 s1, $0x11  }
0xbb: {  	s0 =	sor.u32 s1, s0  }
0xbc: {  	s0 =	sadd.s32 $0x8F2B, s0  }
0xbd: {  	[sflag:s0] =	ssyncadd.remote.s32 $0x1  }
0xbe: {  	_ =	sfence.sel $0xFFFF  }
0xbf: {  	[dreg:$0x0] =	wrdreg $0xFFFFFFFF;
	(pc) =	sbr.abs _section_cstart, $3  }
0xc0: {  	[dreg:$0x1] =	wrdreg $0xFFFFFFFF  }
0xc1: {  	_ =	task.clear_ibuf [dreg:s6], $0x2FFFF;
	_ =	strace $0x9FFFFFFF  }
0xc2: {  	(tm) =	ssettm $0x7FFFFFFF  }
0xc3: {  	_ =	shalt  }
tec
execute0_lowered:
.L_overlay_start_1:
0x0: {  	(tag) =	ssettag $0x1  }
0x1: {  	s6 =	rddreg [dreg:$0x0]  }
0x2: {  	s1 =	rddreg [dreg:$0x1];
	s2 =	simm.s32 $0x0  }
0x3: {  	s3 =	stileid.u32;
	s4 =	srdreg.scid;
	s14 =	simm.s32 $0x3500  }
0x4: {  	s16 =	simm.s32 $0x3480;
	s17 =	simm.s32 $0x7500;
	s19 =	simm.s32 $0x1  }
0x5: {  	s20 =	simm.s32 $0x3;
	s21 =	simm.s32 $0x2;
	s5 =	smul.u32 $0xD00, s3  }
0x6: {  	s22 =	simm.s32 $0x4;
	[smem:$0x7FF] =	sst s2;
	s13 =	smul.u32 $0x50000, s3  }
0x7: {  	s7 =	sand.u32 $0x1, s4;
	s4 =	sadd.s32 $0x1D600, s6;
	s25 =	smul.u32 $0x2800, s3  }
0x8: {  	_ =	strace $0x80000047;
	s9 =	smul.u32 $0x28000, s7;
	s10 =	ssub.s32 $0x2, s7  }
0x9: {  	s11 =	smul.u32 $0x680, s7;
	p0 =	seq.s32 s7, $0x0;
	s8 =	sadd.s32 s5, s6  }
0xa: {  	s5 =	sadd.s32 $0x44800, s6;
	s12 =	sshrl.u32 s10, $0x1;
	s31 =	sshrl.u32 s13, $0x2  }
0xb: {  	s13 =	simm.s32 $0x80;
	s9 =	sadd.s32 s9, s6;
	s6 =	simm.s32 $0x32  }
0xc: {  	s29 =	sadd.s32 s11, s8;
	s10 =	ssub.s32 s10, s12;
	s30 =	sadd.s32 $0x3600, s8  }
0xd: {  	s24 =	sadd.s32 s31, s1;
	s12 =	simm.s32 $0x3400;
	s6 =	simm.s32 @!p0 $0x1A  }
0xe: {  	s7 =	sadd.s32 $0x10600, s29;
	s23 =	sadd.s32 $0x6C800, s9;
	p0 =	sne.s32 s3, $0x0  }
0xf: {  	s8 =	smax.u32 s10, $0x1;
	s9 =	simm.s32 $0x5;
	s11 =	sadd.s32 s11, s30  }
0x10: {  	s24 =	sshrl.u32 s24, $0x3;
	s10 =	sshrl.u32 @!p0 s1, $0x3;
	s15 =	sadd.s32 $0x10, s11  }
0x11: {  	s18 =	sadd.s32 $0x30, s11;
	s23 =	sadd.s32 s25, s23;
	s25 =	simm.s32 $0x0  }
.LBB2_1:
0x12: {  	[tilespmem:s2], [sflag:$0x5] =	stream.linear.gather [hbm4b:s7+s2], $0x3380, $0x38;
	[tilespmem:$0x1F500] =	vst v63  }
0x13: {  	_ =	swait.ge [sflag:s9], $0x3380  }
0x14: {  	[sflag:s9] =	ssyncset.done $0x0  }
0x15: {  	s26 =	simm.s32 @!p0 $0x1C05;
	[sflag:s9] =	ssyncadd.s32 $0xFFFFCC80  }
0x16: {  	[spmem:s10], [sflag:s26] =	dma.local @!p0 [hbm:s5], $0x28000  }
0x17: {  	s26 =	simm.s32 @!p0 $0x5  }
0x18: {  	_ =	swait.ge @!p0 [sflag:s26], $0x28000  }
0x19: {  	[sflag:s26] =	ssyncset.done @!p0 $0x0  }
0x1a: {  	[sflag:s26] =	ssyncadd.s32 @!p0 $0xFFFD8000  }
0x1b: {  	[bflag:$0x0] =	sbarrier.arrive $0xFFFF  }
0x1c: {  	[tilespmem:s12], [sflag:$0x3] =	stream.linear.gather [hbm4b:s11+s2], $0x80, $0x38;
	[tilespmem:$0x1F500] =	vst v63  }
0x1d: {  	_ = 	snop  }
0x1e: {  	[tilespmem:s14], [sflag:$0x1] =	stream.indirect.gather [hbm4b:s4+s13], $0x80, s2, s13, $0xb8;
	[tilespmem:$0x1F500] =	vst v63  }
0x1f: {  	_ = 	snop  }
0x20: {  	[tilespmem:s16], [sflag:$0x4] =	stream.linear.gather [hbm4b:s15+s2], $0x80, $0x38;
	[tilespmem:$0x1F500] =	vst v63  }
0x21: {  	_ = 	snop  }
0x22: {  	[tilespmem:s17], [sflag:$0x2] =	stream.indirect.gather [hbm4b:s4+s13], $0x80, s13, s13, $0xb8;
	[tilespmem:$0x1F500] =	vst v63  }
0x23: {  	_ =	swait.ge [sflag:s19], $0x4000  }
0x24: {  	[sflag:s19] =	ssyncset.done $0x0  }
0x25: {  	[sflag:s19] =	ssyncadd.s32 $0xFFFFC000  }
0x26: {  	_ =	swait.ge [sflag:s20], $0x80  }
0x27: {  	[sflag:s20] =	ssyncset.done $0x0  }
0x28: {  	[sflag:s20] =	ssyncadd.s32 $0xFFFFFF80  }
0x29: {  	[spmem:s1] =	stream.indirect.scatter.add.f32 [tilespmem:s14], [sflag:$0x5], $0x80, s12, s13, $0xb8;
	[tilespmem:$0x1F500] =	vst v63  }
0x2a: {  	_ =	swait.ge [sflag:s9], $0x4000  }
0x2b: {  	[sflag:s9] =	ssyncset.done $0x0  }
0x2c: {  	s0 =	sadd.s32 $0xFFFFFFF0, s18;
	[sflag:s9] =	ssyncadd.s32 $0xFFFFC000  }
0x2d: {  	[tilespmem:s12], [sflag:$0x3] =	stream.linear.gather [hbm4b:s0+s2], $0x80, $0x38;
	[tilespmem:$0x1F500] =	vst v63  }
0x2e: {  	s0 =	simm.s32 $0x100  }
0x2f: {  	[tilespmem:s14], [sflag:$0x1] =	stream.indirect.gather [hbm4b:s4+s13], $0x80, s0, s13, $0xb8;
	[tilespmem:$0x1F500] =	vst v63  }
0x30: {  	_ =	swait.ge [sflag:s21], $0x4000  }
0x31: {  	[sflag:s21] =	ssyncset.done $0x0  }
0x32: {  	[sflag:s21] =	ssyncadd.s32 $0xFFFFC000  }
0x33: {  	_ =	swait.ge [sflag:s22], $0x80  }
0x34: {  	[sflag:s22] =	ssyncset.done $0x0  }
0x35: {  	p1 =	sne.s32 s6, $0x1;
	[sflag:s22] =	ssyncadd.s32 $0xFFFFFF80  }
0x36: {  	[spmem:s1] =	stream.indirect.scatter.add.f32 [tilespmem:s17], [sflag:$0x5], $0x80, s16, s13, $0xb8;
	[tilespmem:$0x1F500] =	vst v63  }
.Ltmp0:
0x37: {  	_ = 	snop;
	(pc) =	sbr.rel @!p1 .LBB2_3-.Ltmp0, $4  }
0x38: {  	s31 =	simm.s32 $0x180;
	_ =	swait.ge [sflag:s9], $0x4000  }
0x39: {  	s29 =	simm.s32 $0x1;
	s28 =	sadd.s32 $0x20, s18;
	[sflag:s9] =	ssyncset.done $0x0  }
0x3a: {  	s30 =	simm.s32 $0x180;
	s26 =	simm.s32 $0x280;
	[sflag:s9] =	ssyncadd.s32 $0xFFFFC000  }
0x3b: {  	[tilespmem:s16], [sflag:$0x4] =	stream.linear.gather [hbm4b:s18+s2], $0x80, $0x38;
	[tilespmem:$0x1F500] =	vst v63  }
.LBB2_2:
0x3c: {  	s30 =	smov.u32 s26  }
0x3d: {  	[tilespmem:s17], [sflag:$0x2] =	stream.indirect.gather [hbm4b:s4+s13], $0x80, s31, s13, $0xb8;
	[tilespmem:$0x1F500] =	vst v63  }
0x3e: {  	s29 =	sadd.s32 $0x1, s29;
	s31 =	smov.u32 s26;
	_ =	swait.ge [sflag:s19], $0x4000  }
0x3f: {  	p1 =	sne.s32 s6, s29;
	[sflag:s19] =	ssyncset.done $0x0  }
0x40: {  	[sflag:s19] =	ssyncadd.s32 $0xFFFFC000  }
0x41: {  	_ =	swait.ge [sflag:s20], $0x80  }
0x42: {  	[sflag:s20] =	ssyncset.done $0x0  }
0x43: {  	[sflag:s20] =	ssyncadd.s32 $0xFFFFFF80  }
0x44: {  	[spmem:s1] =	stream.indirect.scatter.add.f32 [tilespmem:s14], [sflag:$0x5], $0x80, s12, s13, $0xb8;
	[tilespmem:$0x1F500] =	vst v63  }
0x45: {  	_ =	swait.ge [sflag:s9], $0x4000  }
0x46: {  	[sflag:s9] =	ssyncset.done $0x0  }
0x47: {  	s0 =	sadd.s32 $0xFFFFFFF0, s28;
	[sflag:s9] =	ssyncadd.s32 $0xFFFFC000  }
0x48: {  	[tilespmem:s12], [sflag:$0x3] =	stream.linear.gather [hbm4b:s0+s2], $0x80, $0x38;
	[tilespmem:$0x1F500] =	vst v63  }
0x49: {  	s0 =	sadd.s32 $0xFFFFFF80, s26  }
0x4a: {  	[tilespmem:s14], [sflag:$0x1] =	stream.indirect.gather [hbm4b:s4+s13], $0x80, s0, s13, $0xb8;
	[tilespmem:$0x1F500] =	vst v63  }
0x4b: {  	_ =	swait.ge [sflag:s21], $0x4000  }
0x4c: {  	[sflag:s21] =	ssyncset.done $0x0  }
0x4d: {  	[sflag:s21] =	ssyncadd.s32 $0xFFFFC000  }
0x4e: {  	_ =	swait.ge [sflag:s22], $0x80  }
0x4f: {  	[sflag:s22] =	ssyncset.done $0x0  }
0x50: {  	[sflag:s22] =	ssyncadd.s32 $0xFFFFFF80  }
0x51: {  	[spmem:s1] =	stream.indirect.scatter.add.f32 [tilespmem:s17], [sflag:$0x5], $0x80, s16, s13, $0xb8;
	[tilespmem:$0x1F500] =	vst v63  }
.Ltmp1:
0x52: {  	_ =	swait.ge [sflag:s9], $0x4000;
	(pc) =	sbr.rel @p1 .LBB2_2-.Ltmp1, $4  }
0x53: {  	[sflag:s9] =	ssyncset.done $0x0  }
0x54: {  	[sflag:s9] =	ssyncadd.s32 $0xFFFFC000  }
0x55: {  	[tilespmem:s16], [sflag:$0x4] =	stream.linear.gather [hbm4b:s28+s2], $0x80, $0x38;
	[tilespmem:$0x1F500] =	vst v63  }
0x56: {  	s26 =	sadd.s32 $0x100, s26;
	s28 =	sadd.s32 $0x20, s28  }
.LBB2_3:
0x57: {  	[tilespmem:s17], [sflag:$0x2] =	stream.indirect.gather [hbm4b:s4+s13], $0x80, s31, s13, $0xb8;
	[tilespmem:$0x1F500] =	vst v63  }
0x58: {  	_ =	swait.ge [sflag:s19], $0x4000  }
0x59: {  	[sflag:s19] =	ssyncset.done $0x0  }
0x5a: {  	[sflag:s19] =	ssyncadd.s32 $0xFFFFC000  }
0x5b: {  	_ =	swait.ge [sflag:s20], $0x80  }
0x5c: {  	[sflag:s20] =	ssyncset.done $0x0  }
0x5d: {  	[sflag:s20] =	ssyncadd.s32 $0xFFFFFF80  }
0x5e: {  	[spmem:s1] =	stream.indirect.scatter.add.f32 [tilespmem:s14], [sflag:$0x5], $0x80, s12, s13, $0xb8;
	[tilespmem:$0x1F500] =	vst v63  }
0x5f: {  	_ =	swait.ge [sflag:s9], $0x4000  }
0x60: {  	[sflag:s9] =	ssyncset.done $0x0  }
0x61: {  	s0 =	sadd.s32 $0xFFFFFFF0, s28;
	[sflag:s9] =	ssyncadd.s32 $0xFFFFC000  }
0x62: {  	[tilespmem:s12], [sflag:$0x3] =	stream.linear.gather [hbm4b:s0+s2], $0x80, $0x38;
	[tilespmem:$0x1F500] =	vst v63  }
0x63: {  	s30 =	sadd.s32 $0x80, s30  }
0x64: {  	[tilespmem:s14], [sflag:$0x1] =	stream.indirect.gather [hbm4b:s4+s13], $0x80, s30, s13, $0xb8;
	[tilespmem:$0x1F500] =	vst v63  }
0x65: {  	_ =	swait.ge [sflag:s21], $0x4000  }
0x66: {  	[sflag:s21] =	ssyncset.done $0x0  }
0x67: {  	[sflag:s21] =	ssyncadd.s32 $0xFFFFC000  }
0x68: {  	_ =	swait.ge [sflag:s22], $0x80  }
0x69: {  	[sflag:s22] =	ssyncset.done $0x0  }
0x6a: {  	[sflag:s22] =	ssyncadd.s32 $0xFFFFFF80  }
0x6b: {  	[spmem:s1] =	stream.indirect.scatter.add.f32 [tilespmem:s17], [sflag:$0x5], $0x80, s16, s13, $0xb8;
	[tilespmem:$0x1F500] =	vst v63  }
0x6c: {  	_ =	swait.ge [sflag:s9], $0x4000  }
0x6d: {  	p1 =	sge.u32 s29, s6;
	[sflag:s9] =	ssyncset.done $0x0  }
0x6e: {  	s29 =	simm.s32 @!p1 $0x3480;
	s0 =	simm.s32 @!p1 $0x0;
	[sflag:s9] =	ssyncadd.s32 $0xFFFFC000  }
0x6f: {  	[tilespmem:s29], [sflag:$0x4] =	stream.linear.gather @!p1 [hbm4b:s28+s0], $0x80, $0x38;
	[tilespmem:$0x1F500] =	vst v63  }
0x70: {  	s0 =	simm.s32 @!p1 $0x80;
	s28 =	simm.s32 @!p1 $0x7500  }
0x71: {  	[tilespmem:s28], [sflag:$0x2] =	stream.indirect.gather @!p1 [hbm4b:s4+s0], $0x80, s26, s0, $0xb8;
	[tilespmem:$0x1F500] =	vst v63  }
0x72: {  	_ =	swait.ge [sflag:s19], $0x4000  }
0x73: {  	[sflag:s19] =	ssyncset.done $0x0  }
0x74: {  	[sflag:s19] =	ssyncadd.s32 $0xFFFFC000  }
0x75: {  	_ =	swait.ge [sflag:s20], $0x80  }
0x76: {  	[sflag:s20] =	ssyncset.done $0x0  }
0x77: {  	[sflag:s20] =	ssyncadd.s32 $0xFFFFFF80  }
0x78: {  	[spmem:s1] =	stream.indirect.scatter.add.f32 [tilespmem:s14], [sflag:$0x5], $0x80, s12, s13, $0xb8;
	[tilespmem:$0x1F500] =	vst v63  }
0x79: {  	_ =	swait.ge [sflag:s9], $0x4000  }
0x7a: {  	s25 =	sadd.s32 $0x1, s25;
	[sflag:s9] =	ssyncset.done $0x0  }
0x7b: {  	s31 =	sshll.u32 s3, $0x6;
	p1 =	sne.s32 s25, s8;
	[sflag:s9] =	ssyncadd.s32 $0xFFFFC000  }
.Ltmp2:
0x7c: {  	s0 =	sor.u32 $0x1C05, s31;
	[bflag:$0x0] =	sbarrier.arrive $0xFFFF;
	(pc) =	sbr.rel @p1 .LBB2_1-.Ltmp2, $4  }
0x7d: {  	[hbm:s23], [sflag:s0] =	dma.local [spmem:s24], $0x2800  }
0x7e: {  	_ =	swait.ge [sflag:s9], $0x2800  }
0x7f: {  	[sflag:s9] =	ssyncset.done $0x0  }
0x80: {  	[sflag:s9] =	ssyncadd.s32 $0xFFFFD800  }
0x81: {  	_ =	sfence.sel $0x180000  }
0x82: {  	[bflag:$0x0] =	sbarrier.arrive $0xFFFF  }
0x83: {  	_ =	strace $0x90000047  }
0x84: {  	[bflag:$0x2] =	sbarrier.arrive $0xFFFF  }
0x85: {  	s0 =	rddreg [dreg:$0x2]  }
0x86: {  	s0 =	sadd.s32 @!p0 $0x100000, s0  }
0x87: {  	[sflag:s0] =	ssyncadd.tile.s32 @!p0 $0x1;
	_ =	shalt  }
.Lfunc_end2:
_tile_overlayer_lowered:
.L_overlay_start_2:
0x88: {  	(tag) =	ssettag $0x2  }
0x89: {  	s0 =	rddreg [dreg:$0x0];
	s2 =	stileid.u32  }
0x8a: {  	s1 =	rddreg [dreg:$0x1];
	p0 =	sne.s32 s2, $0x0  }
0x8b: {  	s3 =	rddreg [dreg:$0x2];
	[bflag:$0x3] =	sbarrier.arrive $0xFFFF;
	s2 =	simm.s32 @!p0 $0x1C05  }
0x8c: {  	[timem:s3], [sflag:s2] =	dma.local @!p0 [hbm:s0], s1  }
0x8d: {  	s0 =	simm.s32 @!p0 $0x5  }
0x8e: {  	_ =	swait.ge @!p0 [sflag:s0], s1  }
0x8f: {  	s1 =	ssub.s32 @!p0 $0x0, s1;
	[sflag:s0] =	ssyncset.done @!p0 $0x0  }
0x90: {  	[sflag:s0] =	ssyncadd.s32 @!p0 s1  }
0x91: {  	[bflag:$0x3] =	sbarrier.arrive $0xFFFF  }
0x92: {  	_ =	shalt  }

</sc_bundles>
